<compile_context>
chip_gen: v7x
topology: tpu7x:2x2x1
jax: 0.10.2.dev20260603
libtpu: 0.0.44.dev20260713+nightly
codegen_flags: <defaults>
</compile_context>

<pallas_src>
import jax
import jax.numpy as jnp
from jax import lax
from jax.experimental import pallas as pl
from jax.experimental.pallas import tpu as pltpu
from jax.experimental.pallas import tpu_sc as plsc

B = 1024
N_VERTS = 5023
N_FACES = 9976
N_LMK = 105
L = 16
NC = 2
NS = 16
NW = NC * NS
LPAD = 112
NB = 14
NU = 3 * NB


def _body(vt_hbm, trist_hbm, fidx_hbm, baryt_hbm, out_hbm,
          fidx_v, tbuf, bbuf, tblA, tblB,
          gbA, gbB, obA, obB,
          tsem, gsemA, gsemB, osemA, osemB):
    wid = lax.axis_index("s") * NC + lax.axis_index("c")

    iota = lax.iota(jnp.int32, L)

    uA = wid
    uB = wid + NW
    has_b = wid < NU - NW

    tcopy = pltpu.async_copy(trist_hbm, tbuf, tsem)
    for g in range(8):
        fidx_v[pl.ds(g * L, L)] = jnp.zeros((L,), jnp.int32)
    pltpu.sync_copy(fidx_hbm, fidx_v.at[pl.ds(0, N_LMK)])
    pltpu.sync_copy(baryt_hbm, bbuf)
    tcopy.wait()

    def build_tbl(u, tbl):
        lb = lax.rem(u, NB)
        faces = plsc.load_gather(fidx_v, [8 * lb + lax.rem(iota, 8)])
        tbl[pl.ds(0, L)] = plsc.load_gather(tbuf, [iota // 8, faces])
        tbl[pl.ds(L, L)] = plsc.load_gather(
            tbuf, [jnp.full((L,), 2, jnp.int32), faces])

    def fire_gather(u, tbl, gb, gsem):
        c = u // NB
        pltpu.async_copy(vt_hbm.at[c].at[tbl.at[pl.ds(0, 24)]], gb, gsem)

    def drain_gather(u, tbl, gb, gsem):
        c = u // NB
        pltpu.make_async_copy(vt_hbm.at[c].at[tbl.at[pl.ds(0, 24)]], gb,
                              gsem).wait()

    def compute(u, gb, ob):
        lb = lax.rem(u, NB)
        lidx = 8 * lb + iota
        wv = [plsc.load_gather(bbuf, [jnp.full((L,), k, jnp.int32), lidx])
              for k in range(3)]
        s0 = [wv[0][dl] for dl in range(8)]
        s1 = [wv[1][dl] for dl in range(8)]
        s2 = [wv[2][dl] for dl in range(8)]

        @plsc.parallel_loop(0, B // L, unroll=4)
        def chunk(t):
            sl = pl.ds(t * L, L)
            for dl in range(8):
                acc = gb[dl, sl] * s0[dl]
                acc += gb[8 + dl, sl] * s1[dl]
                acc += gb[16 + dl, sl] * s2[dl]
                ob[dl, sl] = acc

    def fire_out(u, ob, osem):
        c = u // NB
        lb = lax.rem(u, NB)
        off = pl.multiple_of(8 * lb, 8)
        pltpu.async_copy(ob, out_hbm.at[c].at[pl.ds(off, 8)], osem)

    def drain_out(u, ob, osem):
        c = u // NB
        lb = lax.rem(u, NB)
        off = pl.multiple_of(8 * lb, 8)
        pltpu.make_async_copy(ob, out_hbm.at[c].at[pl.ds(off, 8)],
                              osem).wait()

    build_tbl(uA, tblA)
    fire_gather(uA, tblA, gbA, gsemA)

    @pl.when(has_b)
    def _():
        build_tbl(uB, tblB)
        fire_gather(uB, tblB, gbB, gsemB)

    drain_gather(uA, tblA, gbA, gsemA)
    compute(uA, gbA, obA)
    fire_out(uA, obA, osemA)

    @pl.when(has_b)
    def _():
        drain_gather(uB, tblB, gbB, gsemB)
        compute(uB, gbB, obB)
        fire_out(uB, obB, osemB)

    drain_out(uA, obA, osemA)

    @pl.when(has_b)
    def _():
        drain_out(uB, obB, osemB)


@jax.jit
def _lmk_sc(vt, trist, lmk_faces_idx, baryt):
    mesh = plsc.VectorSubcoreMesh(core_axis_name="c", subcore_axis_name="s",
                                  num_cores=NC, num_subcores=NS)
    return pl.kernel(
        _body,
        out_type=jax.ShapeDtypeStruct((3, LPAD, B), jnp.float32),
        mesh=mesh,
        compiler_params=pltpu.CompilerParams(needs_layout_passes=False,
                                             use_tc_tiling_on_sc=True),
        scratch_types=[
            pltpu.VMEM((8 * L,), jnp.int32),
            pltpu.VMEM((3, N_FACES), jnp.int32),
            pltpu.VMEM((3, N_LMK), jnp.float32),
            pltpu.VMEM((2 * L,), jnp.int32),
            pltpu.VMEM((2 * L,), jnp.int32),
            pltpu.VMEM((24, B), jnp.float32),
            pltpu.VMEM((24, B), jnp.float32),
            pltpu.VMEM((8, B), jnp.float32),
            pltpu.VMEM((8, B), jnp.float32),
            pltpu.SemaphoreType.DMA,
            pltpu.SemaphoreType.DMA,
            pltpu.SemaphoreType.DMA,
            pltpu.SemaphoreType.DMA,
            pltpu.SemaphoreType.DMA,
        ],
    )(vt, trist, lmk_faces_idx, baryt)


def kernel(v, poses, tris, lmk_faces_idx, lmk_bary_coords):
    del poses
    vt = jnp.transpose(v, (2, 1, 0))
    trist = jnp.transpose(tris.astype(jnp.int32), (1, 0))
    baryt = jnp.transpose(lmk_bary_coords.astype(jnp.float32), (1, 0))
    out_t = _lmk_sc(vt, trist, lmk_faces_idx.astype(jnp.int32), baryt)
    return jnp.transpose(out_t, (2, 1, 0))[:, :N_LMK, :]

# --- scband reference (transcript-rebuilt; emitter-appended) ---
"""Pipeline reference for scband-flame-landmark-76098230550750 (READ-ONLY COPY).

The authoritative reference and input builder live on the scoring server;
editing this copy changes nothing except your own understanding.
"""

import jax, jax.numpy as jnp
import numpy as np

B = 1024
N_VERTS = 5023
N_FACES = 9976
N_LMK = 105

def setup_inputs(seed: int = 0) -> dict:
    key = jax.random.key(seed)
    k1, k2, k3, k4, k5 = jax.random.split(key, 5)
    v = jax.random.normal(k1, (B, N_VERTS, 3), dtype=jnp.float32)
    poses = jax.random.normal(k2, (B, 15), dtype=jnp.float32)
    tris = jax.random.randint(k3, (N_FACES, 3), 0, N_VERTS, dtype=jnp.int64)
    lmk_faces_idx = jax.random.randint(k4, (N_LMK,), 0, N_FACES, dtype=jnp.int64)
    bc = jax.random.uniform(k5, (N_LMK, 3), dtype=jnp.float32)
    lmk_bary_coords = bc / jnp.sum(bc, axis=-1, keepdims=True)
    return {"v": v, "poses": poses, "tris": tris, "lmk_faces_idx": lmk_faces_idx, "lmk_bary_coords": lmk_bary_coords}

def reference(v, poses, tris, lmk_faces_idx, lmk_bary_coords):
    # lm_type == 'mp' path: static landmarks only; poses unused.
    batch_size = v.shape[0]
    n_lmk = lmk_faces_idx.shape[0]
    # expand static landmark face indices / bary coords over batch
    lmk_faces_idx_b = jnp.broadcast_to(lmk_faces_idx[None, :], (batch_size, n_lmk))
    lmk_bary_b = jnp.broadcast_to(lmk_bary_coords[None, :, :], (batch_size, n_lmk, 3))
    # gather triangle vertex indices for each landmark face
    lmk_tris = jnp.take(tris, lmk_faces_idx_b.reshape(-1), axis=0).reshape(batch_size, -1, 3)
    # offset into flattened batch of vertices (faithful to torch version)
    offsets = jnp.arange(batch_size, dtype=jnp.int64).reshape(-1, 1, 1) * v.shape[1]
    lmk_tris = lmk_tris + offsets
    flat_v = v.reshape(-1, 3)
    lmk_v = jnp.take(flat_v, lmk_tris.reshape(-1), axis=0).reshape(batch_size, -1, 3, 3)
    lmk = jnp.einsum('blfi,blf->bli', lmk_v, lmk_bary_b)
    return lmk

if False:  # reference __main__ guard neutralized (emitter)
    out = reference(**setup_inputs())
    print(out.shape)

if __name__ == "__main__":
    import jax
    _d = setup_inputs()
    print(jax.jit(kernel)(*tuple(_d.values())))

</pallas_src>

<mosaic_0001>
#map = affine_map<(d0, d1) -> (0, 0, 0)>
#map1 = affine_map<(d0, d1) -> (0, 0)>
#map2 = affine_map<(d0, d1) -> (0)>
module attributes {stable_mosaic.version = 14 : i64} {
  func.func @_body(%arg0: i32, %arg1: i32, %arg2: memref<3x5023x1024xf32, #tpu.memory_space<hbm>>, %arg3: memref<3x9976xi32, #tpu.memory_space<hbm>>, %arg4: memref<105xi32, #tpu.memory_space<hbm>>, %arg5: memref<3x105xf32, #tpu.memory_space<hbm>>, %arg6: memref<3x112x1024xf32, #tpu.memory_space<hbm>>, %arg7: memref<128xi32, #tpu.memory_space<vmem>>, %arg8: memref<3x9976xi32, #tpu.memory_space<vmem>>, %arg9: memref<3x105xf32, #tpu.memory_space<vmem>>, %arg10: memref<32xi32, #tpu.memory_space<vmem>>, %arg11: memref<32xi32, #tpu.memory_space<vmem>>, %arg12: memref<24x1024xf32, #tpu.memory_space<vmem>>, %arg13: memref<24x1024xf32, #tpu.memory_space<vmem>>, %arg14: memref<8x1024xf32, #tpu.memory_space<vmem>>, %arg15: memref<8x1024xf32, #tpu.memory_space<vmem>>, %arg16: memref<!tpu.dma_semaphore, #tpu.memory_space<semaphore_mem>>, %arg17: memref<!tpu.dma_semaphore, #tpu.memory_space<semaphore_mem>>, %arg18: memref<!tpu.dma_semaphore, #tpu.memory_space<semaphore_mem>>, %arg19: memref<!tpu.dma_semaphore, #tpu.memory_space<semaphore_mem>>, %arg20: memref<!tpu.dma_semaphore, #tpu.memory_space<semaphore_mem>>) attributes {dimension_semantics = [#tpu.dimension_semantics<core_parallel>, #tpu.dimension_semantics<subcore_parallel>], iteration_bounds = array<i64: 2, 16>, scalar_prefetch = 0 : i64, scratch_operands = 14 : i64, tpu.core_type = #tpu.core_type<sc_vector_subcore>, window_params = [{transform_indices = #map}, {transform_indices = #map1}, {transform_indices = #map2}, {transform_indices = #map1}, {transform_indices = #map}]} {
    %mul3A = arith.constant 2 : i32
    %mul3A_0 = arith.muli %arg1, %mul3A : i32
    %add3A = arith.addi %mul3A_0, %arg0 : i32
    %iota3A = tpu.iota {dimensions = array<i32: 0>} : vector<16xi32>
    %add3A_1 = arith.constant 32 : i32
    %add3A_2 = arith.addi %add3A, %add3A_1 : i32
    %lt3A = arith.constant 10 : i32
    %lt3A_3 = arith.cmpi slt, %add3A, %lt3A : i32
    tpu.enqueue_dma source(%arg3 : memref<3x9976xi32, #tpu.memory_space<hbm>>) target(%arg8 : memref<3x9976xi32, #tpu.memory_space<vmem>>) target_semaphore(%arg16 : memref<!tpu.dma_semaphore, #tpu.memory_space<semaphore_mem>>)
    %broadcast_in_dim3A = arith.constant 0 : i32
    %broadcast_in_dim3A_4 = vector.broadcast %broadcast_in_dim3A : i32 to vector<16xi32>
    %swap3A = arith.constant 0 : index
    %swap3A_5 = tpu.vector_load %arg7[%swap3A] {strides = array<i32>} : memref<128xi32, #tpu.memory_space<vmem>>, vector<16xi32>,
    tpu.vector_store %arg7[%swap3A], %broadcast_in_dim3A_4 {strides = array<i32>} : memref<128xi32, #tpu.memory_space<vmem>>, vector<16xi32>,
    %broadcast_in_dim3A_6 = arith.constant 0 : i32
    %broadcast_in_dim3A_7 = vector.broadcast %broadcast_in_dim3A_6 : i32 to vector<16xi32>
    %swap3A_8 = arith.constant 16 : index
    %swap3A_9 = tpu.vector_load %arg7[%swap3A_8] {strides = array<i32>} : memref<128xi32, #tpu.memory_space<vmem>>, vector<16xi32>,
    tpu.vector_store %arg7[%swap3A_8], %broadcast_in_dim3A_7 {strides = array<i32>} : memref<128xi32, #tpu.memory_space<vmem>>, vector<16xi32>,
    %broadcast_in_dim3A_10 = arith.constant 0 : i32
    %broadcast_in_dim3A_11 = vector.broadcast %broadcast_in_dim3A_10 : i32 to vector<16xi32>
    %swap3A_12 = arith.constant 32 : index
    %swap3A_13 = tpu.vector_load %arg7[%swap3A_12] {strides = array<i32>} : memref<128xi32, #tpu.memory_space<vmem>>, vector<16xi32>,
    tpu.vector_store %arg7[%swap3A_12], %broadcast_in_dim3A_11 {strides = array<i32>} : memref<128xi32, #tpu.memory_space<vmem>>, vector<16xi32>,
    %broadcast_in_dim3A_14 = arith.constant 0 : i32
    %broadcast_in_dim3A_15 = vector.broadcast %broadcast_in_dim3A_14 : i32 to vector<16xi32>
    %swap3A_16 = arith.constant 48 : index
    %swap3A_17 = tpu.vector_load %arg7[%swap3A_16] {strides = array<i32>} : memref<128xi32, #tpu.memory_space<vmem>>, vector<16xi32>,
    tpu.vector_store %arg7[%swap3A_16], %broadcast_in_dim3A_15 {strides = array<i32>} : memref<128xi32, #tpu.memory_space<vmem>>, vector<16xi32>,
    %broadcast_in_dim3A_18 = arith.constant 0 : i32
    %broadcast_in_dim3A_19 = vector.broadcast %broadcast_in_dim3A_18 : i32 to vector<16xi32>
    %swap3A_20 = arith.constant 64 : index
    %swap3A_21 = tpu.vector_load %arg7[%swap3A_20] {strides = array<i32>} : memref<128xi32, #tpu.memory_space<vmem>>, vector<16xi32>,
    tpu.vector_store %arg7[%swap3A_20], %broadcast_in_dim3A_19 {strides = array<i32>} : memref<128xi32, #tpu.memory_space<vmem>>, vector<16xi32>,
    %broadcast_in_dim3A_22 = arith.constant 0 : i32
    %broadcast_in_dim3A_23 = vector.broadcast %broadcast_in_dim3A_22 : i32 to vector<16xi32>
    %swap3A_24 = arith.constant 80 : index
    %swap3A_25 = tpu.vector_load %arg7[%swap3A_24] {strides = array<i32>} : memref<128xi32, #tpu.memory_space<vmem>>, vector<16xi32>,
    tpu.vector_store %arg7[%swap3A_24], %broadcast_in_dim3A_23 {strides = array<i32>} : memref<128xi32, #tpu.memory_space<vmem>>, vector<16xi32>,
    %broadcast_in_dim3A_26 = arith.constant 0 : i32
    %broadcast_in_dim3A_27 = vector.broadcast %broadcast_in_dim3A_26 : i32 to vector<16xi32>
    %swap3A_28 = arith.constant 96 : index
    %swap3A_29 = tpu.vector_load %arg7[%swap3A_28] {strides = array<i32>} : memref<128xi32, #tpu.memory_space<vmem>>, vector<16xi32>,
    tpu.vector_store %arg7[%swap3A_28], %broadcast_in_dim3A_27 {strides = array<i32>} : memref<128xi32, #tpu.memory_space<vmem>>, vector<16xi32>,
    %broadcast_in_dim3A_30 = arith.constant 0 : i32
    %broadcast_in_dim3A_31 = vector.broadcast %broadcast_in_dim3A_30 : i32 to vector<16xi32>
    %swap3A_32 = arith.constant 112 : index
    %swap3A_33 = tpu.vector_load %arg7[%swap3A_32] {strides = array<i32>} : memref<128xi32, #tpu.memory_space<vmem>>, vector<16xi32>,
    tpu.vector_store %arg7[%swap3A_32], %broadcast_in_dim3A_31 {strides = array<i32>} : memref<128xi32, #tpu.memory_space<vmem>>, vector<16xi32>,
    "tpu.region"() ({
      %run_scoped3A = tpu.sem_alloc : memref<!tpu.dma_semaphore, #tpu.memory_space<semaphore_mem>>
      %dma_start3A_289 = arith.constant 0 : i32
      %dma_start3A_290 = tpu.memref_slice %arg7[%dma_start3A_289] : memref<128xi32, #tpu.memory_space<vmem>> -> memref<105xi32, #tpu.memory_space<vmem>>
      %dma_start3A_291 = arith.constant 0 : i32
      %dma_start3A_292 = tpu.memref_slice %arg7[%dma_start3A_291] : memref<128xi32, #tpu.memory_space<vmem>> -> memref<105xi32, #tpu.memory_space<vmem>>
      tpu.enqueue_dma source(%arg4 : memref<105xi32, #tpu.memory_space<hbm>>) target(%dma_start3A_292 : memref<105xi32, #tpu.memory_space<vmem>>) target_semaphore(%run_scoped3A : memref<!tpu.dma_semaphore, #tpu.memory_space<semaphore_mem>>)
      %dma_wait3A_293 = arith.constant 0 : i32
      %dma_wait3A_294 = tpu.memref_slice %arg7[%dma_wait3A_293] : memref<128xi32, #tpu.memory_space<vmem>> -> memref<105xi32, #tpu.memory_space<vmem>>
      %dma_wait3A_295 = arith.constant 0 : i32
      %dma_wait3A_296 = tpu.memref_slice %arg7[%dma_wait3A_295] : memref<128xi32, #tpu.memory_space<vmem>> -> memref<105xi32, #tpu.memory_space<vmem>>
      tpu.wait_dma2 semaphore(%run_scoped3A : memref<!tpu.dma_semaphore, #tpu.memory_space<semaphore_mem>>) src(%arg4 : memref<105xi32, #tpu.memory_space<hbm>>) dst(%dma_wait3A_296 : memref<105xi32, #tpu.memory_space<vmem>>)
      tpu.yield
    }) : () -> ()
    "tpu.region"() ({
      %run_scoped3A = tpu.sem_alloc : memref<!tpu.dma_semaphore, #tpu.memory_space<semaphore_mem>>
      tpu.enqueue_dma source(%arg5 : memref<3x105xf32, #tpu.memory_space<hbm>>) target(%arg9 : memref<3x105xf32, #tpu.memory_space<vmem>>) target_semaphore(%run_scoped3A : memref<!tpu.dma_semaphore, #tpu.memory_space<semaphore_mem>>)
      tpu.wait_dma2 semaphore(%run_scoped3A : memref<!tpu.dma_semaphore, #tpu.memory_space<semaphore_mem>>) src(%arg5 : memref<3x105xf32, #tpu.memory_space<hbm>>) dst(%arg9 : memref<3x105xf32, #tpu.memory_space<vmem>>)
      tpu.yield
    }) : () -> ()
    tpu.wait_dma2 semaphore(%arg16 : memref<!tpu.dma_semaphore, #tpu.memory_space<semaphore_mem>>) src(%arg3 : memref<3x9976xi32, #tpu.memory_space<hbm>>) dst(%arg8 : memref<3x9976xi32, #tpu.memory_space<vmem>>)
    %rem3A = arith.constant 14 : i32
    %rem3A_34 = arith.remsi %add3A, %rem3A : i32
    %mul3A_35 = arith.constant 8 : i32
    %mul3A_36 = arith.muli %mul3A_35, %rem3A_34 : i32
    %rem3A_37 = arith.constant 8 : i32
    %rem3A_38 = vector.broadcast %rem3A_37 : i32 to vector<16xi32>
    %rem3A_39 = arith.remsi %iota3A, %rem3A_38 : vector<16xi32>
    %add3A_40 = vector.broadcast %mul3A_36 : i32 to vector<16xi32>
    %add3A_41 = arith.addi %add3A_40, %rem3A_39 : vector<16xi32>
    %gather3A = tpu.vector_load_idx %arg7[%add3A_41] : memref<128xi32, #tpu.memory_space<vmem>>[vector<16xi32>], vector<16xi32>,
    %jit3A = arith.constant 8 : i32
    %div3A = vector.broadcast %jit3A : i32 to vector<16xi32>
    %div3A_42 = arith.divsi %iota3A, %div3A : vector<16xi32>
    %sign3A = arith.constant 0 : i32
    %sign3A_43 = vector.broadcast %sign3A : i32 to vector<16xi32>
    %sign3A_44 = arith.cmpi sgt, %iota3A, %sign3A_43 : vector<16xi32>
    %sign3A_45 = arith.extui %sign3A_44 : vector<16xi1> to vector<16xi32>
    %sign3A_46 = arith.constant 0 : i32
    %sign3A_47 = vector.broadcast %sign3A_46 : i32 to vector<16xi32>
    %sign3A_48 = arith.cmpi slt, %iota3A, %sign3A_47 : vector<16xi32>
    %sign3A_49 = arith.extui %sign3A_48 : vector<16xi1> to vector<16xi32>
    %sign3A_50 = arith.subi %sign3A_45, %sign3A_49 : vector<16xi32>
    %sign3A_51 = arith.constant 0 : i32
    %sign3A_52 = arith.cmpi sgt, %jit3A, %sign3A_51 : i32
    %sign3A_53 = arith.extui %sign3A_52 : i1 to i32
    %sign3A_54 = arith.constant 0 : i32
    %sign3A_55 = arith.cmpi slt, %jit3A, %sign3A_54 : i32
    %sign3A_56 = arith.extui %sign3A_55 : i1 to i32
    %sign3A_57 = arith.subi %sign3A_53, %sign3A_56 : i32
    %ne3A = vector.broadcast %sign3A_57 : i32 to vector<16xi32>
    %ne3A_58 = arith.cmpi ne, %sign3A_50, %ne3A : vector<16xi32>
    %rem3A_59 = vector.broadcast %jit3A : i32 to vector<16xi32>
    %rem3A_60 = arith.remsi %iota3A, %rem3A_59 : vector<16xi32>
    %ne3A_61 = arith.constant 0 : i32
    %ne3A_62 = vector.broadcast %ne3A_61 : i32 to vector<16xi32>
    %ne3A_63 = arith.cmpi ne, %rem3A_60, %ne3A_62 : vector<16xi32>
    %and3A = arith.andi %ne3A_58, %ne3A_63 : vector<16xi1>
    %sub3A = arith.constant 1 : i32
    %sub3A_64 = vector.broadcast %sub3A : i32 to vector<16xi32>
    %sub3A_65 = arith.subi %div3A_42, %sub3A_64 : vector<16xi32>
    %select_n3A = arith.select %and3A, %sub3A_65, %div3A_42 : vector<16xi1>, vector<16xi32>
    %gather3A_66 = tpu.vector_load_idx %arg8[%select_n3A, %gather3A] : memref<3x9976xi32, #tpu.memory_space<vmem>>[vector<16xi32>, vector<16xi32>], vector<16xi32>,
    %swap3A_67 = arith.constant 0 : index
    %swap3A_68 = tpu.vector_load %arg10[%swap3A_67] {strides = array<i32>} : memref<32xi32, #tpu.memory_space<vmem>>, vector<16xi32>,
    tpu.vector_store %arg10[%swap3A_67], %gather3A_66 {strides = array<i32>} : memref<32xi32, #tpu.memory_space<vmem>>, vector<16xi32>,
    %broadcast_in_dim3A_69 = arith.constant 2 : i32
    %broadcast_in_dim3A_70 = vector.broadcast %broadcast_in_dim3A_69 : i32 to vector<16xi32>
    %gather3A_71 = tpu.vector_load_idx %arg8[%broadcast_in_dim3A_70, %gather3A] : memref<3x9976xi32, #tpu.memory_space<vmem>>[vector<16xi32>, vector<16xi32>], vector<16xi32>,
    %swap3A_72 = arith.constant 16 : index
    %swap3A_73 = tpu.vector_load %arg10[%swap3A_72] {strides = array<i32>} : memref<32xi32, #tpu.memory_space<vmem>>, vector<16xi32>,
    tpu.vector_store %arg10[%swap3A_72], %gather3A_71 {strides = array<i32>} : memref<32xi32, #tpu.memory_space<vmem>>, vector<16xi32>,
    %jit3A_74 = arith.constant 14 : i32
    %div3A_75 = arith.divsi %add3A, %jit3A_74 : i32
    %sign3A_76 = arith.constant 0 : i32
    %sign3A_77 = arith.cmpi sgt, %add3A, %sign3A_76 : i32
    %sign3A_78 = arith.extui %sign3A_77 : i1 to i32
    %sign3A_79 = arith.constant 0 : i32
    %sign3A_80 = arith.cmpi slt, %add3A, %sign3A_79 : i32
    %sign3A_81 = arith.extui %sign3A_80 : i1 to i32
    %sign3A_82 = arith.subi %sign3A_78, %sign3A_81 : i32
    %sign3A_83 = arith.constant 0 : i32
    %sign3A_84 = arith.cmpi sgt, %jit3A_74, %sign3A_83 : i32
    %sign3A_85 = arith.extui %sign3A_84 : i1 to i32
    %sign3A_86 = arith.constant 0 : i32
    %sign3A_87 = arith.cmpi slt, %jit3A_74, %sign3A_86 : i32
    %sign3A_88 = arith.extui %sign3A_87 : i1 to i32
    %sign3A_89 = arith.subi %sign3A_85, %sign3A_88 : i32
    %ne3A_90 = arith.cmpi ne, %sign3A_82, %sign3A_89 : i32
    %rem3A_91 = arith.remsi %add3A, %jit3A_74 : i32
    %ne3A_92 = arith.constant 0 : i32
    %ne3A_93 = arith.cmpi ne, %rem3A_91, %ne3A_92 : i32
    %and3A_94 = arith.andi %ne3A_90, %ne3A_93 : i1
    %sub3A_95 = arith.constant 1 : i32
    %sub3A_96 = arith.subi %div3A_75, %sub3A_95 : i32
    %select_n3A_97 = arith.select %and3A_94, %sub3A_96, %div3A_75 : i32
    %dma_start3A = arith.constant 0 : i32
    %dma_start3A_98 = tpu.memref_slice %arg10[%dma_start3A] : memref<32xi32, #tpu.memory_space<vmem>> -> memref<24xi32, #tpu.memory_space<vmem>>
    %dma_start3A_99 = arith.constant 0 : i32
    %dma_start3A_100 = arith.constant 0 : i32
    %dma_start3A_101 = tpu.memref_slice %arg2[%select_n3A_97, %dma_start3A_99, %dma_start3A_100] : memref<3x5023x1024xf32, #tpu.memory_space<hbm>> -> memref<1x5023x1024xf32, #tpu.memory_space<hbm>>
    %dma_start3A_102 = tpu.memref_squeeze %dma_start3A_101 : memref<1x5023x1024xf32, #tpu.memory_space<hbm>> -> memref<5023x1024xf32, #tpu.memory_space<hbm>>
    %dma_start3A_103 = arith.constant 0 : i32
    %dma_start3A_104 = arith.constant 0 : i32
    %dma_start3A_105 = tpu.memref_slice %dma_start3A_102[%dma_start3A_103, %dma_start3A_104] : memref<5023x1024xf32, #tpu.memory_space<hbm>> -> memref<5023x1024xf32, #tpu.memory_space<hbm>>
    tpu.enqueue_indirect_dma source(%dma_start3A_105 : memref<5023x1024xf32, #tpu.memory_space<hbm>>) target(%arg12 : memref<24x1024xf32, #tpu.memory_space<vmem>>) offsets(%dma_start3A_98 : memref<24xi32, #tpu.memory_space<vmem>>) semaphore(%arg17 : memref<!tpu.dma_semaphore, #tpu.memory_space<semaphore_mem>>)
    %convert_element_type3A = arith.extui %lt3A_3 : i1 to i32
    %cond3A = arith.constant 0 : i32
    %cond3A_106 = arith.cmpi ne, %convert_element_type3A, %cond3A : i32
    scf.if %cond3A_106 {
      %rem3A_289 = arith.constant 14 : i32
      %rem3A_290 = arith.remsi %add3A_2, %rem3A_289 : i32
      %mul3A_291 = arith.constant 8 : i32
      %mul3A_292 = arith.muli %mul3A_291, %rem3A_290 : i32
      %rem3A_293 = arith.constant 8 : i32
      %rem3A_294 = vector.broadcast %rem3A_293 : i32 to vector<16xi32>
      %rem3A_295 = arith.remsi %iota3A, %rem3A_294 : vector<16xi32>
      %add3A_296 = vector.broadcast %mul3A_292 : i32 to vector<16xi32>
      %add3A_297 = arith.addi %add3A_296, %rem3A_295 : vector<16xi32>
      %gather3A_298 = tpu.vector_load_idx %arg7[%add3A_297] : memref<128xi32, #tpu.memory_space<vmem>>[vector<16xi32>], vector<16xi32>,
      %jit3A_299 = arith.constant 8 : i32
      %div3A_300 = vector.broadcast %jit3A_299 : i32 to vector<16xi32>
      %div3A_301 = arith.divsi %iota3A, %div3A_300 : vector<16xi32>
      %sign3A_302 = arith.constant 0 : i32
      %sign3A_303 = vector.broadcast %sign3A_302 : i32 to vector<16xi32>
      %sign3A_304 = arith.cmpi sgt, %iota3A, %sign3A_303 : vector<16xi32>
      %sign3A_305 = arith.extui %sign3A_304 : vector<16xi1> to vector<16xi32>
      %sign3A_306 = arith.constant 0 : i32
      %sign3A_307 = vector.broadcast %sign3A_306 : i32 to vector<16xi32>
      %sign3A_308 = arith.cmpi slt, %iota3A, %sign3A_307 : vector<16xi32>
      %sign3A_309 = arith.extui %sign3A_308 : vector<16xi1> to vector<16xi32>
      %sign3A_310 = arith.subi %sign3A_305, %sign3A_309 : vector<16xi32>
      %sign3A_311 = arith.constant 0 : i32
      %sign3A_312 = arith.cmpi sgt, %jit3A_299, %sign3A_311 : i32
      %sign3A_313 = arith.extui %sign3A_312 : i1 to i32
      %sign3A_314 = arith.constant 0 : i32
      %sign3A_315 = arith.cmpi slt, %jit3A_299, %sign3A_314 : i32
      %sign3A_316 = arith.extui %sign3A_315 : i1 to i32
      %sign3A_317 = arith.subi %sign3A_313, %sign3A_316 : i32
      %ne3A_318 = vector.broadcast %sign3A_317 : i32 to vector<16xi32>
      %ne3A_319 = arith.cmpi ne, %sign3A_310, %ne3A_318 : vector<16xi32>
      %rem3A_320 = vector.broadcast %jit3A_299 : i32 to vector<16xi32>
      %rem3A_321 = arith.remsi %iota3A, %rem3A_320 : vector<16xi32>
      %ne3A_322 = arith.constant 0 : i32
      %ne3A_323 = vector.broadcast %ne3A_322 : i32 to vector<16xi32>
      %ne3A_324 = arith.cmpi ne, %rem3A_321, %ne3A_323 : vector<16xi32>
      %and3A_325 = arith.andi %ne3A_319, %ne3A_324 : vector<16xi1>
      %sub3A_326 = arith.constant 1 : i32
      %sub3A_327 = vector.broadcast %sub3A_326 : i32 to vector<16xi32>
      %sub3A_328 = arith.subi %div3A_301, %sub3A_327 : vector<16xi32>
      %select_n3A_329 = arith.select %and3A_325, %sub3A_328, %div3A_301 : vector<16xi1>, vector<16xi32>
      %gather3A_330 = tpu.vector_load_idx %arg8[%select_n3A_329, %gather3A_298] : memref<3x9976xi32, #tpu.memory_space<vmem>>[vector<16xi32>, vector<16xi32>], vector<16xi32>,
      %swap3A_331 = arith.constant 0 : index
      %swap3A_332 = tpu.vector_load %arg11[%swap3A_331] {strides = array<i32>} : memref<32xi32, #tpu.memory_space<vmem>>, vector<16xi32>,
      tpu.vector_store %arg11[%swap3A_331], %gather3A_330 {strides = array<i32>} : memref<32xi32, #tpu.memory_space<vmem>>, vector<16xi32>,
      %broadcast_in_dim3A_333 = arith.constant 2 : i32
      %broadcast_in_dim3A_334 = vector.broadcast %broadcast_in_dim3A_333 : i32 to vector<16xi32>
      %gather3A_335 = tpu.vector_load_idx %arg8[%broadcast_in_dim3A_334, %gather3A_298] : memref<3x9976xi32, #tpu.memory_space<vmem>>[vector<16xi32>, vector<16xi32>], vector<16xi32>,
      %swap3A_336 = arith.constant 16 : index
      %swap3A_337 = tpu.vector_load %arg11[%swap3A_336] {strides = array<i32>} : memref<32xi32, #tpu.memory_space<vmem>>, vector<16xi32>,
      tpu.vector_store %arg11[%swap3A_336], %gather3A_335 {strides = array<i32>} : memref<32xi32, #tpu.memory_space<vmem>>, vector<16xi32>,
      %jit3A_338 = arith.constant 14 : i32
      %div3A_339 = arith.divsi %add3A_2, %jit3A_338 : i32
      %sign3A_340 = arith.constant 0 : i32
      %sign3A_341 = arith.cmpi sgt, %add3A_2, %sign3A_340 : i32
      %sign3A_342 = arith.extui %sign3A_341 : i1 to i32
      %sign3A_343 = arith.constant 0 : i32
      %sign3A_344 = arith.cmpi slt, %add3A_2, %sign3A_343 : i32
      %sign3A_345 = arith.extui %sign3A_344 : i1 to i32
      %sign3A_346 = arith.subi %sign3A_342, %sign3A_345 : i32
      %sign3A_347 = arith.constant 0 : i32
      %sign3A_348 = arith.cmpi sgt, %jit3A_338, %sign3A_347 : i32
      %sign3A_349 = arith.extui %sign3A_348 : i1 to i32
      %sign3A_350 = arith.constant 0 : i32
      %sign3A_351 = arith.cmpi slt, %jit3A_338, %sign3A_350 : i32
      %sign3A_352 = arith.extui %sign3A_351 : i1 to i32
      %sign3A_353 = arith.subi %sign3A_349, %sign3A_352 : i32
      %ne3A_354 = arith.cmpi ne, %sign3A_346, %sign3A_353 : i32
      %rem3A_355 = arith.remsi %add3A_2, %jit3A_338 : i32
      %ne3A_356 = arith.constant 0 : i32
      %ne3A_357 = arith.cmpi ne, %rem3A_355, %ne3A_356 : i32
      %and3A_358 = arith.andi %ne3A_354, %ne3A_357 : i1
      %sub3A_359 = arith.constant 1 : i32
      %sub3A_360 = arith.subi %div3A_339, %sub3A_359 : i32
      %select_n3A_361 = arith.select %and3A_358, %sub3A_360, %div3A_339 : i32
      %dma_start3A_362 = arith.constant 0 : i32
      %dma_start3A_363 = tpu.memref_slice %arg11[%dma_start3A_362] : memref<32xi32, #tpu.memory_space<vmem>> -> memref<24xi32, #tpu.memory_space<vmem>>
      %dma_start3A_364 = arith.constant 0 : i32
      %dma_start3A_365 = arith.constant 0 : i32
      %dma_start3A_366 = tpu.memref_slice %arg2[%select_n3A_361, %dma_start3A_364, %dma_start3A_365] : memref<3x5023x1024xf32, #tpu.memory_space<hbm>> -> memref<1x5023x1024xf32, #tpu.memory_space<hbm>>
      %dma_start3A_367 = tpu.memref_squeeze %dma_start3A_366 : memref<1x5023x1024xf32, #tpu.memory_space<hbm>> -> memref<5023x1024xf32, #tpu.memory_space<hbm>>
      %dma_start3A_368 = arith.constant 0 : i32
      %dma_start3A_369 = arith.constant 0 : i32
      %dma_start3A_370 = tpu.memref_slice %dma_start3A_367[%dma_start3A_368, %dma_start3A_369] : memref<5023x1024xf32, #tpu.memory_space<hbm>> -> memref<5023x1024xf32, #tpu.memory_space<hbm>>
      tpu.enqueue_indirect_dma source(%dma_start3A_370 : memref<5023x1024xf32, #tpu.memory_space<hbm>>) target(%arg13 : memref<24x1024xf32, #tpu.memory_space<vmem>>) offsets(%dma_start3A_363 : memref<24xi32, #tpu.memory_space<vmem>>) semaphore(%arg18 : memref<!tpu.dma_semaphore, #tpu.memory_space<semaphore_mem>>)
    } else {
    }
    %jit3A_107 = arith.constant 14 : i32
    %div3A_108 = arith.divsi %add3A, %jit3A_107 : i32
    %sign3A_109 = arith.constant 0 : i32
    %sign3A_110 = arith.cmpi sgt, %add3A, %sign3A_109 : i32
    %sign3A_111 = arith.extui %sign3A_110 : i1 to i32
    %sign3A_112 = arith.constant 0 : i32
    %sign3A_113 = arith.cmpi slt, %add3A, %sign3A_112 : i32
    %sign3A_114 = arith.extui %sign3A_113 : i1 to i32
    %sign3A_115 = arith.subi %sign3A_111, %sign3A_114 : i32
    %sign3A_116 = arith.constant 0 : i32
    %sign3A_117 = arith.cmpi sgt, %jit3A_107, %sign3A_116 : i32
    %sign3A_118 = arith.extui %sign3A_117 : i1 to i32
    %sign3A_119 = arith.constant 0 : i32
    %sign3A_120 = arith.cmpi slt, %jit3A_107, %sign3A_119 : i32
    %sign3A_121 = arith.extui %sign3A_120 : i1 to i32
    %sign3A_122 = arith.subi %sign3A_118, %sign3A_121 : i32
    %ne3A_123 = arith.cmpi ne, %sign3A_115, %sign3A_122 : i32
    %rem3A_124 = arith.remsi %add3A, %jit3A_107 : i32
    %ne3A_125 = arith.constant 0 : i32
    %ne3A_126 = arith.cmpi ne, %rem3A_124, %ne3A_125 : i32
    %and3A_127 = arith.andi %ne3A_123, %ne3A_126 : i1
    %sub3A_128 = arith.constant 1 : i32
    %sub3A_129 = arith.subi %div3A_108, %sub3A_128 : i32
    %select_n3A_130 = arith.select %and3A_127, %sub3A_129, %div3A_108 : i32
    %dma_wait3A = arith.constant 0 : i32
    %dma_wait3A_131 = tpu.memref_slice %arg10[%dma_wait3A] : memref<32xi32, #tpu.memory_space<vmem>> -> memref<24xi32, #tpu.memory_space<vmem>>
    %dma_wait3A_132 = arith.constant 0 : i32
    %dma_wait3A_133 = arith.constant 0 : i32
    %dma_wait3A_134 = tpu.memref_slice %arg2[%select_n3A_130, %dma_wait3A_132, %dma_wait3A_133] : memref<3x5023x1024xf32, #tpu.memory_space<hbm>> -> memref<1x5023x1024xf32, #tpu.memory_space<hbm>>
    %dma_wait3A_135 = tpu.memref_squeeze %dma_wait3A_134 : memref<1x5023x1024xf32, #tpu.memory_space<hbm>> -> memref<5023x1024xf32, #tpu.memory_space<hbm>>
    %dma_wait3A_136 = arith.constant 0 : i32
    %dma_wait3A_137 = arith.constant 0 : i32
    %dma_wait3A_138 = tpu.memref_slice %dma_wait3A_135[%dma_wait3A_136, %dma_wait3A_137] : memref<5023x1024xf32, #tpu.memory_space<hbm>> -> memref<5023x1024xf32, #tpu.memory_space<hbm>>
    tpu.wait_indirect_dma semaphore(%arg17 : memref<!tpu.dma_semaphore, #tpu.memory_space<semaphore_mem>>) src(%dma_wait3A_138 : memref<5023x1024xf32, #tpu.memory_space<hbm>>) dst(%arg12 : memref<24x1024xf32, #tpu.memory_space<vmem>>)
    %rem3A_139 = arith.constant 14 : i32
    %rem3A_140 = arith.remsi %add3A, %rem3A_139 : i32
    %mul3A_141 = arith.constant 8 : i32
    %mul3A_142 = arith.muli %mul3A_141, %rem3A_140 : i32
    %add3A_143 = vector.broadcast %mul3A_142 : i32 to vector<16xi32>
    %add3A_144 = arith.addi %add3A_143, %iota3A : vector<16xi32>
    %broadcast_in_dim3A_145 = arith.constant 0 : i32
    %broadcast_in_dim3A_146 = vector.broadcast %broadcast_in_dim3A_145 : i32 to vector<16xi32>
    %gather3A_147 = tpu.vector_load_idx %arg9[%broadcast_in_dim3A_146, %add3A_144] : memref<3x105xf32, #tpu.memory_space<vmem>>[vector<16xi32>, vector<16xi32>], vector<16xf32>,
    %broadcast_in_dim3A_148 = arith.constant 1 : i32
    %broadcast_in_dim3A_149 = vector.broadcast %broadcast_in_dim3A_148 : i32 to vector<16xi32>
    %gather3A_150 = tpu.vector_load_idx %arg9[%broadcast_in_dim3A_149, %add3A_144] : memref<3x105xf32, #tpu.memory_space<vmem>>[vector<16xi32>, vector<16xi32>], vector<16xf32>,
    %broadcast_in_dim3A_151 = arith.constant 2 : i32
    %broadcast_in_dim3A_152 = vector.broadcast %broadcast_in_dim3A_151 : i32 to vector<16xi32>
    %gather3A_153 = tpu.vector_load_idx %arg9[%broadcast_in_dim3A_152, %add3A_144] : memref<3x105xf32, #tpu.memory_space<vmem>>[vector<16xi32>, vector<16xi32>], vector<16xf32>,
    %slice3A = vector.extract_strided_slice %gather3A_147 {offsets = [0], sizes = [1], strides = [1]} : vector<16xf32> to vector<1xf32>
    %squeeze3A = vector.extract %slice3A[0] : f32 from vector<1xf32>
    %slice3A_154 = vector.extract_strided_slice %gather3A_147 {offsets = [1], sizes = [1], strides = [1]} : vector<16xf32> to vector<1xf32>
    %squeeze3A_155 = vector.extract %slice3A_154[0] : f32 from vector<1xf32>
    %slice3A_156 = vector.extract_strided_slice %gather3A_147 {offsets = [2], sizes = [1], strides = [1]} : vector<16xf32> to vector<1xf32>
    %squeeze3A_157 = vector.extract %slice3A_156[0] : f32 from vector<1xf32>
    %slice3A_158 = vector.extract_strided_slice %gather3A_147 {offsets = [3], sizes = [1], strides = [1]} : vector<16xf32> to vector<1xf32>
    %squeeze3A_159 = vector.extract %slice3A_158[0] : f32 from vector<1xf32>
    %slice3A_160 = vector.extract_strided_slice %gather3A_147 {offsets = [4], sizes = [1], strides = [1]} : vector<16xf32> to vector<1xf32>
    %squeeze3A_161 = vector.extract %slice3A_160[0] : f32 from vector<1xf32>
    %slice3A_162 = vector.extract_strided_slice %gather3A_147 {offsets = [5], sizes = [1], strides = [1]} : vector<16xf32> to vector<1xf32>
    %squeeze3A_163 = vector.extract %slice3A_162[0] : f32 from vector<1xf32>
    %slice3A_164 = vector.extract_strided_slice %gather3A_147 {offsets = [6], sizes = [1], strides = [1]} : vector<16xf32> to vector<1xf32>
    %squeeze3A_165 = vector.extract %slice3A_164[0] : f32 from vector<1xf32>
    %slice3A_166 = vector.extract_strided_slice %gather3A_147 {offsets = [7], sizes = [1], strides = [1]} : vector<16xf32> to vector<1xf32>
    %squeeze3A_167 = vector.extract %slice3A_166[0] : f32 from vector<1xf32>
    %slice3A_168 = vector.extract_strided_slice %gather3A_150 {offsets = [0], sizes = [1], strides = [1]} : vector<16xf32> to vector<1xf32>
    %squeeze3A_169 = vector.extract %slice3A_168[0] : f32 from vector<1xf32>
    %slice3A_170 = vector.extract_strided_slice %gather3A_150 {offsets = [1], sizes = [1], strides = [1]} : vector<16xf32> to vector<1xf32>
    %squeeze3A_171 = vector.extract %slice3A_170[0] : f32 from vector<1xf32>
    %slice3A_172 = vector.extract_strided_slice %gather3A_150 {offsets = [2], sizes = [1], strides = [1]} : vector<16xf32> to vector<1xf32>
    %squeeze3A_173 = vector.extract %slice3A_172[0] : f32 from vector<1xf32>
    %slice3A_174 = vector.extract_strided_slice %gather3A_150 {offsets = [3], sizes = [1], strides = [1]} : vector<16xf32> to vector<1xf32>
    %squeeze3A_175 = vector.extract %slice3A_174[0] : f32 from vector<1xf32>
    %slice3A_176 = vector.extract_strided_slice %gather3A_150 {offsets = [4], sizes = [1], strides = [1]} : vector<16xf32> to vector<1xf32>
    %squeeze3A_177 = vector.extract %slice3A_176[0] : f32 from vector<1xf32>
    %slice3A_178 = vector.extract_strided_slice %gather3A_150 {offsets = [5], sizes = [1], strides = [1]} : vector<16xf32> to vector<1xf32>
    %squeeze3A_179 = vector.extract %slice3A_178[0] : f32 from vector<1xf32>
    %slice3A_180 = vector.extract_strided_slice %gather3A_150 {offsets = [6], sizes = [1], strides = [1]} : vector<16xf32> to vector<1xf32>
    %squeeze3A_181 = vector.extract %slice3A_180[0] : f32 from vector<1xf32>
    %slice3A_182 = vector.extract_strided_slice %gather3A_150 {offsets = [7], sizes = [1], strides = [1]} : vector<16xf32> to vector<1xf32>
    %squeeze3A_183 = vector.extract %slice3A_182[0] : f32 from vector<1xf32>
    %slice3A_184 = vector.extract_strided_slice %gather3A_153 {offsets = [0], sizes = [1], strides = [1]} : vector<16xf32> to vector<1xf32>
    %squeeze3A_185 = vector.extract %slice3A_184[0] : f32 from vector<1xf32>
    %slice3A_186 = vector.extract_strided_slice %gather3A_153 {offsets = [1], sizes = [1], strides = [1]} : vector<16xf32> to vector<1xf32>
    %squeeze3A_187 = vector.extract %slice3A_186[0] : f32 from vector<1xf32>
    %slice3A_188 = vector.extract_strided_slice %gather3A_153 {offsets = [2], sizes = [1], strides = [1]} : vector<16xf32> to vector<1xf32>
    %squeeze3A_189 = vector.extract %slice3A_188[0] : f32 from vector<1xf32>
    %slice3A_190 = vector.extract_strided_slice %gather3A_153 {offsets = [3], sizes = [1], strides = [1]} : vector<16xf32> to vector<1xf32>
    %squeeze3A_191 = vector.extract %slice3A_190[0] : f32 from vector<1xf32>
    %slice3A_192 = vector.extract_strided_slice %gather3A_153 {offsets = [4], sizes = [1], strides = [1]} : vector<16xf32> to vector<1xf32>
    %squeeze3A_193 = vector.extract %slice3A_192[0] : f32 from vector<1xf32>
    %slice3A_194 = vector.extract_strided_slice %gather3A_153 {offsets = [5], sizes = [1], strides = [1]} : vector<16xf32> to vector<1xf32>
    %squeeze3A_195 = vector.extract %slice3A_194[0] : f32 from vector<1xf32>
    %slice3A_196 = vector.extract_strided_slice %gather3A_153 {offsets = [6], sizes = [1], strides = [1]} : vector<16xf32> to vector<1xf32>
    %squeeze3A_197 = vector.extract %slice3A_196[0] : f32 from vector<1xf32>
    %slice3A_198 = vector.extract_strided_slice %gather3A_153 {offsets = [7], sizes = [1], strides = [1]} : vector<16xf32> to vector<1xf32>
    %squeeze3A_199 = vector.extract %slice3A_198[0] : f32 from vector<1xf32>
    %parallel_loop3A = arith.constant 0 : i32
    %parallel_loop3A_200 = arith.constant 64 : i32
    %parallel_loop3A_201 = arith.constant 1 : i32
    scf.for %parallel_loop3A_289 = %parallel_loop3A to %parallel_loop3A_200 step %parallel_loop3A_201  : i32 {
      %parallel_loop3A_290 = arith.constant 16 : i32
      %parallel_loop3A_291 = arith.muli %parallel_loop3A_289, %parallel_loop3A_290 : i32
      %parallel_loop3A_292 = arith.constant 0 : i32
      %parallel_loop3A_293 = arith.index_cast %parallel_loop3A_292 : i32 to index
      %parallel_loop3A_294 = arith.index_cast %parallel_loop3A_291 : i32 to index
      %parallel_loop3A_295 = tpu.vector_load %arg12[%parallel_loop3A_293, %parallel_loop3A_294] {strides = array<i32>} : memref<24x1024xf32, #tpu.memory_space<vmem>>, vector<16xf32>,
      %parallel_loop3A_296 = vector.broadcast %squeeze3A : f32 to vector<16xf32>
      %parallel_loop3A_297 = arith.mulf %parallel_loop3A_295, %parallel_loop3A_296 : vector<16xf32>
      %parallel_loop3A_298 = arith.constant 8 : i32
      %parallel_loop3A_299 = arith.index_cast %parallel_loop3A_298 : i32 to index
      %parallel_loop3A_300 = arith.index_cast %parallel_loop3A_291 : i32 to index
      %parallel_loop3A_301 = tpu.vector_load %arg12[%parallel_loop3A_299, %parallel_loop3A_300] {strides = array<i32>} : memref<24x1024xf32, #tpu.memory_space<vmem>>, vector<16xf32>,
      %parallel_loop3A_302 = vector.broadcast %squeeze3A_169 : f32 to vector<16xf32>
      %parallel_loop3A_303 = arith.mulf %parallel_loop3A_301, %parallel_loop3A_302 : vector<16xf32>
      %parallel_loop3A_304 = arith.addf %parallel_loop3A_297, %parallel_loop3A_303 : vector<16xf32>
      %parallel_loop3A_305 = arith.constant 16 : i32
      %parallel_loop3A_306 = arith.index_cast %parallel_loop3A_305 : i32 to index
      %parallel_loop3A_307 = arith.index_cast %parallel_loop3A_291 : i32 to index
      %parallel_loop3A_308 = tpu.vector_load %arg12[%parallel_loop3A_306, %parallel_loop3A_307] {strides = array<i32>} : memref<24x1024xf32, #tpu.memory_space<vmem>>, vector<16xf32>,
      %parallel_loop3A_309 = vector.broadcast %squeeze3A_185 : f32 to vector<16xf32>
      %parallel_loop3A_310 = arith.mulf %parallel_loop3A_308, %parallel_loop3A_309 : vector<16xf32>
      %parallel_loop3A_311 = arith.addf %parallel_loop3A_304, %parallel_loop3A_310 : vector<16xf32>
      %parallel_loop3A_312 = arith.constant 0 : i32
      %parallel_loop3A_313 = arith.index_cast %parallel_loop3A_312 : i32 to index
      %parallel_loop3A_314 = arith.index_cast %parallel_loop3A_291 : i32 to index
      %parallel_loop3A_315 = tpu.vector_load %arg14[%parallel_loop3A_313, %parallel_loop3A_314] {strides = array<i32>} : memref<8x1024xf32, #tpu.memory_space<vmem>>, vector<16xf32>,
      tpu.vector_store %arg14[%parallel_loop3A_313, %parallel_loop3A_314], %parallel_loop3A_311 {strides = array<i32>} : memref<8x1024xf32, #tpu.memory_space<vmem>>, vector<16xf32>,
      %parallel_loop3A_316 = arith.constant 1 : i32
      %parallel_loop3A_317 = arith.index_cast %parallel_loop3A_316 : i32 to index
      %parallel_loop3A_318 = arith.index_cast %parallel_loop3A_291 : i32 to index
      %parallel_loop3A_319 = tpu.vector_load %arg12[%parallel_loop3A_317, %parallel_loop3A_318] {strides = array<i32>} : memref<24x1024xf32, #tpu.memory_space<vmem>>, vector<16xf32>,
      %parallel_loop3A_320 = vector.broadcast %squeeze3A_155 : f32 to vector<16xf32>
      %parallel_loop3A_321 = arith.mulf %parallel_loop3A_319, %parallel_loop3A_320 : vector<16xf32>
      %parallel_loop3A_322 = arith.constant 9 : i32
      %parallel_loop3A_323 = arith.index_cast %parallel_loop3A_322 : i32 to index
      %parallel_loop3A_324 = arith.index_cast %parallel_loop3A_291 : i32 to index
      %parallel_loop3A_325 = tpu.vector_load %arg12[%parallel_loop3A_323, %parallel_loop3A_324] {strides = array<i32>} : memref<24x1024xf32, #tpu.memory_space<vmem>>, vector<16xf32>,
      %parallel_loop3A_326 = vector.broadcast %squeeze3A_171 : f32 to vector<16xf32>
      %parallel_loop3A_327 = arith.mulf %parallel_loop3A_325, %parallel_loop3A_326 : vector<16xf32>
      %parallel_loop3A_328 = arith.addf %parallel_loop3A_321, %parallel_loop3A_327 : vector<16xf32>
      %parallel_loop3A_329 = arith.constant 17 : i32
      %parallel_loop3A_330 = arith.index_cast %parallel_loop3A_329 : i32 to index
      %parallel_loop3A_331 = arith.index_cast %parallel_loop3A_291 : i32 to index
      %parallel_loop3A_332 = tpu.vector_load %arg12[%parallel_loop3A_330, %parallel_loop3A_331] {strides = array<i32>} : memref<24x1024xf32, #tpu.memory_space<vmem>>, vector<16xf32>,
      %parallel_loop3A_333 = vector.broadcast %squeeze3A_187 : f32 to vector<16xf32>
      %parallel_loop3A_334 = arith.mulf %parallel_loop3A_332, %parallel_loop3A_333 : vector<16xf32>
      %parallel_loop3A_335 = arith.addf %parallel_loop3A_328, %parallel_loop3A_334 : vector<16xf32>
      %parallel_loop3A_336 = arith.constant 1 : i32
      %parallel_loop3A_337 = arith.index_cast %parallel_loop3A_336 : i32 to index
      %parallel_loop3A_338 = arith.index_cast %parallel_loop3A_291 : i32 to index
      %parallel_loop3A_339 = tpu.vector_load %arg14[%parallel_loop3A_337, %parallel_loop3A_338] {strides = array<i32>} : memref<8x1024xf32, #tpu.memory_space<vmem>>, vector<16xf32>,
      tpu.vector_store %arg14[%parallel_loop3A_337, %parallel_loop3A_338], %parallel_loop3A_335 {strides = array<i32>} : memref<8x1024xf32, #tpu.memory_space<vmem>>, vector<16xf32>,
      %parallel_loop3A_340 = arith.constant 2 : i32
      %parallel_loop3A_341 = arith.index_cast %parallel_loop3A_340 : i32 to index
      %parallel_loop3A_342 = arith.index_cast %parallel_loop3A_291 : i32 to index
      %parallel_loop3A_343 = tpu.vector_load %arg12[%parallel_loop3A_341, %parallel_loop3A_342] {strides = array<i32>} : memref<24x1024xf32, #tpu.memory_space<vmem>>, vector<16xf32>,
      %parallel_loop3A_344 = vector.broadcast %squeeze3A_157 : f32 to vector<16xf32>
      %parallel_loop3A_345 = arith.mulf %parallel_loop3A_343, %parallel_loop3A_344 : vector<16xf32>
      %parallel_loop3A_346 = arith.constant 10 : i32
      %parallel_loop3A_347 = arith.index_cast %parallel_loop3A_346 : i32 to index
      %parallel_loop3A_348 = arith.index_cast %parallel_loop3A_291 : i32 to index
      %parallel_loop3A_349 = tpu.vector_load %arg12[%parallel_loop3A_347, %parallel_loop3A_348] {strides = array<i32>} : memref<24x1024xf32, #tpu.memory_space<vmem>>, vector<16xf32>,
      %parallel_loop3A_350 = vector.broadcast %squeeze3A_173 : f32 to vector<16xf32>
      %parallel_loop3A_351 = arith.mulf %parallel_loop3A_349, %parallel_loop3A_350 : vector<16xf32>
      %parallel_loop3A_352 = arith.addf %parallel_loop3A_345, %parallel_loop3A_351 : vector<16xf32>
      %parallel_loop3A_353 = arith.constant 18 : i32
      %parallel_loop3A_354 = arith.index_cast %parallel_loop3A_353 : i32 to index
      %parallel_loop3A_355 = arith.index_cast %parallel_loop3A_291 : i32 to index
      %parallel_loop3A_356 = tpu.vector_load %arg12[%parallel_loop3A_354, %parallel_loop3A_355] {strides = array<i32>} : memref<24x1024xf32, #tpu.memory_space<vmem>>, vector<16xf32>,
      %parallel_loop3A_357 = vector.broadcast %squeeze3A_189 : f32 to vector<16xf32>
      %parallel_loop3A_358 = arith.mulf %parallel_loop3A_356, %parallel_loop3A_357 : vector<16xf32>
      %parallel_loop3A_359 = arith.addf %parallel_loop3A_352, %parallel_loop3A_358 : vector<16xf32>
      %parallel_loop3A_360 = arith.constant 2 : i32
      %parallel_loop3A_361 = arith.index_cast %parallel_loop3A_360 : i32 to index
      %parallel_loop3A_362 = arith.index_cast %parallel_loop3A_291 : i32 to index
      %parallel_loop3A_363 = tpu.vector_load %arg14[%parallel_loop3A_361, %parallel_loop3A_362] {strides = array<i32>} : memref<8x1024xf32, #tpu.memory_space<vmem>>, vector<16xf32>,
      tpu.vector_store %arg14[%parallel_loop3A_361, %parallel_loop3A_362], %parallel_loop3A_359 {strides = array<i32>} : memref<8x1024xf32, #tpu.memory_space<vmem>>, vector<16xf32>,
      %parallel_loop3A_364 = arith.constant 3 : i32
      %parallel_loop3A_365 = arith.index_cast %parallel_loop3A_364 : i32 to index
      %parallel_loop3A_366 = arith.index_cast %parallel_loop3A_291 : i32 to index
      %parallel_loop3A_367 = tpu.vector_load %arg12[%parallel_loop3A_365, %parallel_loop3A_366] {strides = array<i32>} : memref<24x1024xf32, #tpu.memory_space<vmem>>, vector<16xf32>,
      %parallel_loop3A_368 = vector.broadcast %squeeze3A_159 : f32 to vector<16xf32>
      %parallel_loop3A_369 = arith.mulf %parallel_loop3A_367, %parallel_loop3A_368 : vector<16xf32>
      %parallel_loop3A_370 = arith.constant 11 : i32
      %parallel_loop3A_371 = arith.index_cast %parallel_loop3A_370 : i32 to index
      %parallel_loop3A_372 = arith.index_cast %parallel_loop3A_291 : i32 to index
      %parallel_loop3A_373 = tpu.vector_load %arg12[%parallel_loop3A_371, %parallel_loop3A_372] {strides = array<i32>} : memref<24x1024xf32, #tpu.memory_space<vmem>>, vector<16xf32>,
      %parallel_loop3A_374 = vector.broadcast %squeeze3A_175 : f32 to vector<16xf32>
      %parallel_loop3A_375 = arith.mulf %parallel_loop3A_373, %parallel_loop3A_374 : vector<16xf32>
      %parallel_loop3A_376 = arith.addf %parallel_loop3A_369, %parallel_loop3A_375 : vector<16xf32>
      %parallel_loop3A_377 = arith.constant 19 : i32
      %parallel_loop3A_378 = arith.index_cast %parallel_loop3A_377 : i32 to index
      %parallel_loop3A_379 = arith.index_cast %parallel_loop3A_291 : i32 to index
      %parallel_loop3A_380 = tpu.vector_load %arg12[%parallel_loop3A_378, %parallel_loop3A_379] {strides = array<i32>} : memref<24x1024xf32, #tpu.memory_space<vmem>>, vector<16xf32>,
      %parallel_loop3A_381 = vector.broadcast %squeeze3A_191 : f32 to vector<16xf32>
      %parallel_loop3A_382 = arith.mulf %parallel_loop3A_380, %parallel_loop3A_381 : vector<16xf32>
      %parallel_loop3A_383 = arith.addf %parallel_loop3A_376, %parallel_loop3A_382 : vector<16xf32>
      %parallel_loop3A_384 = arith.constant 3 : i32
      %parallel_loop3A_385 = arith.index_cast %parallel_loop3A_384 : i32 to index
      %parallel_loop3A_386 = arith.index_cast %parallel_loop3A_291 : i32 to index
      %parallel_loop3A_387 = tpu.vector_load %arg14[%parallel_loop3A_385, %parallel_loop3A_386] {strides = array<i32>} : memref<8x1024xf32, #tpu.memory_space<vmem>>, vector<16xf32>,
      tpu.vector_store %arg14[%parallel_loop3A_385, %parallel_loop3A_386], %parallel_loop3A_383 {strides = array<i32>} : memref<8x1024xf32, #tpu.memory_space<vmem>>, vector<16xf32>,
      %parallel_loop3A_388 = arith.constant 4 : i32
      %parallel_loop3A_389 = arith.index_cast %parallel_loop3A_388 : i32 to index
      %parallel_loop3A_390 = arith.index_cast %parallel_loop3A_291 : i32 to index
      %parallel_loop3A_391 = tpu.vector_load %arg12[%parallel_loop3A_389, %parallel_loop3A_390] {strides = array<i32>} : memref<24x1024xf32, #tpu.memory_space<vmem>>, vector<16xf32>,
      %parallel_loop3A_392 = vector.broadcast %squeeze3A_161 : f32 to vector<16xf32>
      %parallel_loop3A_393 = arith.mulf %parallel_loop3A_391, %parallel_loop3A_392 : vector<16xf32>
      %parallel_loop3A_394 = arith.constant 12 : i32
      %parallel_loop3A_395 = arith.index_cast %parallel_loop3A_394 : i32 to index
      %parallel_loop3A_396 = arith.index_cast %parallel_loop3A_291 : i32 to index
      %parallel_loop3A_397 = tpu.vector_load %arg12[%parallel_loop3A_395, %parallel_loop3A_396] {strides = array<i32>} : memref<24x1024xf32, #tpu.memory_space<vmem>>, vector<16xf32>,
      %parallel_loop3A_398 = vector.broadcast %squeeze3A_177 : f32 to vector<16xf32>
      %parallel_loop3A_399 = arith.mulf %parallel_loop3A_397, %parallel_loop3A_398 : vector<16xf32>
      %parallel_loop3A_400 = arith.addf %parallel_loop3A_393, %parallel_loop3A_399 : vector<16xf32>
      %parallel_loop3A_401 = arith.constant 20 : i32
      %parallel_loop3A_402 = arith.index_cast %parallel_loop3A_401 : i32 to index
      %parallel_loop3A_403 = arith.index_cast %parallel_loop3A_291 : i32 to index
      %parallel_loop3A_404 = tpu.vector_load %arg12[%parallel_loop3A_402, %parallel_loop3A_403] {strides = array<i32>} : memref<24x1024xf32, #tpu.memory_space<vmem>>, vector<16xf32>,
      %parallel_loop3A_405 = vector.broadcast %squeeze3A_193 : f32 to vector<16xf32>
      %parallel_loop3A_406 = arith.mulf %parallel_loop3A_404, %parallel_loop3A_405 : vector<16xf32>
      %parallel_loop3A_407 = arith.addf %parallel_loop3A_400, %parallel_loop3A_406 : vector<16xf32>
      %parallel_loop3A_408 = arith.constant 4 : i32
      %parallel_loop3A_409 = arith.index_cast %parallel_loop3A_408 : i32 to index
      %parallel_loop3A_410 = arith.index_cast %parallel_loop3A_291 : i32 to index
      %parallel_loop3A_411 = tpu.vector_load %arg14[%parallel_loop3A_409, %parallel_loop3A_410] {strides = array<i32>} : memref<8x1024xf32, #tpu.memory_space<vmem>>, vector<16xf32>,
      tpu.vector_store %arg14[%parallel_loop3A_409, %parallel_loop3A_410], %parallel_loop3A_407 {strides = array<i32>} : memref<8x1024xf32, #tpu.memory_space<vmem>>, vector<16xf32>,
      %parallel_loop3A_412 = arith.constant 5 : i32
      %parallel_loop3A_413 = arith.index_cast %parallel_loop3A_412 : i32 to index
      %parallel_loop3A_414 = arith.index_cast %parallel_loop3A_291 : i32 to index
      %parallel_loop3A_415 = tpu.vector_load %arg12[%parallel_loop3A_413, %parallel_loop3A_414] {strides = array<i32>} : memref<24x1024xf32, #tpu.memory_space<vmem>>, vector<16xf32>,
      %parallel_loop3A_416 = vector.broadcast %squeeze3A_163 : f32 to vector<16xf32>
      %parallel_loop3A_417 = arith.mulf %parallel_loop3A_415, %parallel_loop3A_416 : vector<16xf32>
      %parallel_loop3A_418 = arith.constant 13 : i32
      %parallel_loop3A_419 = arith.index_cast %parallel_loop3A_418 : i32 to index
      %parallel_loop3A_420 = arith.index_cast %parallel_loop3A_291 : i32 to index
      %parallel_loop3A_421 = tpu.vector_load %arg12[%parallel_loop3A_419, %parallel_loop3A_420] {strides = array<i32>} : memref<24x1024xf32, #tpu.memory_space<vmem>>, vector<16xf32>,
      %parallel_loop3A_422 = vector.broadcast %squeeze3A_179 : f32 to vector<16xf32>
      %parallel_loop3A_423 = arith.mulf %parallel_loop3A_421, %parallel_loop3A_422 : vector<16xf32>
      %parallel_loop3A_424 = arith.addf %parallel_loop3A_417, %parallel_loop3A_423 : vector<16xf32>
      %parallel_loop3A_425 = arith.constant 21 : i32
      %parallel_loop3A_426 = arith.index_cast %parallel_loop3A_425 : i32 to index
      %parallel_loop3A_427 = arith.index_cast %parallel_loop3A_291 : i32 to index
      %parallel_loop3A_428 = tpu.vector_load %arg12[%parallel_loop3A_426, %parallel_loop3A_427] {strides = array<i32>} : memref<24x1024xf32, #tpu.memory_space<vmem>>, vector<16xf32>,
      %parallel_loop3A_429 = vector.broadcast %squeeze3A_195 : f32 to vector<16xf32>
      %parallel_loop3A_430 = arith.mulf %parallel_loop3A_428, %parallel_loop3A_429 : vector<16xf32>
      %parallel_loop3A_431 = arith.addf %parallel_loop3A_424, %parallel_loop3A_430 : vector<16xf32>
      %parallel_loop3A_432 = arith.constant 5 : i32
      %parallel_loop3A_433 = arith.index_cast %parallel_loop3A_432 : i32 to index
      %parallel_loop3A_434 = arith.index_cast %parallel_loop3A_291 : i32 to index
      %parallel_loop3A_435 = tpu.vector_load %arg14[%parallel_loop3A_433, %parallel_loop3A_434] {strides = array<i32>} : memref<8x1024xf32, #tpu.memory_space<vmem>>, vector<16xf32>,
      tpu.vector_store %arg14[%parallel_loop3A_433, %parallel_loop3A_434], %parallel_loop3A_431 {strides = array<i32>} : memref<8x1024xf32, #tpu.memory_space<vmem>>, vector<16xf32>,
      %parallel_loop3A_436 = arith.constant 6 : i32
      %parallel_loop3A_437 = arith.index_cast %parallel_loop3A_436 : i32 to index
      %parallel_loop3A_438 = arith.index_cast %parallel_loop3A_291 : i32 to index
      %parallel_loop3A_439 = tpu.vector_load %arg12[%parallel_loop3A_437, %parallel_loop3A_438] {strides = array<i32>} : memref<24x1024xf32, #tpu.memory_space<vmem>>, vector<16xf32>,
      %parallel_loop3A_440 = vector.broadcast %squeeze3A_165 : f32 to vector<16xf32>
      %parallel_loop3A_441 = arith.mulf %parallel_loop3A_439, %parallel_loop3A_440 : vector<16xf32>
      %parallel_loop3A_442 = arith.constant 14 : i32
      %parallel_loop3A_443 = arith.index_cast %parallel_loop3A_442 : i32 to index
      %parallel_loop3A_444 = arith.index_cast %parallel_loop3A_291 : i32 to index
      %parallel_loop3A_445 = tpu.vector_load %arg12[%parallel_loop3A_443, %parallel_loop3A_444] {strides = array<i32>} : memref<24x1024xf32, #tpu.memory_space<vmem>>, vector<16xf32>,
      %parallel_loop3A_446 = vector.broadcast %squeeze3A_181 : f32 to vector<16xf32>
      %parallel_loop3A_447 = arith.mulf %parallel_loop3A_445, %parallel_loop3A_446 : vector<16xf32>
      %parallel_loop3A_448 = arith.addf %parallel_loop3A_441, %parallel_loop3A_447 : vector<16xf32>
      %parallel_loop3A_449 = arith.constant 22 : i32
      %parallel_loop3A_450 = arith.index_cast %parallel_loop3A_449 : i32 to index
      %parallel_loop3A_451 = arith.index_cast %parallel_loop3A_291 : i32 to index
      %parallel_loop3A_452 = tpu.vector_load %arg12[%parallel_loop3A_450, %parallel_loop3A_451] {strides = array<i32>} : memref<24x1024xf32, #tpu.memory_space<vmem>>, vector<16xf32>,
      %parallel_loop3A_453 = vector.broadcast %squeeze3A_197 : f32 to vector<16xf32>
      %parallel_loop3A_454 = arith.mulf %parallel_loop3A_452, %parallel_loop3A_453 : vector<16xf32>
      %parallel_loop3A_455 = arith.addf %parallel_loop3A_448, %parallel_loop3A_454 : vector<16xf32>
      %parallel_loop3A_456 = arith.constant 6 : i32
      %parallel_loop3A_457 = arith.index_cast %parallel_loop3A_456 : i32 to index
      %parallel_loop3A_458 = arith.index_cast %parallel_loop3A_291 : i32 to index
      %parallel_loop3A_459 = tpu.vector_load %arg14[%parallel_loop3A_457, %parallel_loop3A_458] {strides = array<i32>} : memref<8x1024xf32, #tpu.memory_space<vmem>>, vector<16xf32>,
      tpu.vector_store %arg14[%parallel_loop3A_457, %parallel_loop3A_458], %parallel_loop3A_455 {strides = array<i32>} : memref<8x1024xf32, #tpu.memory_space<vmem>>, vector<16xf32>,
      %parallel_loop3A_460 = arith.constant 7 : i32
      %parallel_loop3A_461 = arith.index_cast %parallel_loop3A_460 : i32 to index
      %parallel_loop3A_462 = arith.index_cast %parallel_loop3A_291 : i32 to index
      %parallel_loop3A_463 = tpu.vector_load %arg12[%parallel_loop3A_461, %parallel_loop3A_462] {strides = array<i32>} : memref<24x1024xf32, #tpu.memory_space<vmem>>, vector<16xf32>,
      %parallel_loop3A_464 = vector.broadcast %squeeze3A_167 : f32 to vector<16xf32>
      %parallel_loop3A_465 = arith.mulf %parallel_loop3A_463, %parallel_loop3A_464 : vector<16xf32>
      %parallel_loop3A_466 = arith.constant 15 : i32
      %parallel_loop3A_467 = arith.index_cast %parallel_loop3A_466 : i32 to index
      %parallel_loop3A_468 = arith.index_cast %parallel_loop3A_291 : i32 to index
      %parallel_loop3A_469 = tpu.vector_load %arg12[%parallel_loop3A_467, %parallel_loop3A_468] {strides = array<i32>} : memref<24x1024xf32, #tpu.memory_space<vmem>>, vector<16xf32>,
      %parallel_loop3A_470 = vector.broadcast %squeeze3A_183 : f32 to vector<16xf32>
      %parallel_loop3A_471 = arith.mulf %parallel_loop3A_469, %parallel_loop3A_470 : vector<16xf32>
      %parallel_loop3A_472 = arith.addf %parallel_loop3A_465, %parallel_loop3A_471 : vector<16xf32>
      %parallel_loop3A_473 = arith.constant 23 : i32
      %parallel_loop3A_474 = arith.index_cast %parallel_loop3A_473 : i32 to index
      %parallel_loop3A_475 = arith.index_cast %parallel_loop3A_291 : i32 to index
      %parallel_loop3A_476 = tpu.vector_load %arg12[%parallel_loop3A_474, %parallel_loop3A_475] {strides = array<i32>} : memref<24x1024xf32, #tpu.memory_space<vmem>>, vector<16xf32>,
      %parallel_loop3A_477 = vector.broadcast %squeeze3A_199 : f32 to vector<16xf32>
      %parallel_loop3A_478 = arith.mulf %parallel_loop3A_476, %parallel_loop3A_477 : vector<16xf32>
      %parallel_loop3A_479 = arith.addf %parallel_loop3A_472, %parallel_loop3A_478 : vector<16xf32>
      %parallel_loop3A_480 = arith.constant 7 : i32
      %parallel_loop3A_481 = arith.index_cast %parallel_loop3A_480 : i32 to index
      %parallel_loop3A_482 = arith.index_cast %parallel_loop3A_291 : i32 to index
      %parallel_loop3A_483 = tpu.vector_load %arg14[%parallel_loop3A_481, %parallel_loop3A_482] {strides = array<i32>} : memref<8x1024xf32, #tpu.memory_space<vmem>>, vector<16xf32>,
      tpu.vector_store %arg14[%parallel_loop3A_481, %parallel_loop3A_482], %parallel_loop3A_479 {strides = array<i32>} : memref<8x1024xf32, #tpu.memory_space<vmem>>, vector<16xf32>,
    } {sc.loop_unroll_factor = 4 : i64, sc.parallel_access}
    %jit3A_202 = arith.constant 14 : i32
    %div3A_203 = arith.divsi %add3A, %jit3A_202 : i32
    %sign3A_204 = arith.constant 0 : i32
    %sign3A_205 = arith.cmpi sgt, %add3A, %sign3A_204 : i32
    %sign3A_206 = arith.extui %sign3A_205 : i1 to i32
    %sign3A_207 = arith.constant 0 : i32
    %sign3A_208 = arith.cmpi slt, %add3A, %sign3A_207 : i32
    %sign3A_209 = arith.extui %sign3A_208 : i1 to i32
    %sign3A_210 = arith.subi %sign3A_206, %sign3A_209 : i32
    %sign3A_211 = arith.constant 0 : i32
    %sign3A_212 = arith.cmpi sgt, %jit3A_202, %sign3A_211 : i32
    %sign3A_213 = arith.extui %sign3A_212 : i1 to i32
    %sign3A_214 = arith.constant 0 : i32
    %sign3A_215 = arith.cmpi slt, %jit3A_202, %sign3A_214 : i32
    %sign3A_216 = arith.extui %sign3A_215 : i1 to i32
    %sign3A_217 = arith.subi %sign3A_213, %sign3A_216 : i32
    %ne3A_218 = arith.cmpi ne, %sign3A_210, %sign3A_217 : i32
    %rem3A_219 = arith.remsi %add3A, %jit3A_202 : i32
    %ne3A_220 = arith.constant 0 : i32
    %ne3A_221 = arith.cmpi ne, %rem3A_219, %ne3A_220 : i32
    %and3A_222 = arith.andi %ne3A_218, %ne3A_221 : i1
    %sub3A_223 = arith.constant 1 : i32
    %sub3A_224 = arith.subi %div3A_203, %sub3A_223 : i32
    %select_n3A_225 = arith.select %and3A_222, %sub3A_224, %div3A_203 : i32
    %rem3A_226 = arith.constant 14 : i32
    %rem3A_227 = arith.remsi %add3A, %rem3A_226 : i32
    %mul3A_228 = arith.constant 8 : i32
    %mul3A_229 = arith.muli %mul3A_228, %rem3A_227 : i32
    %multiple_of3A = tpu.assume_multiple %mul3A_229, 8 : i32
    %dma_start3A_230 = arith.constant 0 : i32
    %dma_start3A_231 = arith.constant 0 : i32
    %dma_start3A_232 = tpu.memref_slice %arg6[%select_n3A_225, %dma_start3A_230, %dma_start3A_231] : memref<3x112x1024xf32, #tpu.memory_space<hbm>> -> memref<1x112x1024xf32, #tpu.memory_space<hbm>>
    %dma_start3A_233 = tpu.memref_squeeze %dma_start3A_232 : memref<1x112x1024xf32, #tpu.memory_space<hbm>> -> memref<112x1024xf32, #tpu.memory_space<hbm>>
    %dma_start3A_234 = arith.constant 0 : i32
    %dma_start3A_235 = tpu.memref_slice %dma_start3A_233[%multiple_of3A, %dma_start3A_234] : memref<112x1024xf32, #tpu.memory_space<hbm>> -> memref<8x1024xf32, #tpu.memory_space<hbm>>
    %dma_start3A_236 = arith.constant 0 : i32
    %dma_start3A_237 = arith.constant 0 : i32
    %dma_start3A_238 = tpu.memref_slice %arg6[%select_n3A_225, %dma_start3A_236, %dma_start3A_237] : memref<3x112x1024xf32, #tpu.memory_space<hbm>> -> memref<1x112x1024xf32, #tpu.memory_space<hbm>>
    %dma_start3A_239 = tpu.memref_squeeze %dma_start3A_238 : memref<1x112x1024xf32, #tpu.memory_space<hbm>> -> memref<112x1024xf32, #tpu.memory_space<hbm>>
    %dma_start3A_240 = arith.constant 0 : i32
    %dma_start3A_241 = tpu.memref_slice %dma_start3A_239[%multiple_of3A, %dma_start3A_240] : memref<112x1024xf32, #tpu.memory_space<hbm>> -> memref<8x1024xf32, #tpu.memory_space<hbm>>
    tpu.enqueue_dma source(%arg14 : memref<8x1024xf32, #tpu.memory_space<vmem>>) target(%dma_start3A_241 : memref<8x1024xf32, #tpu.memory_space<hbm>>) target_semaphore(%arg19 : memref<!tpu.dma_semaphore, #tpu.memory_space<semaphore_mem>>)
    %convert_element_type3A_242 = arith.extui %lt3A_3 : i1 to i32
    %cond3A_243 = arith.constant 0 : i32
    %cond3A_244 = arith.cmpi ne, %convert_element_type3A_242, %cond3A_243 : i32
    scf.if %cond3A_244 {
      %jit3A_289 = arith.constant 14 : i32
      %div3A_290 = arith.divsi %add3A_2, %jit3A_289 : i32
      %sign3A_291 = arith.constant 0 : i32
      %sign3A_292 = arith.cmpi sgt, %add3A_2, %sign3A_291 : i32
      %sign3A_293 = arith.extui %sign3A_292 : i1 to i32
      %sign3A_294 = arith.constant 0 : i32
      %sign3A_295 = arith.cmpi slt, %add3A_2, %sign3A_294 : i32
      %sign3A_296 = arith.extui %sign3A_295 : i1 to i32
      %sign3A_297 = arith.subi %sign3A_293, %sign3A_296 : i32
      %sign3A_298 = arith.constant 0 : i32
      %sign3A_299 = arith.cmpi sgt, %jit3A_289, %sign3A_298 : i32
      %sign3A_300 = arith.extui %sign3A_299 : i1 to i32
      %sign3A_301 = arith.constant 0 : i32
      %sign3A_302 = arith.cmpi slt, %jit3A_289, %sign3A_301 : i32
      %sign3A_303 = arith.extui %sign3A_302 : i1 to i32
      %sign3A_304 = arith.subi %sign3A_300, %sign3A_303 : i32
      %ne3A_305 = arith.cmpi ne, %sign3A_297, %sign3A_304 : i32
      %rem3A_306 = arith.remsi %add3A_2, %jit3A_289 : i32
      %ne3A_307 = arith.constant 0 : i32
      %ne3A_308 = arith.cmpi ne, %rem3A_306, %ne3A_307 : i32
      %and3A_309 = arith.andi %ne3A_305, %ne3A_308 : i1
      %sub3A_310 = arith.constant 1 : i32
      %sub3A_311 = arith.subi %div3A_290, %sub3A_310 : i32
      %select_n3A_312 = arith.select %and3A_309, %sub3A_311, %div3A_290 : i32
      %dma_wait3A_313 = arith.constant 0 : i32
      %dma_wait3A_314 = tpu.memref_slice %arg11[%dma_wait3A_313] : memref<32xi32, #tpu.memory_space<vmem>> -> memref<24xi32, #tpu.memory_space<vmem>>
      %dma_wait3A_315 = arith.constant 0 : i32
      %dma_wait3A_316 = arith.constant 0 : i32
      %dma_wait3A_317 = tpu.memref_slice %arg2[%select_n3A_312, %dma_wait3A_315, %dma_wait3A_316] : memref<3x5023x1024xf32, #tpu.memory_space<hbm>> -> memref<1x5023x1024xf32, #tpu.memory_space<hbm>>
      %dma_wait3A_318 = tpu.memref_squeeze %dma_wait3A_317 : memref<1x5023x1024xf32, #tpu.memory_space<hbm>> -> memref<5023x1024xf32, #tpu.memory_space<hbm>>
      %dma_wait3A_319 = arith.constant 0 : i32
      %dma_wait3A_320 = arith.constant 0 : i32
      %dma_wait3A_321 = tpu.memref_slice %dma_wait3A_318[%dma_wait3A_319, %dma_wait3A_320] : memref<5023x1024xf32, #tpu.memory_space<hbm>> -> memref<5023x1024xf32, #tpu.memory_space<hbm>>
      tpu.wait_indirect_dma semaphore(%arg18 : memref<!tpu.dma_semaphore, #tpu.memory_space<semaphore_mem>>) src(%dma_wait3A_321 : memref<5023x1024xf32, #tpu.memory_space<hbm>>) dst(%arg13 : memref<24x1024xf32, #tpu.memory_space<vmem>>)
      %rem3A_322 = arith.constant 14 : i32
      %rem3A_323 = arith.remsi %add3A_2, %rem3A_322 : i32
      %mul3A_324 = arith.constant 8 : i32
      %mul3A_325 = arith.muli %mul3A_324, %rem3A_323 : i32
      %add3A_326 = vector.broadcast %mul3A_325 : i32 to vector<16xi32>
      %add3A_327 = arith.addi %add3A_326, %iota3A : vector<16xi32>
      %broadcast_in_dim3A_328 = arith.constant 0 : i32
      %broadcast_in_dim3A_329 = vector.broadcast %broadcast_in_dim3A_328 : i32 to vector<16xi32>
      %gather3A_330 = tpu.vector_load_idx %arg9[%broadcast_in_dim3A_329, %add3A_327] : memref<3x105xf32, #tpu.memory_space<vmem>>[vector<16xi32>, vector<16xi32>], vector<16xf32>,
      %broadcast_in_dim3A_331 = arith.constant 1 : i32
      %broadcast_in_dim3A_332 = vector.broadcast %broadcast_in_dim3A_331 : i32 to vector<16xi32>
      %gather3A_333 = tpu.vector_load_idx %arg9[%broadcast_in_dim3A_332, %add3A_327] : memref<3x105xf32, #tpu.memory_space<vmem>>[vector<16xi32>, vector<16xi32>], vector<16xf32>,
      %broadcast_in_dim3A_334 = arith.constant 2 : i32
      %broadcast_in_dim3A_335 = vector.broadcast %broadcast_in_dim3A_334 : i32 to vector<16xi32>
      %gather3A_336 = tpu.vector_load_idx %arg9[%broadcast_in_dim3A_335, %add3A_327] : memref<3x105xf32, #tpu.memory_space<vmem>>[vector<16xi32>, vector<16xi32>], vector<16xf32>,
      %slice3A_337 = vector.extract_strided_slice %gather3A_330 {offsets = [0], sizes = [1], strides = [1]} : vector<16xf32> to vector<1xf32>
      %squeeze3A_338 = vector.extract %slice3A_337[0] : f32 from vector<1xf32>
      %slice3A_339 = vector.extract_strided_slice %gather3A_330 {offsets = [1], sizes = [1], strides = [1]} : vector<16xf32> to vector<1xf32>
      %squeeze3A_340 = vector.extract %slice3A_339[0] : f32 from vector<1xf32>
      %slice3A_341 = vector.extract_strided_slice %gather3A_330 {offsets = [2], sizes = [1], strides = [1]} : vector<16xf32> to vector<1xf32>
      %squeeze3A_342 = vector.extract %slice3A_341[0] : f32 from vector<1xf32>
      %slice3A_343 = vector.extract_strided_slice %gather3A_330 {offsets = [3], sizes = [1], strides = [1]} : vector<16xf32> to vector<1xf32>
      %squeeze3A_344 = vector.extract %slice3A_343[0] : f32 from vector<1xf32>
      %slice3A_345 = vector.extract_strided_slice %gather3A_330 {offsets = [4], sizes = [1], strides = [1]} : vector<16xf32> to vector<1xf32>
      %squeeze3A_346 = vector.extract %slice3A_345[0] : f32 from vector<1xf32>
      %slice3A_347 = vector.extract_strided_slice %gather3A_330 {offsets = [5], sizes = [1], strides = [1]} : vector<16xf32> to vector<1xf32>
      %squeeze3A_348 = vector.extract %slice3A_347[0] : f32 from vector<1xf32>
      %slice3A_349 = vector.extract_strided_slice %gather3A_330 {offsets = [6], sizes = [1], strides = [1]} : vector<16xf32> to vector<1xf32>
      %squeeze3A_350 = vector.extract %slice3A_349[0] : f32 from vector<1xf32>
      %slice3A_351 = vector.extract_strided_slice %gather3A_330 {offsets = [7], sizes = [1], strides = [1]} : vector<16xf32> to vector<1xf32>
      %squeeze3A_352 = vector.extract %slice3A_351[0] : f32 from vector<1xf32>
      %slice3A_353 = vector.extract_strided_slice %gather3A_333 {offsets = [0], sizes = [1], strides = [1]} : vector<16xf32> to vector<1xf32>
      %squeeze3A_354 = vector.extract %slice3A_353[0] : f32 from vector<1xf32>
      %slice3A_355 = vector.extract_strided_slice %gather3A_333 {offsets = [1], sizes = [1], strides = [1]} : vector<16xf32> to vector<1xf32>
      %squeeze3A_356 = vector.extract %slice3A_355[0] : f32 from vector<1xf32>
      %slice3A_357 = vector.extract_strided_slice %gather3A_333 {offsets = [2], sizes = [1], strides = [1]} : vector<16xf32> to vector<1xf32>
      %squeeze3A_358 = vector.extract %slice3A_357[0] : f32 from vector<1xf32>
      %slice3A_359 = vector.extract_strided_slice %gather3A_333 {offsets = [3], sizes = [1], strides = [1]} : vector<16xf32> to vector<1xf32>
      %squeeze3A_360 = vector.extract %slice3A_359[0] : f32 from vector<1xf32>
      %slice3A_361 = vector.extract_strided_slice %gather3A_333 {offsets = [4], sizes = [1], strides = [1]} : vector<16xf32> to vector<1xf32>
      %squeeze3A_362 = vector.extract %slice3A_361[0] : f32 from vector<1xf32>
      %slice3A_363 = vector.extract_strided_slice %gather3A_333 {offsets = [5], sizes = [1], strides = [1]} : vector<16xf32> to vector<1xf32>
      %squeeze3A_364 = vector.extract %slice3A_363[0] : f32 from vector<1xf32>
      %slice3A_365 = vector.extract_strided_slice %gather3A_333 {offsets = [6], sizes = [1], strides = [1]} : vector<16xf32> to vector<1xf32>
      %squeeze3A_366 = vector.extract %slice3A_365[0] : f32 from vector<1xf32>
      %slice3A_367 = vector.extract_strided_slice %gather3A_333 {offsets = [7], sizes = [1], strides = [1]} : vector<16xf32> to vector<1xf32>
      %squeeze3A_368 = vector.extract %slice3A_367[0] : f32 from vector<1xf32>
      %slice3A_369 = vector.extract_strided_slice %gather3A_336 {offsets = [0], sizes = [1], strides = [1]} : vector<16xf32> to vector<1xf32>
      %squeeze3A_370 = vector.extract %slice3A_369[0] : f32 from vector<1xf32>
      %slice3A_371 = vector.extract_strided_slice %gather3A_336 {offsets = [1], sizes = [1], strides = [1]} : vector<16xf32> to vector<1xf32>
      %squeeze3A_372 = vector.extract %slice3A_371[0] : f32 from vector<1xf32>
      %slice3A_373 = vector.extract_strided_slice %gather3A_336 {offsets = [2], sizes = [1], strides = [1]} : vector<16xf32> to vector<1xf32>
      %squeeze3A_374 = vector.extract %slice3A_373[0] : f32 from vector<1xf32>
      %slice3A_375 = vector.extract_strided_slice %gather3A_336 {offsets = [3], sizes = [1], strides = [1]} : vector<16xf32> to vector<1xf32>
      %squeeze3A_376 = vector.extract %slice3A_375[0] : f32 from vector<1xf32>
      %slice3A_377 = vector.extract_strided_slice %gather3A_336 {offsets = [4], sizes = [1], strides = [1]} : vector<16xf32> to vector<1xf32>
      %squeeze3A_378 = vector.extract %slice3A_377[0] : f32 from vector<1xf32>
      %slice3A_379 = vector.extract_strided_slice %gather3A_336 {offsets = [5], sizes = [1], strides = [1]} : vector<16xf32> to vector<1xf32>
      %squeeze3A_380 = vector.extract %slice3A_379[0] : f32 from vector<1xf32>
      %slice3A_381 = vector.extract_strided_slice %gather3A_336 {offsets = [6], sizes = [1], strides = [1]} : vector<16xf32> to vector<1xf32>
      %squeeze3A_382 = vector.extract %slice3A_381[0] : f32 from vector<1xf32>
      %slice3A_383 = vector.extract_strided_slice %gather3A_336 {offsets = [7], sizes = [1], strides = [1]} : vector<16xf32> to vector<1xf32>
      %squeeze3A_384 = vector.extract %slice3A_383[0] : f32 from vector<1xf32>
      %parallel_loop3A_385 = arith.constant 0 : i32
      %parallel_loop3A_386 = arith.constant 64 : i32
      %parallel_loop3A_387 = arith.constant 1 : i32
      scf.for %parallel_loop3A_429 = %parallel_loop3A_385 to %parallel_loop3A_386 step %parallel_loop3A_387  : i32 {
        %parallel_loop3A_430 = arith.constant 16 : i32
        %parallel_loop3A_431 = arith.muli %parallel_loop3A_429, %parallel_loop3A_430 : i32
        %parallel_loop3A_432 = arith.constant 0 : i32
        %parallel_loop3A_433 = arith.index_cast %parallel_loop3A_432 : i32 to index
        %parallel_loop3A_434 = arith.index_cast %parallel_loop3A_431 : i32 to index
        %parallel_loop3A_435 = tpu.vector_load %arg13[%parallel_loop3A_433, %parallel_loop3A_434] {strides = array<i32>} : memref<24x1024xf32, #tpu.memory_space<vmem>>, vector<16xf32>,
        %parallel_loop3A_436 = vector.broadcast %squeeze3A_338 : f32 to vector<16xf32>
        %parallel_loop3A_437 = arith.mulf %parallel_loop3A_435, %parallel_loop3A_436 : vector<16xf32>
        %parallel_loop3A_438 = arith.constant 8 : i32
        %parallel_loop3A_439 = arith.index_cast %parallel_loop3A_438 : i32 to index
        %parallel_loop3A_440 = arith.index_cast %parallel_loop3A_431 : i32 to index
        %parallel_loop3A_441 = tpu.vector_load %arg13[%parallel_loop3A_439, %parallel_loop3A_440] {strides = array<i32>} : memref<24x1024xf32, #tpu.memory_space<vmem>>, vector<16xf32>,
        %parallel_loop3A_442 = vector.broadcast %squeeze3A_354 : f32 to vector<16xf32>
        %parallel_loop3A_443 = arith.mulf %parallel_loop3A_441, %parallel_loop3A_442 : vector<16xf32>
        %parallel_loop3A_444 = arith.addf %parallel_loop3A_437, %parallel_loop3A_443 : vector<16xf32>
        %parallel_loop3A_445 = arith.constant 16 : i32
        %parallel_loop3A_446 = arith.index_cast %parallel_loop3A_445 : i32 to index
        %parallel_loop3A_447 = arith.index_cast %parallel_loop3A_431 : i32 to index
        %parallel_loop3A_448 = tpu.vector_load %arg13[%parallel_loop3A_446, %parallel_loop3A_447] {strides = array<i32>} : memref<24x1024xf32, #tpu.memory_space<vmem>>, vector<16xf32>,
        %parallel_loop3A_449 = vector.broadcast %squeeze3A_370 : f32 to vector<16xf32>
        %parallel_loop3A_450 = arith.mulf %parallel_loop3A_448, %parallel_loop3A_449 : vector<16xf32>
        %parallel_loop3A_451 = arith.addf %parallel_loop3A_444, %parallel_loop3A_450 : vector<16xf32>
        %parallel_loop3A_452 = arith.constant 0 : i32
        %parallel_loop3A_453 = arith.index_cast %parallel_loop3A_452 : i32 to index
        %parallel_loop3A_454 = arith.index_cast %parallel_loop3A_431 : i32 to index
        %parallel_loop3A_455 = tpu.vector_load %arg15[%parallel_loop3A_453, %parallel_loop3A_454] {strides = array<i32>} : memref<8x1024xf32, #tpu.memory_space<vmem>>, vector<16xf32>,
        tpu.vector_store %arg15[%parallel_loop3A_453, %parallel_loop3A_454], %parallel_loop3A_451 {strides = array<i32>} : memref<8x1024xf32, #tpu.memory_space<vmem>>, vector<16xf32>,
        %parallel_loop3A_456 = arith.constant 1 : i32
        %parallel_loop3A_457 = arith.index_cast %parallel_loop3A_456 : i32 to index
        %parallel_loop3A_458 = arith.index_cast %parallel_loop3A_431 : i32 to index
        %parallel_loop3A_459 = tpu.vector_load %arg13[%parallel_loop3A_457, %parallel_loop3A_458] {strides = array<i32>} : memref<24x1024xf32, #tpu.memory_space<vmem>>, vector<16xf32>,
        %parallel_loop3A_460 = vector.broadcast %squeeze3A_340 : f32 to vector<16xf32>
        %parallel_loop3A_461 = arith.mulf %parallel_loop3A_459, %parallel_loop3A_460 : vector<16xf32>
        %parallel_loop3A_462 = arith.constant 9 : i32
        %parallel_loop3A_463 = arith.index_cast %parallel_loop3A_462 : i32 to index
        %parallel_loop3A_464 = arith.index_cast %parallel_loop3A_431 : i32 to index
        %parallel_loop3A_465 = tpu.vector_load %arg13[%parallel_loop3A_463, %parallel_loop3A_464] {strides = array<i32>} : memref<24x1024xf32, #tpu.memory_space<vmem>>, vector<16xf32>,
        %parallel_loop3A_466 = vector.broadcast %squeeze3A_356 : f32 to vector<16xf32>
        %parallel_loop3A_467 = arith.mulf %parallel_loop3A_465, %parallel_loop3A_466 : vector<16xf32>
        %parallel_loop3A_468 = arith.addf %parallel_loop3A_461, %parallel_loop3A_467 : vector<16xf32>
        %parallel_loop3A_469 = arith.constant 17 : i32
        %parallel_loop3A_470 = arith.index_cast %parallel_loop3A_469 : i32 to index
        %parallel_loop3A_471 = arith.index_cast %parallel_loop3A_431 : i32 to index
        %parallel_loop3A_472 = tpu.vector_load %arg13[%parallel_loop3A_470, %parallel_loop3A_471] {strides = array<i32>} : memref<24x1024xf32, #tpu.memory_space<vmem>>, vector<16xf32>,
        %parallel_loop3A_473 = vector.broadcast %squeeze3A_372 : f32 to vector<16xf32>
        %parallel_loop3A_474 = arith.mulf %parallel_loop3A_472, %parallel_loop3A_473 : vector<16xf32>
        %parallel_loop3A_475 = arith.addf %parallel_loop3A_468, %parallel_loop3A_474 : vector<16xf32>
        %parallel_loop3A_476 = arith.constant 1 : i32
        %parallel_loop3A_477 = arith.index_cast %parallel_loop3A_476 : i32 to index
        %parallel_loop3A_478 = arith.index_cast %parallel_loop3A_431 : i32 to index
        %parallel_loop3A_479 = tpu.vector_load %arg15[%parallel_loop3A_477, %parallel_loop3A_478] {strides = array<i32>} : memref<8x1024xf32, #tpu.memory_space<vmem>>, vector<16xf32>,
        tpu.vector_store %arg15[%parallel_loop3A_477, %parallel_loop3A_478], %parallel_loop3A_475 {strides = array<i32>} : memref<8x1024xf32, #tpu.memory_space<vmem>>, vector<16xf32>,
        %parallel_loop3A_480 = arith.constant 2 : i32
        %parallel_loop3A_481 = arith.index_cast %parallel_loop3A_480 : i32 to index
        %parallel_loop3A_482 = arith.index_cast %parallel_loop3A_431 : i32 to index
        %parallel_loop3A_483 = tpu.vector_load %arg13[%parallel_loop3A_481, %parallel_loop3A_482] {strides = array<i32>} : memref<24x1024xf32, #tpu.memory_space<vmem>>, vector<16xf32>,
        %parallel_loop3A_484 = vector.broadcast %squeeze3A_342 : f32 to vector<16xf32>
        %parallel_loop3A_485 = arith.mulf %parallel_loop3A_483, %parallel_loop3A_484 : vector<16xf32>
        %parallel_loop3A_486 = arith.constant 10 : i32
        %parallel_loop3A_487 = arith.index_cast %parallel_loop3A_486 : i32 to index
        %parallel_loop3A_488 = arith.index_cast %parallel_loop3A_431 : i32 to index
        %parallel_loop3A_489 = tpu.vector_load %arg13[%parallel_loop3A_487, %parallel_loop3A_488] {strides = array<i32>} : memref<24x1024xf32, #tpu.memory_space<vmem>>, vector<16xf32>,
        %parallel_loop3A_490 = vector.broadcast %squeeze3A_358 : f32 to vector<16xf32>
        %parallel_loop3A_491 = arith.mulf %parallel_loop3A_489, %parallel_loop3A_490 : vector<16xf32>
        %parallel_loop3A_492 = arith.addf %parallel_loop3A_485, %parallel_loop3A_491 : vector<16xf32>
        %parallel_loop3A_493 = arith.constant 18 : i32
        %parallel_loop3A_494 = arith.index_cast %parallel_loop3A_493 : i32 to index
        %parallel_loop3A_495 = arith.index_cast %parallel_loop3A_431 : i32 to index
        %parallel_loop3A_496 = tpu.vector_load %arg13[%parallel_loop3A_494, %parallel_loop3A_495] {strides = array<i32>} : memref<24x1024xf32, #tpu.memory_space<vmem>>, vector<16xf32>,
        %parallel_loop3A_497 = vector.broadcast %squeeze3A_374 : f32 to vector<16xf32>
        %parallel_loop3A_498 = arith.mulf %parallel_loop3A_496, %parallel_loop3A_497 : vector<16xf32>
        %parallel_loop3A_499 = arith.addf %parallel_loop3A_492, %parallel_loop3A_498 : vector<16xf32>
        %parallel_loop3A_500 = arith.constant 2 : i32
        %parallel_loop3A_501 = arith.index_cast %parallel_loop3A_500 : i32 to index
        %parallel_loop3A_502 = arith.index_cast %parallel_loop3A_431 : i32 to index
        %parallel_loop3A_503 = tpu.vector_load %arg15[%parallel_loop3A_501, %parallel_loop3A_502] {strides = array<i32>} : memref<8x1024xf32, #tpu.memory_space<vmem>>, vector<16xf32>,
        tpu.vector_store %arg15[%parallel_loop3A_501, %parallel_loop3A_502], %parallel_loop3A_499 {strides = array<i32>} : memref<8x1024xf32, #tpu.memory_space<vmem>>, vector<16xf32>,
        %parallel_loop3A_504 = arith.constant 3 : i32
        %parallel_loop3A_505 = arith.index_cast %parallel_loop3A_504 : i32 to index
        %parallel_loop3A_506 = arith.index_cast %parallel_loop3A_431 : i32 to index
        %parallel_loop3A_507 = tpu.vector_load %arg13[%parallel_loop3A_505, %parallel_loop3A_506] {strides = array<i32>} : memref<24x1024xf32, #tpu.memory_space<vmem>>, vector<16xf32>,
        %parallel_loop3A_508 = vector.broadcast %squeeze3A_344 : f32 to vector<16xf32>
        %parallel_loop3A_509 = arith.mulf %parallel_loop3A_507, %parallel_loop3A_508 : vector<16xf32>
        %parallel_loop3A_510 = arith.constant 11 : i32
        %parallel_loop3A_511 = arith.index_cast %parallel_loop3A_510 : i32 to index
        %parallel_loop3A_512 = arith.index_cast %parallel_loop3A_431 : i32 to index
        %parallel_loop3A_513 = tpu.vector_load %arg13[%parallel_loop3A_511, %parallel_loop3A_512] {strides = array<i32>} : memref<24x1024xf32, #tpu.memory_space<vmem>>, vector<16xf32>,
        %parallel_loop3A_514 = vector.broadcast %squeeze3A_360 : f32 to vector<16xf32>
        %parallel_loop3A_515 = arith.mulf %parallel_loop3A_513, %parallel_loop3A_514 : vector<16xf32>
        %parallel_loop3A_516 = arith.addf %parallel_loop3A_509, %parallel_loop3A_515 : vector<16xf32>
        %parallel_loop3A_517 = arith.constant 19 : i32
        %parallel_loop3A_518 = arith.index_cast %parallel_loop3A_517 : i32 to index
        %parallel_loop3A_519 = arith.index_cast %parallel_loop3A_431 : i32 to index
        %parallel_loop3A_520 = tpu.vector_load %arg13[%parallel_loop3A_518, %parallel_loop3A_519] {strides = array<i32>} : memref<24x1024xf32, #tpu.memory_space<vmem>>, vector<16xf32>,
        %parallel_loop3A_521 = vector.broadcast %squeeze3A_376 : f32 to vector<16xf32>
        %parallel_loop3A_522 = arith.mulf %parallel_loop3A_520, %parallel_loop3A_521 : vector<16xf32>
        %parallel_loop3A_523 = arith.addf %parallel_loop3A_516, %parallel_loop3A_522 : vector<16xf32>
        %parallel_loop3A_524 = arith.constant 3 : i32
        %parallel_loop3A_525 = arith.index_cast %parallel_loop3A_524 : i32 to index
        %parallel_loop3A_526 = arith.index_cast %parallel_loop3A_431 : i32 to index
        %parallel_loop3A_527 = tpu.vector_load %arg15[%parallel_loop3A_525, %parallel_loop3A_526] {strides = array<i32>} : memref<8x1024xf32, #tpu.memory_space<vmem>>, vector<16xf32>,
        tpu.vector_store %arg15[%parallel_loop3A_525, %parallel_loop3A_526], %parallel_loop3A_523 {strides = array<i32>} : memref<8x1024xf32, #tpu.memory_space<vmem>>, vector<16xf32>,
        %parallel_loop3A_528 = arith.constant 4 : i32
        %parallel_loop3A_529 = arith.index_cast %parallel_loop3A_528 : i32 to index
        %parallel_loop3A_530 = arith.index_cast %parallel_loop3A_431 : i32 to index
        %parallel_loop3A_531 = tpu.vector_load %arg13[%parallel_loop3A_529, %parallel_loop3A_530] {strides = array<i32>} : memref<24x1024xf32, #tpu.memory_space<vmem>>, vector<16xf32>,
        %parallel_loop3A_532 = vector.broadcast %squeeze3A_346 : f32 to vector<16xf32>
        %parallel_loop3A_533 = arith.mulf %parallel_loop3A_531, %parallel_loop3A_532 : vector<16xf32>
        %parallel_loop3A_534 = arith.constant 12 : i32
        %parallel_loop3A_535 = arith.index_cast %parallel_loop3A_534 : i32 to index
        %parallel_loop3A_536 = arith.index_cast %parallel_loop3A_431 : i32 to index
        %parallel_loop3A_537 = tpu.vector_load %arg13[%parallel_loop3A_535, %parallel_loop3A_536] {strides = array<i32>} : memref<24x1024xf32, #tpu.memory_space<vmem>>, vector<16xf32>,
        %parallel_loop3A_538 = vector.broadcast %squeeze3A_362 : f32 to vector<16xf32>
        %parallel_loop3A_539 = arith.mulf %parallel_loop3A_537, %parallel_loop3A_538 : vector<16xf32>
        %parallel_loop3A_540 = arith.addf %parallel_loop3A_533, %parallel_loop3A_539 : vector<16xf32>
        %parallel_loop3A_541 = arith.constant 20 : i32
        %parallel_loop3A_542 = arith.index_cast %parallel_loop3A_541 : i32 to index
        %parallel_loop3A_543 = arith.index_cast %parallel_loop3A_431 : i32 to index
        %parallel_loop3A_544 = tpu.vector_load %arg13[%parallel_loop3A_542, %parallel_loop3A_543] {strides = array<i32>} : memref<24x1024xf32, #tpu.memory_space<vmem>>, vector<16xf32>,
        %parallel_loop3A_545 = vector.broadcast %squeeze3A_378 : f32 to vector<16xf32>
        %parallel_loop3A_546 = arith.mulf %parallel_loop3A_544, %parallel_loop3A_545 : vector<16xf32>
        %parallel_loop3A_547 = arith.addf %parallel_loop3A_540, %parallel_loop3A_546 : vector<16xf32>
        %parallel_loop3A_548 = arith.constant 4 : i32
        %parallel_loop3A_549 = arith.index_cast %parallel_loop3A_548 : i32 to index
        %parallel_loop3A_550 = arith.index_cast %parallel_loop3A_431 : i32 to index
        %parallel_loop3A_551 = tpu.vector_load %arg15[%parallel_loop3A_549, %parallel_loop3A_550] {strides = array<i32>} : memref<8x1024xf32, #tpu.memory_space<vmem>>, vector<16xf32>,
        tpu.vector_store %arg15[%parallel_loop3A_549, %parallel_loop3A_550], %parallel_loop3A_547 {strides = array<i32>} : memref<8x1024xf32, #tpu.memory_space<vmem>>, vector<16xf32>,
        %parallel_loop3A_552 = arith.constant 5 : i32
        %parallel_loop3A_553 = arith.index_cast %parallel_loop3A_552 : i32 to index
        %parallel_loop3A_554 = arith.index_cast %parallel_loop3A_431 : i32 to index
        %parallel_loop3A_555 = tpu.vector_load %arg13[%parallel_loop3A_553, %parallel_loop3A_554] {strides = array<i32>} : memref<24x1024xf32, #tpu.memory_space<vmem>>, vector<16xf32>,
        %parallel_loop3A_556 = vector.broadcast %squeeze3A_348 : f32 to vector<16xf32>
        %parallel_loop3A_557 = arith.mulf %parallel_loop3A_555, %parallel_loop3A_556 : vector<16xf32>
        %parallel_loop3A_558 = arith.constant 13 : i32
        %parallel_loop3A_559 = arith.index_cast %parallel_loop3A_558 : i32 to index
        %parallel_loop3A_560 = arith.index_cast %parallel_loop3A_431 : i32 to index
        %parallel_loop3A_561 = tpu.vector_load %arg13[%parallel_loop3A_559, %parallel_loop3A_560] {strides = array<i32>} : memref<24x1024xf32, #tpu.memory_space<vmem>>, vector<16xf32>,
        %parallel_loop3A_562 = vector.broadcast %squeeze3A_364 : f32 to vector<16xf32>
        %parallel_loop3A_563 = arith.mulf %parallel_loop3A_561, %parallel_loop3A_562 : vector<16xf32>
        %parallel_loop3A_564 = arith.addf %parallel_loop3A_557, %parallel_loop3A_563 : vector<16xf32>
        %parallel_loop3A_565 = arith.constant 21 : i32
        %parallel_loop3A_566 = arith.index_cast %parallel_loop3A_565 : i32 to index
        %parallel_loop3A_567 = arith.index_cast %parallel_loop3A_431 : i32 to index
        %parallel_loop3A_568 = tpu.vector_load %arg13[%parallel_loop3A_566, %parallel_loop3A_567] {strides = array<i32>} : memref<24x1024xf32, #tpu.memory_space<vmem>>, vector<16xf32>,
        %parallel_loop3A_569 = vector.broadcast %squeeze3A_380 : f32 to vector<16xf32>
        %parallel_loop3A_570 = arith.mulf %parallel_loop3A_568, %parallel_loop3A_569 : vector<16xf32>
        %parallel_loop3A_571 = arith.addf %parallel_loop3A_564, %parallel_loop3A_570 : vector<16xf32>
        %parallel_loop3A_572 = arith.constant 5 : i32
        %parallel_loop3A_573 = arith.index_cast %parallel_loop3A_572 : i32 to index
        %parallel_loop3A_574 = arith.index_cast %parallel_loop3A_431 : i32 to index
        %parallel_loop3A_575 = tpu.vector_load %arg15[%parallel_loop3A_573, %parallel_loop3A_574] {strides = array<i32>} : memref<8x1024xf32, #tpu.memory_space<vmem>>, vector<16xf32>,
        tpu.vector_store %arg15[%parallel_loop3A_573, %parallel_loop3A_574], %parallel_loop3A_571 {strides = array<i32>} : memref<8x1024xf32, #tpu.memory_space<vmem>>, vector<16xf32>,
        %parallel_loop3A_576 = arith.constant 6 : i32
        %parallel_loop3A_577 = arith.index_cast %parallel_loop3A_576 : i32 to index
        %parallel_loop3A_578 = arith.index_cast %parallel_loop3A_431 : i32 to index
        %parallel_loop3A_579 = tpu.vector_load %arg13[%parallel_loop3A_577, %parallel_loop3A_578] {strides = array<i32>} : memref<24x1024xf32, #tpu.memory_space<vmem>>, vector<16xf32>,
        %parallel_loop3A_580 = vector.broadcast %squeeze3A_350 : f32 to vector<16xf32>
        %parallel_loop3A_581 = arith.mulf %parallel_loop3A_579, %parallel_loop3A_580 : vector<16xf32>
        %parallel_loop3A_582 = arith.constant 14 : i32
        %parallel_loop3A_583 = arith.index_cast %parallel_loop3A_582 : i32 to index
        %parallel_loop3A_584 = arith.index_cast %parallel_loop3A_431 : i32 to index
        %parallel_loop3A_585 = tpu.vector_load %arg13[%parallel_loop3A_583, %parallel_loop3A_584] {strides = array<i32>} : memref<24x1024xf32, #tpu.memory_space<vmem>>, vector<16xf32>,
        %parallel_loop3A_586 = vector.broadcast %squeeze3A_366 : f32 to vector<16xf32>
        %parallel_loop3A_587 = arith.mulf %parallel_loop3A_585, %parallel_loop3A_586 : vector<16xf32>
        %parallel_loop3A_588 = arith.addf %parallel_loop3A_581, %parallel_loop3A_587 : vector<16xf32>
        %parallel_loop3A_589 = arith.constant 22 : i32
        %parallel_loop3A_590 = arith.index_cast %parallel_loop3A_589 : i32 to index
        %parallel_loop3A_591 = arith.index_cast %parallel_loop3A_431 : i32 to index
        %parallel_loop3A_592 = tpu.vector_load %arg13[%parallel_loop3A_590, %parallel_loop3A_591] {strides = array<i32>} : memref<24x1024xf32, #tpu.memory_space<vmem>>, vector<16xf32>,
        %parallel_loop3A_593 = vector.broadcast %squeeze3A_382 : f32 to vector<16xf32>
        %parallel_loop3A_594 = arith.mulf %parallel_loop3A_592, %parallel_loop3A_593 : vector<16xf32>
        %parallel_loop3A_595 = arith.addf %parallel_loop3A_588, %parallel_loop3A_594 : vector<16xf32>
        %parallel_loop3A_596 = arith.constant 6 : i32
        %parallel_loop3A_597 = arith.index_cast %parallel_loop3A_596 : i32 to index
        %parallel_loop3A_598 = arith.index_cast %parallel_loop3A_431 : i32 to index
        %parallel_loop3A_599 = tpu.vector_load %arg15[%parallel_loop3A_597, %parallel_loop3A_598] {strides = array<i32>} : memref<8x1024xf32, #tpu.memory_space<vmem>>, vector<16xf32>,
        tpu.vector_store %arg15[%parallel_loop3A_597, %parallel_loop3A_598], %parallel_loop3A_595 {strides = array<i32>} : memref<8x1024xf32, #tpu.memory_space<vmem>>, vector<16xf32>,
        %parallel_loop3A_600 = arith.constant 7 : i32
        %parallel_loop3A_601 = arith.index_cast %parallel_loop3A_600 : i32 to index
        %parallel_loop3A_602 = arith.index_cast %parallel_loop3A_431 : i32 to index
        %parallel_loop3A_603 = tpu.vector_load %arg13[%parallel_loop3A_601, %parallel_loop3A_602] {strides = array<i32>} : memref<24x1024xf32, #tpu.memory_space<vmem>>, vector<16xf32>,
        %parallel_loop3A_604 = vector.broadcast %squeeze3A_352 : f32 to vector<16xf32>
        %parallel_loop3A_605 = arith.mulf %parallel_loop3A_603, %parallel_loop3A_604 : vector<16xf32>
        %parallel_loop3A_606 = arith.constant 15 : i32
        %parallel_loop3A_607 = arith.index_cast %parallel_loop3A_606 : i32 to index
        %parallel_loop3A_608 = arith.index_cast %parallel_loop3A_431 : i32 to index
        %parallel_loop3A_609 = tpu.vector_load %arg13[%parallel_loop3A_607, %parallel_loop3A_608] {strides = array<i32>} : memref<24x1024xf32, #tpu.memory_space<vmem>>, vector<16xf32>,
        %parallel_loop3A_610 = vector.broadcast %squeeze3A_368 : f32 to vector<16xf32>
        %parallel_loop3A_611 = arith.mulf %parallel_loop3A_609, %parallel_loop3A_610 : vector<16xf32>
        %parallel_loop3A_612 = arith.addf %parallel_loop3A_605, %parallel_loop3A_611 : vector<16xf32>
        %parallel_loop3A_613 = arith.constant 23 : i32
        %parallel_loop3A_614 = arith.index_cast %parallel_loop3A_613 : i32 to index
        %parallel_loop3A_615 = arith.index_cast %parallel_loop3A_431 : i32 to index
        %parallel_loop3A_616 = tpu.vector_load %arg13[%parallel_loop3A_614, %parallel_loop3A_615] {strides = array<i32>} : memref<24x1024xf32, #tpu.memory_space<vmem>>, vector<16xf32>,
        %parallel_loop3A_617 = vector.broadcast %squeeze3A_384 : f32 to vector<16xf32>
        %parallel_loop3A_618 = arith.mulf %parallel_loop3A_616, %parallel_loop3A_617 : vector<16xf32>
        %parallel_loop3A_619 = arith.addf %parallel_loop3A_612, %parallel_loop3A_618 : vector<16xf32>
        %parallel_loop3A_620 = arith.constant 7 : i32
        %parallel_loop3A_621 = arith.index_cast %parallel_loop3A_620 : i32 to index
        %parallel_loop3A_622 = arith.index_cast %parallel_loop3A_431 : i32 to index
        %parallel_loop3A_623 = tpu.vector_load %arg15[%parallel_loop3A_621, %parallel_loop3A_622] {strides = array<i32>} : memref<8x1024xf32, #tpu.memory_space<vmem>>, vector<16xf32>,
        tpu.vector_store %arg15[%parallel_loop3A_621, %parallel_loop3A_622], %parallel_loop3A_619 {strides = array<i32>} : memref<8x1024xf32, #tpu.memory_space<vmem>>, vector<16xf32>,
      } {sc.loop_unroll_factor = 4 : i64, sc.parallel_access}
      %jit3A_388 = arith.constant 14 : i32
      %div3A_389 = arith.divsi %add3A_2, %jit3A_388 : i32
      %sign3A_390 = arith.constant 0 : i32
      %sign3A_391 = arith.cmpi sgt, %add3A_2, %sign3A_390 : i32
      %sign3A_392 = arith.extui %sign3A_391 : i1 to i32
      %sign3A_393 = arith.constant 0 : i32
      %sign3A_394 = arith.cmpi slt, %add3A_2, %sign3A_393 : i32
      %sign3A_395 = arith.extui %sign3A_394 : i1 to i32
      %sign3A_396 = arith.subi %sign3A_392, %sign3A_395 : i32
      %sign3A_397 = arith.constant 0 : i32
      %sign3A_398 = arith.cmpi sgt, %jit3A_388, %sign3A_397 : i32
      %sign3A_399 = arith.extui %sign3A_398 : i1 to i32
      %sign3A_400 = arith.constant 0 : i32
      %sign3A_401 = arith.cmpi slt, %jit3A_388, %sign3A_400 : i32
      %sign3A_402 = arith.extui %sign3A_401 : i1 to i32
      %sign3A_403 = arith.subi %sign3A_399, %sign3A_402 : i32
      %ne3A_404 = arith.cmpi ne, %sign3A_396, %sign3A_403 : i32
      %rem3A_405 = arith.remsi %add3A_2, %jit3A_388 : i32
      %ne3A_406 = arith.constant 0 : i32
      %ne3A_407 = arith.cmpi ne, %rem3A_405, %ne3A_406 : i32
      %and3A_408 = arith.andi %ne3A_404, %ne3A_407 : i1
      %sub3A_409 = arith.constant 1 : i32
      %sub3A_410 = arith.subi %div3A_389, %sub3A_409 : i32
      %select_n3A_411 = arith.select %and3A_408, %sub3A_410, %div3A_389 : i32
      %rem3A_412 = arith.constant 14 : i32
      %rem3A_413 = arith.remsi %add3A_2, %rem3A_412 : i32
      %mul3A_414 = arith.constant 8 : i32
      %mul3A_415 = arith.muli %mul3A_414, %rem3A_413 : i32
      %multiple_of3A_416 = tpu.assume_multiple %mul3A_415, 8 : i32
      %dma_start3A_417 = arith.constant 0 : i32
      %dma_start3A_418 = arith.constant 0 : i32
      %dma_start3A_419 = tpu.memref_slice %arg6[%select_n3A_411, %dma_start3A_417, %dma_start3A_418] : memref<3x112x1024xf32, #tpu.memory_space<hbm>> -> memref<1x112x1024xf32, #tpu.memory_space<hbm>>
      %dma_start3A_420 = tpu.memref_squeeze %dma_start3A_419 : memref<1x112x1024xf32, #tpu.memory_space<hbm>> -> memref<112x1024xf32, #tpu.memory_space<hbm>>
      %dma_start3A_421 = arith.constant 0 : i32
      %dma_start3A_422 = tpu.memref_slice %dma_start3A_420[%multiple_of3A_416, %dma_start3A_421] : memref<112x1024xf32, #tpu.memory_space<hbm>> -> memref<8x1024xf32, #tpu.memory_space<hbm>>
      %dma_start3A_423 = arith.constant 0 : i32
      %dma_start3A_424 = arith.constant 0 : i32
      %dma_start3A_425 = tpu.memref_slice %arg6[%select_n3A_411, %dma_start3A_423, %dma_start3A_424] : memref<3x112x1024xf32, #tpu.memory_space<hbm>> -> memref<1x112x1024xf32, #tpu.memory_space<hbm>>
      %dma_start3A_426 = tpu.memref_squeeze %dma_start3A_425 : memref<1x112x1024xf32, #tpu.memory_space<hbm>> -> memref<112x1024xf32, #tpu.memory_space<hbm>>
      %dma_start3A_427 = arith.constant 0 : i32
      %dma_start3A_428 = tpu.memref_slice %dma_start3A_426[%multiple_of3A_416, %dma_start3A_427] : memref<112x1024xf32, #tpu.memory_space<hbm>> -> memref<8x1024xf32, #tpu.memory_space<hbm>>
      tpu.enqueue_dma source(%arg15 : memref<8x1024xf32, #tpu.memory_space<vmem>>) target(%dma_start3A_428 : memref<8x1024xf32, #tpu.memory_space<hbm>>) target_semaphore(%arg20 : memref<!tpu.dma_semaphore, #tpu.memory_space<semaphore_mem>>)
    } else {
    }
    %jit3A_245 = arith.constant 14 : i32
    %div3A_246 = arith.divsi %add3A, %jit3A_245 : i32
    %sign3A_247 = arith.constant 0 : i32
    %sign3A_248 = arith.cmpi sgt, %add3A, %sign3A_247 : i32
    %sign3A_249 = arith.extui %sign3A_248 : i1 to i32
    %sign3A_250 = arith.constant 0 : i32
    %sign3A_251 = arith.cmpi slt, %add3A, %sign3A_250 : i32
    %sign3A_252 = arith.extui %sign3A_251 : i1 to i32
    %sign3A_253 = arith.subi %sign3A_249, %sign3A_252 : i32
    %sign3A_254 = arith.constant 0 : i32
    %sign3A_255 = arith.cmpi sgt, %jit3A_245, %sign3A_254 : i32
    %sign3A_256 = arith.extui %sign3A_255 : i1 to i32
    %sign3A_257 = arith.constant 0 : i32
    %sign3A_258 = arith.cmpi slt, %jit3A_245, %sign3A_257 : i32
    %sign3A_259 = arith.extui %sign3A_258 : i1 to i32
    %sign3A_260 = arith.subi %sign3A_256, %sign3A_259 : i32
    %ne3A_261 = arith.cmpi ne, %sign3A_253, %sign3A_260 : i32
    %rem3A_262 = arith.remsi %add3A, %jit3A_245 : i32
    %ne3A_263 = arith.constant 0 : i32
    %ne3A_264 = arith.cmpi ne, %rem3A_262, %ne3A_263 : i32
    %and3A_265 = arith.andi %ne3A_261, %ne3A_264 : i1
    %sub3A_266 = arith.constant 1 : i32
    %sub3A_267 = arith.subi %div3A_246, %sub3A_266 : i32
    %select_n3A_268 = arith.select %and3A_265, %sub3A_267, %div3A_246 : i32
    %rem3A_269 = arith.constant 14 : i32
    %rem3A_270 = arith.remsi %add3A, %rem3A_269 : i32
    %mul3A_271 = arith.constant 8 : i32
    %mul3A_272 = arith.muli %mul3A_271, %rem3A_270 : i32
    %multiple_of3A_273 = tpu.assume_multiple %mul3A_272, 8 : i32
    %dma_wait3A_274 = arith.constant 0 : i32
    %dma_wait3A_275 = arith.constant 0 : i32
    %dma_wait3A_276 = tpu.memref_slice %arg6[%select_n3A_268, %dma_wait3A_274, %dma_wait3A_275] : memref<3x112x1024xf32, #tpu.memory_space<hbm>> -> memref<1x112x1024xf32, #tpu.memory_space<hbm>>
    %dma_wait3A_277 = tpu.memref_squeeze %dma_wait3A_276 : memref<1x112x1024xf32, #tpu.memory_space<hbm>> -> memref<112x1024xf32, #tpu.memory_space<hbm>>
    %dma_wait3A_278 = arith.constant 0 : i32
    %dma_wait3A_279 = tpu.memref_slice %dma_wait3A_277[%multiple_of3A_273, %dma_wait3A_278] : memref<112x1024xf32, #tpu.memory_space<hbm>> -> memref<8x1024xf32, #tpu.memory_space<hbm>>
    %dma_wait3A_280 = arith.constant 0 : i32
    %dma_wait3A_281 = arith.constant 0 : i32
    %dma_wait3A_282 = tpu.memref_slice %arg6[%select_n3A_268, %dma_wait3A_280, %dma_wait3A_281] : memref<3x112x1024xf32, #tpu.memory_space<hbm>> -> memref<1x112x1024xf32, #tpu.memory_space<hbm>>
    %dma_wait3A_283 = tpu.memref_squeeze %dma_wait3A_282 : memref<1x112x1024xf32, #tpu.memory_space<hbm>> -> memref<112x1024xf32, #tpu.memory_space<hbm>>
    %dma_wait3A_284 = arith.constant 0 : i32
    %dma_wait3A_285 = tpu.memref_slice %dma_wait3A_283[%multiple_of3A_273, %dma_wait3A_284] : memref<112x1024xf32, #tpu.memory_space<hbm>> -> memref<8x1024xf32, #tpu.memory_space<hbm>>
    tpu.wait_dma2 semaphore(%arg19 : memref<!tpu.dma_semaphore, #tpu.memory_space<semaphore_mem>>) src(%arg14 : memref<8x1024xf32, #tpu.memory_space<vmem>>) dst(%dma_wait3A_285 : memref<8x1024xf32, #tpu.memory_space<hbm>>)
    %convert_element_type3A_286 = arith.extui %lt3A_3 : i1 to i32
    %cond3A_287 = arith.constant 0 : i32
    %cond3A_288 = arith.cmpi ne, %convert_element_type3A_286, %cond3A_287 : i32
    scf.if %cond3A_288 {
      %jit3A_289 = arith.constant 14 : i32
      %div3A_290 = arith.divsi %add3A_2, %jit3A_289 : i32
      %sign3A_291 = arith.constant 0 : i32
      %sign3A_292 = arith.cmpi sgt, %add3A_2, %sign3A_291 : i32
      %sign3A_293 = arith.extui %sign3A_292 : i1 to i32
      %sign3A_294 = arith.constant 0 : i32
      %sign3A_295 = arith.cmpi slt, %add3A_2, %sign3A_294 : i32
      %sign3A_296 = arith.extui %sign3A_295 : i1 to i32
      %sign3A_297 = arith.subi %sign3A_293, %sign3A_296 : i32
      %sign3A_298 = arith.constant 0 : i32
      %sign3A_299 = arith.cmpi sgt, %jit3A_289, %sign3A_298 : i32
      %sign3A_300 = arith.extui %sign3A_299 : i1 to i32
      %sign3A_301 = arith.constant 0 : i32
      %sign3A_302 = arith.cmpi slt, %jit3A_289, %sign3A_301 : i32
      %sign3A_303 = arith.extui %sign3A_302 : i1 to i32
      %sign3A_304 = arith.subi %sign3A_300, %sign3A_303 : i32
      %ne3A_305 = arith.cmpi ne, %sign3A_297, %sign3A_304 : i32
      %rem3A_306 = arith.remsi %add3A_2, %jit3A_289 : i32
      %ne3A_307 = arith.constant 0 : i32
      %ne3A_308 = arith.cmpi ne, %rem3A_306, %ne3A_307 : i32
      %and3A_309 = arith.andi %ne3A_305, %ne3A_308 : i1
      %sub3A_310 = arith.constant 1 : i32
      %sub3A_311 = arith.subi %div3A_290, %sub3A_310 : i32
      %select_n3A_312 = arith.select %and3A_309, %sub3A_311, %div3A_290 : i32
      %rem3A_313 = arith.constant 14 : i32
      %rem3A_314 = arith.remsi %add3A_2, %rem3A_313 : i32
      %mul3A_315 = arith.constant 8 : i32
      %mul3A_316 = arith.muli %mul3A_315, %rem3A_314 : i32
      %multiple_of3A_317 = tpu.assume_multiple %mul3A_316, 8 : i32
      %dma_wait3A_318 = arith.constant 0 : i32
      %dma_wait3A_319 = arith.constant 0 : i32
      %dma_wait3A_320 = tpu.memref_slice %arg6[%select_n3A_312, %dma_wait3A_318, %dma_wait3A_319] : memref<3x112x1024xf32, #tpu.memory_space<hbm>> -> memref<1x112x1024xf32, #tpu.memory_space<hbm>>
      %dma_wait3A_321 = tpu.memref_squeeze %dma_wait3A_320 : memref<1x112x1024xf32, #tpu.memory_space<hbm>> -> memref<112x1024xf32, #tpu.memory_space<hbm>>
      %dma_wait3A_322 = arith.constant 0 : i32
      %dma_wait3A_323 = tpu.memref_slice %dma_wait3A_321[%multiple_of3A_317, %dma_wait3A_322] : memref<112x1024xf32, #tpu.memory_space<hbm>> -> memref<8x1024xf32, #tpu.memory_space<hbm>>
      %dma_wait3A_324 = arith.constant 0 : i32
      %dma_wait3A_325 = arith.constant 0 : i32
      %dma_wait3A_326 = tpu.memref_slice %arg6[%select_n3A_312, %dma_wait3A_324, %dma_wait3A_325] : memref<3x112x1024xf32, #tpu.memory_space<hbm>> -> memref<1x112x1024xf32, #tpu.memory_space<hbm>>
      %dma_wait3A_327 = tpu.memref_squeeze %dma_wait3A_326 : memref<1x112x1024xf32, #tpu.memory_space<hbm>> -> memref<112x1024xf32, #tpu.memory_space<hbm>>
      %dma_wait3A_328 = arith.constant 0 : i32
      %dma_wait3A_329 = tpu.memref_slice %dma_wait3A_327[%multiple_of3A_317, %dma_wait3A_328] : memref<112x1024xf32, #tpu.memory_space<hbm>> -> memref<8x1024xf32, #tpu.memory_space<hbm>>
      tpu.wait_dma2 semaphore(%arg20 : memref<!tpu.dma_semaphore, #tpu.memory_space<semaphore_mem>>) src(%arg15 : memref<8x1024xf32, #tpu.memory_space<vmem>>) dst(%dma_wait3A_329 : memref<8x1024xf32, #tpu.memory_space<hbm>>)
    } else {
    }
    return
  }
}

</mosaic_0001>

<sc_bundles>
// kernel: _lmk_sc.3.cloned.1.call-start
scs
__scs_entry_jumppad:
0x0: {  	(pc) =	sbr.rel $0x88, $3  }
0x1: {  	(tag) =	ssettag $0x0;
	lr =	simm.s32 $0x1  }
0x2: {  	[smem:$0x3F9D] =	sst lr;
	_ =	strace $0xD0000000  }
0x3: {  	_ = 	snop  }
0x4: {  	_ = 	snop  }
0x5: {  	_ = 	snop  }
0x6: {  	_ = 	snop  }
0x7: {  	_ = 	snop  }
__scs_overlays_trampoline_lowered:
0x8: {  	[smem:$0x3FAC] =	sst s0  }
0x9: {  	[smem:$0x3FAD] =	sst s1  }
0xa: {  	[smem:$0x3FAE] =	sst s2  }
0xb: {  	[smem:$0x3FAF] =	sst s3  }
0xc: {  	[smem:$0x3FB0] =	sst s4  }
0xd: {  	[smem:$0x3FB1] =	sst s5  }
0xe: {  	[smem:$0x3FB2] =	sst s6  }
0xf: {  	[smem:$0x3FB3] =	sst s7  }
0x10: {  	[smem:$0x3FB4] =	sst s8  }
0x11: {  	[smem:$0x3FB5] =	sst s9;
	s0 =	simm.s32 @!p0 $0x0  }
0x12: {  	s1 =	sld [smem:$0x3F9B];
	s0 =	simm.s32 @p0 $0x1  }
0x13: {  	[smem:$0x3FB6] =	sst s0;
	s0 =	simm.s32 @!p1 $0x0  }
0x14: {  	s2 =	sld [smem:$0x3F9A];
	s0 =	simm.s32 @p1 $0x1  }
0x15: {  	[smem:$0x3FB7] =	sst s0;
	s0 =	simm.s32 @!p2 $0x0  }
0x16: {  	s3 =	sld [smem:$0x3FDB];
	s0 =	simm.s32 @p2 $0x1  }
0x17: {  	s4 =	simm.s32 $0x1BF5;
	[smem:$0x3FB9] =	sst s0  }
0x18: {  	s0 =	sld [smem:$0x3F9C];
	_ =	swait.ge [sflag:s4], $0x0  }
0x19: {  	s7 =	sld [smem:$0x3F9D]  }
0x1a: {  	s8 =	sadd.s32 $0xFFFFE003, lr  }
0x1b: {  	s9 =	sadd.s32 $0xFFFFFEF7, lr;
	s5 =	simm.s32 $0xFFFFFFFF;
	p2 =	slt.u32 s8, $0xFFFFF086  }
0x1c: {  	p1 =	slt.u32 s9, $0xF7A;
	s5 =	simm.s32 @!p2 $0x0  }
0x1d: {  	s5 =	simm.s32 @p1 $0x1;
	p0 =	seq.s32 s7, s2  }
0x1e: {  	s7 =	smul.u32 @!p0 $0xF7A, s2;
	p2 =	seq.s32 @!p0 s5, $0x0  }
0x1f: {  	s9 =	smul.u32 $0xF7A, s1;
	s8 =	simm.s32 @!p0 $0x1BF5;
	p2 =	por !p2, p0  }
0x20: {  	[sflag:s8] =	ssyncset.s32 @!p0 $0xFFFFF086;
	s6 =	sadd.s32 @!p0 s3, s7;
	s7 =	simm.s32 @!p0 $0x108  }
0x21: {  	s3 =	sadd.s32 s3, s9;
	s6 =	sadd.s32 @!p0 $0x88, s6;
	s7 =	simm.s32 @p2 $0x1082  }
0x22: {  	[simem:s7], [sflag:s8] =	dma.local @!p0 [hbm:s6], $0xF7A  }
0x23: {  	s9 =	sor.u32 $0xD0000000, s2;
	s6 =	simm.s32 $0x108;
	_ =	swait.ge @!p0 [sflag:s8], $0x0  }
0x24: {  	s3 =	sadd.s32 $0x88, s3;
	s6 =	simm.s32 @!p1 $0x1082;
	[sflag:s4] =	ssyncset.s32 $0xFFFFF086  }
0x25: {  	[simem:s6], [sflag:s4] =	dma.local [hbm:s3], $0xF7A  }
0x26: {  	[smem:$0x3F9D] =	sst s1;
	(tag) =	ssettag s2;
	_ =	strace s9  }
0x27: {  	s1 =	sld [smem:$0x3FAD]  }
0x28: {  	s2 =	sld [smem:$0x3FAE]  }
0x29: {  	s4 =	sld [smem:$0x3FB0]  }
0x2a: {  	p0 =	seq.s32 s5, $0x0;
	s5 =	sld [smem:$0x3FB1]  }
0x2b: {  	s6 =	sld [smem:$0x3FB2]  }
0x2c: {  	s7 =	sld [smem:$0x3FB3]  }
0x2d: {  	s3 =	simm.s32 $0x108;
	s8 =	sld [smem:$0x3FB4]  }
0x2e: {  	s3 =	simm.s32 @!p0 $0x1082;
	s9 =	sld [smem:$0x3FB5]  }
0x2f: {  	lr =	sadd.s32 s0, s3;
	s0 =	sld [smem:$0x3FAC]  }
0x30: {  	s3 =	sld [smem:$0x3FAF]  }
0x31: {  	[smem:$0x3FB8] =	sst s10  }
0x32: {  	s10 =	sld [smem:$0x3FB6];
	_ =	sdelay $0x3  }
0x33: {  	p0 =	seq.s32 s10, $0x1;
	s10 =	sld [smem:$0x3FB8];
	_ =	sdelay $0x3  }
0x34: {  	[smem:$0x3FB8] =	sst s10  }
0x35: {  	s10 =	sld [smem:$0x3FB7];
	_ =	sdelay $0x3  }
0x36: {  	p1 =	seq.s32 s10, $0x1;
	s10 =	sld [smem:$0x3FB8];
	_ =	sdelay $0x3  }
0x37: {  	[smem:$0x3FB8] =	sst s10  }
0x38: {  	s10 =	sld [smem:$0x3FB9]  }
0x39: {  	_ = 	snop;
	(pc) =	sbr.ind lr, $3  }
0x3a: {  	_ = 	snop  }
0x3b: {  	_ = 	snop  }
0x3c: {  	p2 =	seq.s32 s10, $0x1;
	s10 =	sld [smem:$0x3FB8]  }
0x3d: {  	_ =	shalt  }
0x3e: {  	_ =	shalt  }
0x3f: {  	_ =	shalt  }
0x40: {  	_ =	shalt  }
0x41: {  	_ =	shalt  }
0x42: {  	_ =	shalt  }
0x43: {  	_ =	shalt  }
0x44: {  	_ =	shalt  }
0x45: {  	_ =	shalt  }
0x46: {  	_ =	shalt  }
0x47: {  	_ =	shalt  }
0x48: {  	_ =	shalt  }
0x49: {  	_ =	shalt  }
0x4a: {  	_ =	shalt  }
0x4b: {  	_ =	shalt  }
0x4c: {  	_ =	shalt  }
0x4d: {  	_ =	shalt  }
0x4e: {  	_ =	shalt  }
0x4f: {  	_ =	shalt  }
0x50: {  	_ =	shalt  }
0x51: {  	_ =	shalt  }
0x52: {  	_ =	shalt  }
0x53: {  	_ =	shalt  }
0x54: {  	_ =	shalt  }
0x55: {  	_ =	shalt  }
0x56: {  	_ =	shalt  }
0x57: {  	_ =	shalt  }
0x58: {  	_ =	shalt  }
0x59: {  	_ =	shalt  }
0x5a: {  	_ =	shalt  }
0x5b: {  	_ =	shalt  }
0x5c: {  	_ =	shalt  }
0x5d: {  	_ =	shalt  }
0x5e: {  	_ =	shalt  }
0x5f: {  	_ =	shalt  }
0x60: {  	_ =	shalt  }
0x61: {  	_ =	shalt  }
0x62: {  	_ =	shalt  }
0x63: {  	_ =	shalt  }
0x64: {  	_ =	shalt  }
0x65: {  	_ =	shalt  }
0x66: {  	_ =	shalt  }
0x67: {  	_ =	shalt  }
0x68: {  	_ =	shalt  }
0x69: {  	_ =	shalt  }
0x6a: {  	_ =	shalt  }
0x6b: {  	_ =	shalt  }
0x6c: {  	_ =	shalt  }
0x6d: {  	_ =	shalt  }
0x6e: {  	_ =	shalt  }
0x6f: {  	_ =	shalt  }
0x70: {  	_ =	shalt  }
0x71: {  	_ =	shalt  }
0x72: {  	_ =	shalt  }
0x73: {  	_ =	shalt  }
0x74: {  	_ =	shalt  }
0x75: {  	_ =	shalt  }
0x76: {  	_ =	shalt  }
0x77: {  	_ =	shalt  }
0x78: {  	_ =	shalt  }
0x79: {  	_ =	shalt  }
0x7a: {  	_ =	shalt  }
0x7b: {  	_ =	shalt  }
0x7c: {  	_ =	shalt  }
0x7d: {  	_ =	shalt  }
0x7e: {  	_ =	shalt  }
0x7f: {  	_ =	shalt  }
0x80: {  	_ =	shalt  }
0x81: {  	_ =	shalt  }
0x82: {  	_ =	shalt  }
0x83: {  	_ =	shalt  }
0x84: {  	_ =	shalt  }
0x85: {  	_ =	shalt  }
0x86: {  	_ =	shalt  }
0x87: {  	_ =	shalt  }
.Lfunc_end0:
.L_simem_size_0:
called_computation_lowered:
.L_overlay_start_0:
0x88: {  	s2 =	sld [smem:$0x3FD9]  }
0x89: {  	s3 =	sld [smem:$0x3FFE];
	_ =	sdelay $0x1  }
0x8a: {  	s1 =	srdreg.scid  }
0x8b: {  	s0 =	sand.u32 $0x1, s1  }
0x8c: {  	s18 =	sshll.u32 s0, $0xA;
	s2 =	sadd.s32 s3, s2  }
0x8d: {  	s2 =	sadd.s32 s2, s18  }
0x8e: {  	[smem:$0x3FC4] =	sst s2  }
0x8f: {  	_ = 	snop  }
0x90: {  	s2 =	sld [smem:$0x3FC9]  }
0x91: {  	s19 =	sld [smem:$0x3FC8]  }
0x92: {  	s4 =	sld [smem:$0x3FC7]  }
0x93: {  	s5 =	sld [smem:$0x3FC6]  }
0x94: {  	s6 =	sld [smem:$0x3FD0];
	(tm) =	ssettm $0x1  }
0x95: {  	s7 =	sld [smem:$0x3FFB];
	_ =	sdelay $0x3  }
0x96: {  	_ =	strace s7  }
0x97: {  	s7 =	sld [smem:$0x3FFC];
	_ =	sdelay $0x3  }
0x98: {  	_ =	strace s7  }
0x99: {  	s7 =	sld [smem:$0x3FFD];
	_ =	sdelay $0x3  }
0x9a: {  	_ =	strace s7  }
0x9b: {  	_ =	strace $0x8FFFFFFF  }
0x9c: {  	s20 =	sld [smem:$0x3FDB];
	_ =	sdelay $0x1  }
0x9d: {  	s8 =	simm.s32 $_scs_section_size  }
0x9e: {  	s9 =	simm.s32 $_size__tile_overlayer_lowered;
	s10 =	simm.s32 $_tile_overlayer_lowered  }
0x9f: {  	s23 =	simm.s32 $0x1BFF;
	s22 =	sshll.u32 s10, $0x1;
	s7 =	sadd.s32 s8, s20  }
0xa0: {  	s11 =	simm.s32 $0x0;
	s21 =	sshll.u32 s9, $0x1;
	s9 =	sadd.s32 s22, s7  }
0xa1: {  	[timem:s11], [sflag:s23] =	dma.local [hbm:s9], s21  }
0xa2: {  	_ =	swait.ge [sflag:s23], s21  }
0xa3: {  	s8 =	ssub.s32 $0x0, s21;
	[sflag:s23] =	ssyncset.done $0x0  }
0xa4: {  	[sflag:s23] =	ssyncadd.s32 s8;
	_ =	sdelay $0x1  }
0xa5: {  	s24 =	simm.s32 $0x1B8B  }
0xa6: {  	_ =	swait.ge [sflag:s24], $0x1  }
0xa7: {  	[sflag:s24] =	ssyncset.done $0x0  }
0xa8: {  	s25 =	simm.s32 $0x1B8E;
	[sflag:s24] =	ssyncadd.s32 $0xFFFFFFFF  }
0xa9: {  	s26 =	simm.s32 $execute0_lowered;
	[smem:$0x3FD2] =	sst s25  }
0xaa: {  	s8 =	sshll.u32 s26, $0x1;
	_ =	strace $0x80000046;
	[dreg:$0x1] =	wrdreg $0xFFFFFFFF  }
0xab: {  	s28 =	simm.s32 $_size_execute0_lowered;
	s7 =	sadd.s32 s7, s8;
	[dreg:$0x0] =	wrdreg $0x0  }
0xac: {  	s8 =	sshll.u32 s28, $0x1;
	[dreg:$0x2] =	wrdreg s7  }
0xad: {  	[dreg:$0x3] =	wrdreg s8  }
0xae: {  	[dreg:$0x4] =	wrdreg $0xC0  }
0xaf: {  	_ =	task [dreg:s11], $0x5FFFF  }
0xb0: {  	[dreg:$0x1] =	wrdreg $0xFFFFFFFF  }
0xb1: {  	[dreg:$0x0] =	wrdreg $0x60  }
0xb2: {  	[dreg:$0x2] =	wrdreg s2  }
0xb3: {  	[dreg:$0x3] =	wrdreg s19  }
0xb4: {  	[dreg:$0x4] =	wrdreg s4  }
0xb5: {  	[dreg:$0x5] =	wrdreg s5  }
0xb6: {  	[dreg:$0x6] =	wrdreg s6  }
0xb7: {  	[dreg:$0x7] =	wrdreg $0x9  }
0xb8: {  	_ =	task.clear_ibuf [dreg:s11], $0x8FFFF;
	_ =	strace $0x90000046  }
0xb9: {  	s29 =	simm.s32 $0x9;
	_ =	strace $0x80000048  }
0xba: {  	_ =	swait.ge [sflag:s29], $0x1  }
0xbb: {  	[sflag:s29] =	ssyncadd.s32 $0xFFFFFFFF  }
0xbc: {  	_ =	strace $0x90000048  }
0xbd: {  	_ =	sfence  }
0xbe: {  	s30 =	sld [smem:$0x0];
	_ =	sdelay $0x2  }
0xbf: {  	s31 =	sshll.u32 s1, $0xD;
	s1 =	sshrl.u32 s1, $0x2  }
0xc0: {  	s3 =	sand.u32 $0x4000, s31;
	s1 =	sadd.s32 s1, s30  }
0xc1: {  	s0 =	sor.u32 s3, s0;
	s1 =	sshll.u32 s1, $0x11  }
0xc2: {  	s0 =	sor.u32 s1, s0  }
0xc3: {  	s0 =	sadd.s32 $0x8F2B, s0  }
0xc4: {  	[sflag:s0] =	ssyncadd.remote.s32 $0x1  }
0xc5: {  	_ =	sfence.sel $0xFFFF  }
0xc6: {  	[dreg:$0x0] =	wrdreg $0xFFFFFFFF;
	(pc) =	sbr.abs _section_cstart, $3  }
0xc7: {  	[dreg:$0x1] =	wrdreg $0xFFFFFFFF  }
0xc8: {  	_ =	task.clear_ibuf [dreg:s11], $0x2FFFF;
	_ =	strace $0x9FFFFFFF  }
0xc9: {  	(tm) =	ssettm $0x7FFFFFFF  }
tec
execute0_lowered:
.L_overlay_start_1:
0x0: {  	(tag) =	ssettag $0x1  }
0x1: {  	s0 =	rddreg [dreg:$0x0];
	s1 =	srdreg.scid  }
0x2: {  	s11 =	stileid.u32;
	s3 =	rddreg [dreg:$0x4];
	s7 =	simm.s32 $0x0  }
0x3: {  	s1 =	sand.u32 $0x1, s1;
	s2 =	sshll.u32 s11, $0x1;
	s5 =	smul.u32 $0x25, s11  }
0x4: {  	[smem:$0x7FF] =	sst s7;
	p0 =	sgt.u32 s11, $0x4;
	s2 =	sor.u32 s1, s2  }
0x5: {  	s1 =	ssub.s32 $0x2, s1;
	s4 =	smul.u32 $0x25, s2;
	s6 =	sor.u32 $0x20, s2  }
0x6: {  	s5 =	sshrl.u32 s5, $0x8;
	s9 =	sshrl.u32 s1, $0x1;
	s23 =	smul.u32 $0x25, s6  }
0x7: {  	_ =	strace $0x80000047;
	s8 =	smul.u32 $0x9D000, s5;
	s1 =	ssub.s32 s1, s9  }
0x8: {  	s5 =	smul.u32 $0x3800, s5;
	s4 =	sshrl.u32 s4, $0x9;
	s1 =	smax.u32 s1, $0x1  }
0x9: {  	s4 =	smul.u32 $0xE, s4;
	s7 =	sshrl.u32 s23, $0x9;
	s8 =	sadd.s32 s0, s8  }
0xa: {  	s29 =	sadd.s32 s3, s5;
	[smem:$0x7F9] =	sst s1;
	s24 =	smul.u32 $0xE, s7  }
0xb: {  	s25 =	smul.u32 $0x9D000, s7;
	[smem:$0x7FA] =	sst s8;
	s30 =	sadd.s32 $0x100, s8  }
0xc: {  	v12 =	vlaneseq.u32;
	s26 =	smul.u32 $0x3800, s7;
	s2 =	ssub.s32 s2, s4;
	[smem:$0x7FB] =	sst s30  }
0xd: {  	v9 =	vimm.s32 $0x0;
	vm0 =	vmmov $0xffff;
	v0 =	vand.u32 $0x7, v12;
	s2 =	sand.u32 $0xFF, s2;
	s4 =	ssub.s32 s6, s24;
	s0 =	sadd.s32 s0, s25  }
.Ltmp0:
0xe: {  	v7 =	vor.u32 $0x80, v12;
	v8 =	vor.u32 $0x100, v12;
	v11 =	vshrl.u32 v12, $0x3;
	s3 =	sadd.s32 s3, s26;
	s10 =	sshll.u32 s2, $0x3;
	(pc) =	sbr.rel .LBB2_1-.Ltmp0, $4  }
0xf: {  	v10 =	vmul.u32 $0x80, v11;
	v11 =	vmul.u32 $0x8, v11;
	vm1 =	vmmov @!p0 $0xffff;
	s4 =	sand.u32 $0xFF, s4;
	[smem:$0x7F8] =	sst s0;
	s2 =	sshll.u32 s2, $0xA  }
0x10: {  	s28 =	sshll.u32 s4, $0x3;
	s4 =	sshll.u32 s4, $0xA;
	v1 =	vor.u32 s10, v0;
	v3 =	vadd.s32 s10, v12;
	v4 =	vadd.s32 s10, v7;
	s0 =	sadd.s32 s2, s29  }
0x11: {  	v2 =	vor.u32 s28, v0;
	[smem:$0x7FC] =	sst s0;
	v5 =	vor.u32 $0x100, v3;
	v6 =	vadd.s32 s28, v12;
	s31 =	sadd.s32 s4, s3  }
0x12: {  	s2 =	simm.s32 $0x0;
	v7 =	vadd.s32 s28, v7;
	v8 =	vadd.s32 s28, v8;
	v12 =	vor.u32 $0x8, v12;
	[smem:$0x7FD] =	sst s31  }
.LBB2_6:
0x13: {  	v13 =	vld [tilespmem:s19+$0xFF80]  }
0x14: {  	[tilespmem:s7+$0x17F80] =	vst v47;
	v14 =	vld [tilespmem:s3+$0x0]  }
0x15: {  	v15 =	vld [tilespmem:s10+$0xFF80]  }
0x16: {  	v16 =	vld [tilespmem:s12+$0x0]  }
0x17: {  	v17 =	vld [tilespmem:s22+$0x0]  }
0x18: {  	v18 =	vadd.f32 v46, v45;
	v19 =	vld [tilespmem:s21+$0x0]  }
0x19: {  	v13 =	vmul.f32 v13, v33;
	v14 =	vmul.f32 v14, v32  }
0x1a: {  	v18 =	vadd.f32 v44, v18  }
0x1b: {  	v15 =	vmul.f32 v15, v33;
	v13 =	vadd.f32 v14, v13;
	v14 =	vmul.f32 v16, v32  }
0x1c: {  	v55 =	vmul.f32 v17, v31  }
0x1d: {  	[tilespmem:s6+$0x17F80] =	vst v18;
	v14 =	vadd.f32 v14, v15;
	v15 =	vmul.f32 v19, v31  }
0x1e: {  	v56 =	vld [tilespmem:s17+$0xFF80];
	v13 =	vadd.f32 v55, v13  }
0x1f: {  	v57 =	vld [tilespmem:s9+$0x0];
	v14 =	vadd.f32 v15, v14  }
0x20: {  	v21 =	vld [tilespmem:s16+$0x0];
	[tilespmem:s19+$0x17F80] =	vst v13  }
0x21: {  	v13 =	vld [tilespmem:s14+$0xFF80];
	[tilespmem:s10+$0x17F80] =	vst v14  }
0x22: {  	s1 =	rddreg [dreg:$0x18];
	v58 =	vld [tilespmem:s18+$0x0]  }
0x23: {  	s29 =	rddreg [dreg:$0x10];
	v14 =	vld [tilespmem:s1+$0x0]  }
0x24: {  	v59 =	vmul.f32 v42, v37;
	v20 =	vmul.f32 v39, v36;
	v15 =	vld [tilespmem:s29+$0xFF80]  }
0x25: {  	v22 =	vmul.f32 v40, v34;
	v23 =	vmul.f32 v41, v34;
	v24 =	vld [tilespmem:s15+$0x0]  }
0x26: {  	v60 =	vmul.f32 v43, v34;
	v19 =	vadd.f32 v20, v59;
	v16 =	vmul.f32 v56, v37;
	v25 =	vld [tilespmem:s0+$0x0]  }
0x27: {  	v22 =	vadd.f32 v22, v35;
	v17 =	vmul.f32 v57, v36;
	v62 =	vmul.f32 v21, v34  }
0x28: {  	v19 =	vadd.f32 v23, v19;
	v13 =	vmul.f32 v13, v37;
	v14 =	vmul.f32 v14, v36  }
0x29: {  	v16 =	vadd.f32 v17, v16;
	v61 =	vmul.f32 v58, v36;
	v15 =	vmul.f32 v15, v37  }
0x2a: {  	v20 =	vadd.f32 v60, v38;
	[tilespmem:s31+$0x17F80] =	vst v22;
	v13 =	vadd.f32 v14, v13;
	v14 =	vmul.f32 v24, v34  }
0x2b: {  	[tilespmem:s5+$0x17F80] =	vst v19;
	v16 =	vadd.f32 v62, v16;
	v63 =	vmul.f32 v25, v34;
	v15 =	vadd.f32 v61, v15  }
0x2c: {  	[tilespmem:s30+$0x17F80] =	vst v20;
	v13 =	vadd.f32 v14, v13  }
0x2d: {  	[tilespmem:s17+$0x17F80] =	vst v16;
	v14 =	vadd.f32 v63, v15  }
0x2e: {  	[tilespmem:s14+$0x17F80] =	vst v13  }
0x2f: {  	[tilespmem:s29+$0x17F80] =	vst v14  }
0x30: {  	s1 =	sld [smem:$0x7FD];
	_ =	sdelay $0x1  }
0x31: {  	s2 =	simm.s32 $0x17F80;
	s30 =	simm.s32 $0x0;
	s31 =	simm.s32 $0x4  }
0x32: {  	[hbm4b:s1+s30] =	stream.linear.scatter [tilespmem:s2], [sflag:$0x5], $0x2000, $0x38;
	[tilespmem:$0x19F80] =	vst v63  }
0x33: {  	_ =	swait.ge [sflag:s31], $0x2000  }
0x34: {  	[sflag:s31] =	ssyncset.done $0x0  }
0x35: {  	s0 =	simm.s32 $0x5;
	s2 =	sld [smem:$0x7F7];
	[sflag:s31] =	ssyncadd.s32 $0xFFFFE000  }
.LBB2_7:
0x36: {  	_ =	swait.ge [sflag:s0], $0x2000  }
0x37: {  	s1 =	sld [smem:$0x7F9];
	_ =	sdelay $0x1  }
0x38: {  	s2 =	sadd.s32 $0x1, s2  }
0x39: {  	p1 =	sne.s32 s2, s1  }
.Ltmp1:
0x3a: {  	_ = 	snop;
	(pc) =	sbr.rel @!p1 .LBB2_8-.Ltmp1, $3  }
0x3b: {  	_ =	sdelay $0x1  }
0x3c: {  	[sflag:s0] =	ssyncset.done $0x0  }
0x3d: {  	[sflag:s0] =	ssyncadd.s32 $0xFFFFE000  }
.LBB2_1:
0x3e: {  	s0 =	rddreg [dreg:$0x1];
	s30 =	simm.s32 $0x0;
	s1 =	simm.s32 $0x80  }
0x3f: {  	[tilespmem:s1], [sflag:$0x1] =	stream.linear.gather [hbm4b:s0+s30], $0x9C00, $0x38;
	[tilespmem:$0x19F80] =	vst v63  }
0x40: {  	[tilespmem:$0x0] =	vst v9  }
0x41: {  	[tilespmem:$0x10] =	vst v9  }
0x42: {  	[tilespmem:$0x20] =	vst v9  }
0x43: {  	[tilespmem:$0x30] =	vst v9  }
0x44: {  	[tilespmem:$0x40] =	vst v9  }
0x45: {  	[tilespmem:$0x50] =	vst v9  }
0x46: {  	[smem:$0x7F7] =	sst s2;
	[tilespmem:$0x60] =	vst v9  }
0x47: {  	s26 =	rddreg [dreg:$0x2];
	s28 =	simm.s32 $0x6;
	[tilespmem:$0x70] =	vst v9  }
0x48: {  	[tilespmem:s30], [sflag:$0x6] =	stream.linear.gather [hbm4b:s26+s30], $0x69, $0x38;
	[tilespmem:$0x19F80] =	vst v63  }
0x49: {  	_ =	swait.ge [sflag:s28], $0x69  }
0x4a: {  	[sflag:s28] =	ssyncset.done $0x0  }
0x4b: {  	[sflag:s28] =	ssyncadd.s32 $0xFFFFFF97  }
0x4c: {  	s6 =	simm.s32 $0x9C80;
	s3 =	rddreg [dreg:$0x3]  }
0x4d: {  	[tilespmem:s6], [sflag:$0x6] =	stream.linear.gather [hbm4b:s3+s30], $0x180, $0x38;
	[tilespmem:$0x19F80] =	vst v63  }
0x4e: {  	_ =	swait.ge [sflag:s28], $0x180  }
0x4f: {  	[sflag:s28] =	ssyncset.done $0x0  }
0x50: {  	s4 =	simm.s32 $0x1;
	[sflag:s28] =	ssyncadd.s32 $0xFFFFFE80  }
0x51: {  	_ =	swait.ge [sflag:s4], $0x9C00  }
0x52: {  	[sflag:s4] =	ssyncset.done $0x0  }
0x53: {  	[sflag:s4] =	ssyncadd.s32 $0xFFFF6400  }
0x54: {  	v13 =	vld.idx.msk [tilespmem:v1+s30+$0x0], $0xffff;
	_ =	sdelay $0x4  }
0x55: {  	v14 =	vshll.u32 v13, $0x2  }
0x56: {  	v13 =	vand.u32 $0x7F, v13;
	v14 =	vand.u32 $0xFFFFFE00, v14  }
0x57: {  	v13 =	vor.u32 v13, v14  }
0x58: {  	v14 =	vor.u32 v10, v13;
	_ =	sdelay $0x4  }
0x59: {  	v14 =	vld.idx.msk [tilespmem:v14+s1+$0x0], $0xffff;
	_ =	sdelay $0x3  }
0x5a: {  	v13 =	vor.u32 $0x100, v13  }
0x5b: {  	v15 =	vshll.u32 v14, $0x3  }
0x5c: {  	v16 =	vand.u32 $0x7, v14;
	v15 =	vand.u32 $0xFFFFFFC0, v15  }
0x5d: {  	v15 =	vor.u32 v16, v15  }
0x5e: {  	[tilespmem:$0x9E80] =	vst v14;
	v14 =	vperm.xlane v15, v0  }
0x5f: {  	v13 =	vld.idx.msk [tilespmem:v13+s1+$0x0], $0xffff  }
0x60: {  	v14 =	vadd.s32 v11, v14;
	_ =	sdelay $0x1  }
0x61: {  	s5 =	sld [smem:$0x7FA];
	_ =	sdelay $0x1  }
0x62: {  	s7 =	simm.s32 $0x9F80;
	s3 =	sld [smem:$0x7FB];
	[tilespmem:$0x9E90] =	vst v13  }
0x63: {  	[tilespmem:s7], [sflag:$0x2] =	stream.indirect_vreg.gather [hbm4b:s5+s30], $0x80, v14, vm0, $0xb8;
	[tilespmem:$0x19F80] =	vst v63  }
0x64: {  	s8 =	simm.s32 $0xA780;
	v13 =	vperm.xlane v15, v12  }
0x65: {  	[tilespmem:s8], [sflag:$0x2] =	stream.indirect_vreg.gather [hbm4b:s3+s30], $0x80, v14, vm0, $0xb8;
	[tilespmem:$0x19F80] =	vst v63  }
0x66: {  	s10 =	simm.s32 $0xAF80;
	s9 =	sadd.s32 $0x200, s5;
	v13 =	vadd.s32 v11, v13  }
0x67: {  	[tilespmem:s10], [sflag:$0x2] =	stream.indirect_vreg.gather [hbm4b:s9+s30], $0x80, v14, vm0, $0xb8;
	[tilespmem:$0x19F80] =	vst v63  }
0x68: {  	s4 =	simm.s32 $0xB780;
	s11 =	sadd.s32 $0x300, s5  }
0x69: {  	[tilespmem:s4], [sflag:$0x2] =	stream.indirect_vreg.gather [hbm4b:s11+s30], $0x80, v14, vm0, $0xb8;
	[tilespmem:$0x19F80] =	vst v63  }
0x6a: {  	s12 =	simm.s32 $0xBF80  }
0x6b: {  	[tilespmem:s12], [sflag:$0x2] =	stream.indirect_vreg.gather [hbm4b:s5+s30], $0x80, v13, vm0, $0xb8;
	[tilespmem:$0x19F80] =	vst v63  }
0x6c: {  	s13 =	simm.s32 $0xC780  }
0x6d: {  	[tilespmem:s13], [sflag:$0x2] =	stream.indirect_vreg.gather [hbm4b:s3+s30], $0x80, v13, vm0, $0xb8;
	[tilespmem:$0x19F80] =	vst v63  }
0x6e: {  	s14 =	simm.s32 $0xCF80  }
0x6f: {  	[tilespmem:s14], [sflag:$0x2] =	stream.indirect_vreg.gather [hbm4b:s9+s30], $0x80, v13, vm0, $0xb8;
	[tilespmem:$0x19F80] =	vst v63  }
0x70: {  	s15 =	simm.s32 $0xD780  }
0x71: {  	[tilespmem:s15], [sflag:$0x2] =	stream.indirect_vreg.gather [hbm4b:s11+s30], $0x80, v13, vm0, $0xb8;
	[tilespmem:$0x19F80] =	vst v63  }
0x72: {  	v13 =	vld.msk [tilespmem:$0x9E90], $0xff;
	_ =	sdelay $0x4  }
0x73: {  	v14 =	vshll.u32 v13, $0x3  }
0x74: {  	v13 =	vand.u32 $0x7, v13;
	v14 =	vand.u32 $0xFFFFFFC0, v14  }
0x75: {  	v13 =	vor.u32 v13, v14  }
0x76: {  	v13 =	vperm.xlane v13, v0;
	_ =	sdelay $0x1  }
0x77: {  	v13 =	vadd.s32 v11, v13;
	_ =	sdelay $0x3  }
0x78: {  	s16 =	simm.s32 $0xDF80  }
0x79: {  	[tilespmem:s16], [sflag:$0x2] =	stream.indirect_vreg.gather [hbm4b:s5+s30], $0x80, v13, vm0, $0xb8;
	[tilespmem:$0x19F80] =	vst v63  }
0x7a: {  	s17 =	simm.s32 $0xE780  }
0x7b: {  	[tilespmem:s17], [sflag:$0x2] =	stream.indirect_vreg.gather [hbm4b:s3+s30], $0x80, v13, vm0, $0xb8;
	[tilespmem:$0x19F80] =	vst v63  }
0x7c: {  	s18 =	simm.s32 $0xEF80  }
0x7d: {  	[tilespmem:s18], [sflag:$0x2] =	stream.indirect_vreg.gather [hbm4b:s9+s30], $0x80, v13, vm0, $0xb8;
	[tilespmem:$0x19F80] =	vst v63  }
0x7e: {  	s19 =	simm.s32 $0xF780;
	s0 =	simm.s32 @!p0 $0x0  }
0x7f: {  	[tilespmem:s19], [sflag:$0x2] =	stream.indirect_vreg.gather [hbm4b:s11+s30], $0x80, v13, vm0, $0xb8;
	[tilespmem:$0x19F80] =	vst v63  }
0x80: {  	v13 =	vld.idx.msk @!p0 [tilespmem:v2+s0+$0x0], $0xffff;
	_ =	sdelay $0x3  }
0x81: {  	v14 =	vlaneseq.u32 @!p0  }
0x82: {  	v16 =	vshrl.u32 @!p0 v14, $0x3;
	v15 =	vshll.u32 @!p0 v13, $0x2  }
0x83: {  	v17 =	vmul.u32 @!p0 $0x80, v16;
	v13 =	vand.u32 @!p0 $0x7F, v13;
	v15 =	vand.u32 @!p0 $0xFFFFFE00, v15  }
0x84: {  	v13 =	vor.u32 @!p0 v13, v15  }
0x85: {  	v15 =	vor.u32 @!p0 v17, v13;
	_ =	sdelay $0x3  }
0x86: {  	s1 =	simm.s32 @!p0 $0x80  }
0x87: {  	v15 =	vld.idx.msk @!p0 [tilespmem:v15+s1+$0x0], $0xffff;
	_ =	sdelay $0x3  }
0x88: {  	v13 =	vor.u32 @!p0 $0x100, v13  }
0x89: {  	v17 =	vshll.u32 @!p0 v15, $0x3  }
0x8a: {  	v18 =	vand.u32 @!p0 $0x7, v15;
	v17 =	vand.u32 @!p0 $0xFFFFFFC0, v17  }
0x8b: {  	v17 =	vor.u32 @!p0 v18, v17;
	v18 =	vand.u32 @!p0 $0x7, v14  }
0x8c: {  	v16 =	vmul.u32 @!p0 $0x8, v16;
	[tilespmem:$0x9F00] =	vst @!p0 v15;
	v15 =	vperm.xlane @!p0 v17, v18  }
0x8d: {  	v13 =	vld.idx.msk @!p0 [tilespmem:v13+s1+$0x0], $0xffff  }
0x8e: {  	v15 =	vadd.s32 @!p0 v16, v15;
	_ =	sdelay $0x1  }
0x8f: {  	s5 =	sld [smem:$0x7F8];
	_ =	sdelay $0x1  }
0x90: {  	s1 =	simm.s32 @!p0 $0xFF80;
	[tilespmem:$0x9F10] =	vst @!p0 v13  }
0x91: {  	v13 =	vor.u32 @!p0 $0x8, v14;
	[tilespmem:s1], [sflag:$0x3] =	stream.indirect_vreg.gather @!p0 [hbm4b:s5+s0], $0x80, v15, vm1, $0xb8;
	[tilespmem:$0x19F80] =	vst v63  }
0x92: {  	s2 =	simm.s32 @!p0 $0x10780;
	v13 =	vperm.xlane @!p0 v17, v13;
	s1 =	sadd.s32 @!p0 $0x100, s5  }
0x93: {  	[tilespmem:s2], [sflag:$0x3] =	stream.indirect_vreg.gather @!p0 [hbm4b:s1+s0], $0x80, v15, vm1, $0xb8;
	[tilespmem:$0x19F80] =	vst v63  }
0x94: {  	s3 =	simm.s32 @!p0 $0x10F80;
	v13 =	vadd.s32 @!p0 v16, v13;
	s2 =	sadd.s32 @!p0 $0x200, s5  }
0x95: {  	[tilespmem:s3], [sflag:$0x3] =	stream.indirect_vreg.gather @!p0 [hbm4b:s2+s0], $0x80, v15, vm1, $0xb8;
	[tilespmem:$0x19F80] =	vst v63  }
0x96: {  	s4 =	simm.s32 @!p0 $0x11780;
	s3 =	sadd.s32 @!p0 $0x300, s5  }
0x97: {  	[tilespmem:s4], [sflag:$0x3] =	stream.indirect_vreg.gather @!p0 [hbm4b:s3+s0], $0x80, v15, vm1, $0xb8;
	[tilespmem:$0x19F80] =	vst v63  }
0x98: {  	s4 =	simm.s32 @!p0 $0x11F80  }
0x99: {  	[tilespmem:s4], [sflag:$0x3] =	stream.indirect_vreg.gather @!p0 [hbm4b:s5+s0], $0x80, v13, vm1, $0xb8;
	[tilespmem:$0x19F80] =	vst v63  }
0x9a: {  	s4 =	simm.s32 @!p0 $0x12780  }
0x9b: {  	[tilespmem:s4], [sflag:$0x3] =	stream.indirect_vreg.gather @!p0 [hbm4b:s1+s0], $0x80, v13, vm1, $0xb8;
	[tilespmem:$0x19F80] =	vst v63  }
0x9c: {  	s4 =	simm.s32 @!p0 $0x12F80  }
0x9d: {  	[tilespmem:s4], [sflag:$0x3] =	stream.indirect_vreg.gather @!p0 [hbm4b:s2+s0], $0x80, v13, vm1, $0xb8;
	[tilespmem:$0x19F80] =	vst v63  }
0x9e: {  	s4 =	simm.s32 @!p0 $0x13780  }
0x9f: {  	[tilespmem:s4], [sflag:$0x3] =	stream.indirect_vreg.gather @!p0 [hbm4b:s3+s0], $0x80, v13, vm1, $0xb8;
	[tilespmem:$0x19F80] =	vst v63  }
0xa0: {  	v13 =	vld.msk @!p0 [tilespmem:$0x9F10], $0xff;
	_ =	sdelay $0x4  }
0xa1: {  	v14 =	vshll.u32 @!p0 v13, $0x3  }
0xa2: {  	v13 =	vand.u32 @!p0 $0x7, v13;
	v14 =	vand.u32 @!p0 $0xFFFFFFC0, v14  }
0xa3: {  	v13 =	vor.u32 @!p0 v13, v14  }
0xa4: {  	v13 =	vperm.xlane @!p0 v13, v18;
	_ =	sdelay $0x1  }
0xa5: {  	v13 =	vadd.s32 @!p0 v16, v13;
	_ =	sdelay $0x3  }
0xa6: {  	s4 =	simm.s32 @!p0 $0x13F80  }
0xa7: {  	[tilespmem:s4], [sflag:$0x3] =	stream.indirect_vreg.gather @!p0 [hbm4b:s5+s0], $0x80, v13, vm1, $0xb8;
	[tilespmem:$0x19F80] =	vst v63  }
0xa8: {  	s4 =	simm.s32 @!p0 $0x14780  }
0xa9: {  	[tilespmem:s4], [sflag:$0x3] =	stream.indirect_vreg.gather @!p0 [hbm4b:s1+s0], $0x80, v13, vm1, $0xb8;
	[tilespmem:$0x19F80] =	vst v63  }
0xaa: {  	s1 =	simm.s32 @!p0 $0x14F80  }
0xab: {  	[tilespmem:s1], [sflag:$0x3] =	stream.indirect_vreg.gather @!p0 [hbm4b:s2+s0], $0x80, v13, vm1, $0xb8;
	[tilespmem:$0x19F80] =	vst v63  }
0xac: {  	s20 =	simm.s32 $0x2;
	s1 =	simm.s32 @!p0 $0x15780  }
0xad: {  	[tilespmem:s1], [sflag:$0x3] =	stream.indirect_vreg.gather @!p0 [hbm4b:s3+s0], $0x80, v13, vm1, $0xb8;
	[tilespmem:$0x19F80] =	vst v63  }
0xae: {  	_ =	swait.ge [sflag:s20], $0x6000  }
0xaf: {  	[sflag:s20] =	ssyncset.done $0x0  }
0xb0: {  	[sflag:s20] =	ssyncadd.s32 $0xFFFFA000  }
0xb1: {  	s13 =	sand.u32 $0x40, s30;
	v34 =	vld.idx.msk [tilespmem:v3+s6+$0x0], $0xffff  }
0xb2: {  	s24 =	sand.u32 $0x1C00, s30;
	s23 =	sor.u32 $0x30, s13;
	v36 =	vld.idx.msk [tilespmem:v4+s6+$0x0], $0xffff  }
0xb3: {  	s21 =	sadd.s32 $0xBF80, s24;
	s5 =	sor.u32 s24, s23;
	v35 =	vld.idx.msk [tilespmem:v5+s6+$0x0], $0xffff  }
0xb4: {  	s22 =	sor.u32 s23, s21;
	v16 =	vld [tilespmem:s5+$0x9F80]  }
0xb5: {  	s9 =	sadd.s32 $0xDF80, s24;
	v17 =	vld [tilespmem:s22+$0x0]  }
0xb6: {  	s25 =	sor.u32 s23, s9  }
0xb7: {  	v18 =	vld [tilespmem:s25+$0x0]  }
0xb8: {  	v13 =	vbroadcast v34, $0x0;
	v14 =	vbroadcast v36, $0x0  }
0xb9: {  	v15 =	vbroadcast v35, $0x0  }
0xba: {  	s26 =	sor.u32 s13, s21;
	s2 =	sor.u32 $0x10, s13;
	v16 =	vmul.f32 v16, v13;
	v17 =	vmul.f32 v17, v14  }
0xbb: {  	s0 =	sor.u32 s24, s2;
	v19 =	vld [tilespmem:s26+$0x0]  }
0xbc: {  	s28 =	sor.u32 s13, s9;
	v20 =	vld [tilespmem:s0+$0x9F80];
	v16 =	vadd.f32 v17, v16;
	v17 =	vmul.f32 v18, v15  }
0xbd: {  	s3 =	sor.u32 s13, s24;
	v21 =	vld [tilespmem:s28+$0x0]  }
0xbe: {  	v18 =	vld [tilespmem:s3+$0x9F80];
	v16 =	vadd.f32 v17, v16  }
0xbf: {  	s7 =	sor.u32 $0xC000, s24;
	s10 =	sor.u32 s2, s21;
	v22 =	vld [tilespmem:s5+$0xA000]  }
0xc0: {  	s4 =	sor.u32 s23, s7;
	v24 =	vld [tilespmem:s10+$0x0];
	[tilespmem:s5+$0x15F80] =	vst v16  }
0xc1: {  	s8 =	sor.u32 $0xE000, s24;
	v23 =	vld [tilespmem:s4+$0x0]  }
0xc2: {  	s11 =	sor.u32 s23, s8;
	v19 =	vmul.f32 v19, v14;
	v21 =	vmul.f32 v21, v15  }
0xc3: {  	s10 =	sor.u32 s2, s9;
	v20 =	vmul.f32 v20, v13;
	v25 =	vmul.f32 v18, v13;
	v26 =	vld [tilespmem:s11+$0x0]  }
0xc4: {  	v27 =	vld [tilespmem:s10+$0x0];
	v17 =	vbroadcast v36, $0x1;
	v16 =	vbroadcast v34, $0x1;
	s4 =	sor.u32 $0x20, s13  }
0xc5: {  	v30 =	vld [tilespmem:s0+$0xA000];
	v24 =	vmul.f32 v24, v14;
	v18 =	vbroadcast v35, $0x1;
	s1 =	sor.u32 s24, s4;
	v19 =	vadd.f32 v19, v25  }
0xc6: {  	s6 =	sor.u32 s4, s21;
	v22 =	vmul.f32 v22, v16;
	v28 =	vld [tilespmem:s1+$0x9F80];
	v23 =	vmul.f32 v23, v17  }
0xc7: {  	v25 =	vld [tilespmem:s6+$0x0];
	v19 =	vadd.f32 v21, v19  }
0xc8: {  	v20 =	vadd.f32 v24, v20;
	v24 =	vld [tilespmem:s3+$0xA000];
	s9 =	sor.u32 s4, s9;
	v21 =	vadd.f32 v23, v22;
	v22 =	vmul.f32 v26, v18  }
0xc9: {  	s12 =	sor.u32 s13, s7;
	v29 =	vld [tilespmem:s9+$0x0];
	[tilespmem:s3+$0x15F80] =	vst v19;
	v23 =	vmul.f32 v27, v15  }
0xca: {  	v19 =	vld [tilespmem:s12+$0x0];
	v21 =	vadd.f32 v22, v21  }
0xcb: {  	s14 =	sor.u32 s13, s8;
	s15 =	sor.u32 $0xC080, s24;
	v26 =	vld [tilespmem:s5+$0xA080];
	v20 =	vadd.f32 v23, v20  }
0xcc: {  	s20 =	sor.u32 s23, s15;
	v25 =	vmul.f32 v25, v14;
	v22 =	vld [tilespmem:s14+$0x0];
	v23 =	vmul.f32 v28, v13;
	[tilespmem:s5+$0x16000] =	vst v21  }
0xcd: {  	s11 =	sor.u32 s2, s7;
	s21 =	sor.u32 $0xE080, s24;
	[tilespmem:s0+$0x15F80] =	vst v20;
	v27 =	vld [tilespmem:s20+$0x0]  }
0xce: {  	s22 =	sor.u32 s23, s21;
	v21 =	vadd.f32 v25, v23;
	v23 =	vmul.f32 v29, v15;
	v25 =	vld [tilespmem:s11+$0x0]  }
0xcf: {  	s25 =	sor.u32 s2, s8;
	v24 =	vmul.f32 v24, v16;
	v28 =	vmul.f32 v19, v17;
	v29 =	vld [tilespmem:s22+$0x0]  }
0xd0: {  	v20 =	vbroadcast v36, $0x2;
	v19 =	vbroadcast v34, $0x2;
	v31 =	vld [tilespmem:s25+$0x0];
	v23 =	vadd.f32 v23, v21  }
0xd1: {  	v32 =	vld [tilespmem:s1+$0xA000];
	v21 =	vbroadcast v35, $0x2;
	v24 =	vadd.f32 v28, v24;
	v22 =	vmul.f32 v22, v18  }
0xd2: {  	s7 =	sor.u32 s4, s7;
	v28 =	vld [tilespmem:s0+$0xA080];
	[tilespmem:s1+$0x15F80] =	vst v23;
	v23 =	vmul.f32 v26, v19;
	v26 =	vmul.f32 v27, v20  }
0xd3: {  	s8 =	sor.u32 s4, s8;
	v22 =	vadd.f32 v22, v24;
	v27 =	vmul.f32 v30, v16;
	v30 =	vld [tilespmem:s7+$0x0];
	v25 =	vmul.f32 v25, v17  }
0xd4: {  	v24 =	vld [tilespmem:s8+$0x0];
	v23 =	vadd.f32 v26, v23;
	v26 =	vmul.f32 v29, v21  }
0xd5: {  	s26 =	sor.u32 s13, s15;
	[tilespmem:s3+$0x16000] =	vst v22;
	v25 =	vadd.f32 v25, v27;
	v27 =	vld [tilespmem:s3+$0xA080];
	v29 =	vmul.f32 v31, v18  }
0xd6: {  	v22 =	vld [tilespmem:s26+$0x0];
	v23 =	vadd.f32 v26, v23  }
0xd7: {  	s28 =	sor.u32 s13, s21;
	s7 =	sor.u32 $0xC100, s24;
	v31 =	vld [tilespmem:s5+$0xA100];
	v25 =	vadd.f32 v29, v25  }
0xd8: {  	s16 =	sor.u32 s23, s7;
	v26 =	vld [tilespmem:s28+$0x0];
	v29 =	vmul.f32 v32, v16;
	v30 =	vmul.f32 v30, v17;
	[tilespmem:s5+$0x16080] =	vst v23  }
0xd9: {  	s18 =	sor.u32 $0xE100, s24;
	s17 =	sor.u32 s2, s15;
	[tilespmem:s0+$0x16000] =	vst v25;
	v25 =	vld [tilespmem:s16+$0x0]  }
0xda: {  	s19 =	sor.u32 s23, s18;
	v24 =	vmul.f32 v24, v18;
	v29 =	vadd.f32 v30, v29;
	v30 =	vld [tilespmem:s17+$0x0]  }
0xdb: {  	v27 =	vmul.f32 v27, v19;
	v47 =	vmul.f32 v22, v20;
	v33 =	vld [tilespmem:s19+$0x0]  }
0xdc: {  	s20 =	sor.u32 s2, s21;
	v23 =	vbroadcast v36, $0x3;
	v22 =	vbroadcast v34, $0x3;
	v29 =	vadd.f32 v24, v29  }
0xdd: {  	v48 =	vld [tilespmem:s20+$0x0];
	v24 =	vbroadcast v35, $0x3;
	v26 =	vmul.f32 v26, v21;
	v27 =	vadd.f32 v47, v27  }
0xde: {  	v37 =	vld [tilespmem:s1+$0xA080];
	s9 =	sor.u32 s4, s15;
	[tilespmem:s1+$0x16000] =	vst v29;
	v29 =	vmul.f32 v31, v22;
	v25 =	vmul.f32 v25, v23  }
0xdf: {  	p1 =	por $0x0, $0x0;
	v28 =	vmul.f32 v28, v19;
	v26 =	vadd.f32 v26, v27;
	v31 =	vld [tilespmem:s9+$0x0];
	s9 =	simm.s32 $0x1  }
0xe0: {  	v38 =	vld [tilespmem:s0+$0xA100];
	s6 =	sor.u32 s4, s21;
	v27 =	vmul.f32 v30, v20;
	s9 =	simm.s32 @!p1 $0x0;
	v25 =	vadd.f32 v25, v29;
	v29 =	vmul.f32 v33, v24  }
0xe1: {  	v30 =	vld [tilespmem:s6+$0x0];
	s21 =	sshll.u32 s9, $0x6  }
0xe2: {  	v49 =	vld [tilespmem:s3+$0xA100];
	s22 =	sor.u32 s13, s7;
	[tilespmem:s3+$0x16080] =	vst v26;
	v26 =	vadd.f32 v27, v28;
	v27 =	vmul.f32 v48, v21;
	s6 =	sadd.s32 $0x0, s21;
	v25 =	vadd.f32 v29, v25  }
0xe3: {  	s25 =	sor.u32 s13, s18;
	v28 =	vld [tilespmem:s22+$0x0];
	s15 =	sadd.s32 $0x30, s6  }
0xe4: {  	v50 =	vld [tilespmem:s25+$0x0];
	s9 =	sor.u32 $0xC180, s24;
	v29 =	vmul.f32 v37, v19;
	v26 =	vadd.f32 v27, v26;
	v31 =	vmul.f32 v31, v20;
	s26 =	sor.u32 $0x200, s15;
	[tilespmem:s5+$0x16100] =	vst v25  }
0xe5: {  	s28 =	sor.u32 s23, s9;
	v51 =	vld [tilespmem:s26+$0x9F80]  }
0xe6: {  	s12 =	sor.u32 s2, s7;
	v27 =	vmul.f32 v30, v21;
	s5 =	sor.u32 $0xE180, s24;
	[tilespmem:s0+$0x16080] =	vst v26;
	v25 =	vadd.f32 v31, v29;
	v29 =	vld [tilespmem:s28+$0x0]  }
0xe7: {  	v30 =	vld [tilespmem:s12+$0x0];
	s12 =	sor.u32 s23, s5  }
0xe8: {  	v31 =	vmul.f32 v49, v22;
	v28 =	vmul.f32 v28, v23;
	v39 =	vld [tilespmem:s12+$0x0];
	v52 =	vadd.f32 v27, v25  }
0xe9: {  	v40 =	vld [tilespmem:s1+$0xA100];
	s14 =	sor.u32 s2, s18;
	v26 =	vbroadcast v36, $0x4;
	v25 =	vbroadcast v34, $0x4  }
0xea: {  	s8 =	sor.u32 s4, s7;
	v32 =	vmul.f32 v50, v24;
	v27 =	vbroadcast v35, $0x4;
	v28 =	vadd.f32 v28, v31;
	v31 =	vld [tilespmem:s14+$0x0];
	[tilespmem:s1+$0x16080] =	vst v52  }
0xeb: {  	v33 =	vld [tilespmem:s8+$0x0];
	v37 =	vmul.f32 v51, v25;
	v29 =	vmul.f32 v29, v26  }
0xec: {  	s7 =	sor.u32 s4, s18;
	v28 =	vadd.f32 v32, v28  }
0xed: {  	v53 =	vld [tilespmem:s7+$0x0];
	v54 =	vmul.f32 v39, v27;
	v29 =	vadd.f32 v29, v37  }
0xee: {  	v38 =	vmul.f32 v38, v22;
	s16 =	sor.u32 $0x200, s6;
	v30 =	vmul.f32 v30, v23;
	[tilespmem:s3+$0x16100] =	vst v28  }
0xef: {  	v55 =	vmul.f32 v40, v22;
	s19 =	sor.u32 s13, s9;
	v28 =	vld [tilespmem:s16+$0x9F80];
	v29 =	vadd.f32 v54, v29  }
0xf0: {  	s20 =	sor.u32 s13, s5;
	v30 =	vadd.f32 v30, v38;
	v31 =	vmul.f32 v31, v24;
	v56 =	vld [tilespmem:s19+$0x0];
	v33 =	vmul.f32 v33, v23  }
0xf1: {  	s21 =	sor.u32 $0x280, s15;
	s7 =	sor.u32 $0xC200, s24;
	v57 =	vld [tilespmem:s20+$0x0];
	[tilespmem:s26+$0x15F80] =	vst v29  }
0xf2: {  	s25 =	sor.u32 s23, s7;
	s3 =	sor.u32 $0xE200, s24;
	v30 =	vadd.f32 v31, v30;
	v31 =	vmul.f32 v53, v24;
	v29 =	vadd.f32 v33, v55;
	v58 =	vld [tilespmem:s21+$0x9F80]  }
0xf3: {  	s26 =	sor.u32 s23, s3;
	v59 =	vld [tilespmem:s25+$0x0]  }
0xf4: {  	s18 =	sadd.s32 $0x10, s6;
	s28 =	sor.u32 s2, s9;
	[tilespmem:s0+$0x16100] =	vst v30;
	v60 =	vld [tilespmem:s26+$0x0];
	v29 =	vadd.f32 v31, v29  }
0xf5: {  	s14 =	sor.u32 $0x200, s18;
	v61 =	vmul.f32 v28, v25;
	v38 =	vmul.f32 v56, v26;
	v41 =	vld [tilespmem:s28+$0x0]  }
0xf6: {  	s22 =	sadd.s32 $0x20, s6;
	s11 =	sor.u32 s2, s5;
	v28 =	vbroadcast v34, $0x5;
	v31 =	vld [tilespmem:s14+$0x9F80];
	[tilespmem:s1+$0x16100] =	vst v29;
	v29 =	vbroadcast v36, $0x5  }
0xf7: {  	s17 =	sor.u32 $0x200, s22;
	v30 =	vbroadcast v35, $0x5;
	v39 =	vmul.f32 v57, v27;
	v43 =	vld [tilespmem:s11+$0x0];
	v38 =	vadd.f32 v38, v61  }
0xf8: {  	s9 =	sor.u32 s4, s9;
	v42 =	vld [tilespmem:s17+$0x9F80];
	v32 =	vmul.f32 v58, v28;
	v33 =	vmul.f32 v59, v29  }
0xf9: {  	v38 =	vadd.f32 v39, v38;
	v62 =	vld [tilespmem:s9+$0x0]  }
0xfa: {  	s12 =	sor.u32 s4, s5;
	v45 =	vmul.f32 v60, v30;
	v32 =	vadd.f32 v33, v32  }
0xfb: {  	v63 =	vld [tilespmem:s12+$0x0];
	s9 =	sor.u32 $0x280, s6;
	v46 =	vmul.f32 v41, v26;
	[tilespmem:s16+$0x15F80] =	vst v38;
	v31 =	vmul.f32 v31, v25  }
0xfc: {  	s16 =	sor.u32 s13, s7;
	v38 =	vld [tilespmem:s9+$0x9F80];
	v32 =	vadd.f32 v45, v32  }
0xfd: {  	s19 =	sor.u32 s13, s3;
	v50 =	vmul.f32 v43, v27;
	v49 =	vld [tilespmem:s16+$0x0];
	v31 =	vadd.f32 v46, v31  }
0xfe: {  	s0 =	sor.u32 $0x300, s15;
	s12 =	sor.u32 $0xC280, s24;
	v51 =	vld [tilespmem:s19+$0x0];
	v47 =	vmul.f32 v42, v25;
	v48 =	vmul.f32 v62, v26;
	[tilespmem:s21+$0x15F80] =	vst v32  }
0xff: {  	s11 =	sor.u32 $0xE280, s24;
	s20 =	sor.u32 s23, s12;
	v31 =	vadd.f32 v50, v31;
	v54 =	vld [tilespmem:s0+$0x9F80]  }
0x100: {  	s31 =	simm.s32 $0x200;
	v53 =	vmul.f32 v63, v27;
	v52 =	vadd.f32 v48, v47;
	s21 =	sor.u32 s23, s11;
	v55 =	vld [tilespmem:s20+$0x0]  }
0x101: {  	s25 =	simm.s32 $0x40;
	s26 =	sor.u32 s2, s7;
	s19 =	sand.u32 $0x1C00, s31;
	[tilespmem:s14+$0x15F80] =	vst v31;
	v44 =	vld [tilespmem:s21+$0x0]  }
0x102: {  	s1 =	sor.u32 s2, s3;
	s16 =	sand.u32 $0x40, s25;
	s8 =	sadd.s32 $0xBF80, s19;
	v32 =	vadd.f32 v53, v52;
	v45 =	vld [tilespmem:s26+$0x0]  }
0x103: {  	s21 =	sor.u32 s16, s8;
	v46 =	vld [tilespmem:s1+$0x0]  }
0x104: {  	s7 =	sor.u32 s4, s7;
	v47 =	vld [tilespmem:s21+$0x0];
	[tilespmem:s17+$0x15F80] =	vst v32  }
0x105: {  	s3 =	sor.u32 s4, s3;
	v56 =	vmul.f32 v49, v29;
	v31 =	vmul.f32 v38, v28;
	s17 =	sor.u32 $0x30, s16;
	v41 =	vld [tilespmem:s7+$0x0]  }
0x106: {  	s5 =	sor.u32 s19, s17;
	v42 =	vld [tilespmem:s3+$0x0]  }
0x107: {  	s10 =	sadd.s32 $0xDF80, s19;
	v57 =	vmul.f32 v51, v30;
	v31 =	vadd.f32 v56, v31;
	s28 =	sor.u32 s17, s8;
	v58 =	vld [tilespmem:s5+$0x9F80]  }
0x108: {  	v33 =	vbroadcast v34, $0x6;
	s14 =	sor.u32 s17, s10;
	v59 =	vld [tilespmem:s28+$0x0]  }
0x109: {  	v32 =	vbroadcast v36, $0x6;
	v31 =	vadd.f32 v57, v31;
	v60 =	vld [tilespmem:s14+$0x0]  }
0x10a: {  	v39 =	vmul.f32 v54, v33;
	s28 =	sor.u32 s16, s10;
	v56 =	vld [tilespmem:s5+$0xA000]  }
0x10b: {  	s20 =	sor.u32 s13, s12;
	v43 =	vmul.f32 v55, v32;
	[tilespmem:s9+$0x15F80] =	vst v31;
	v31 =	vbroadcast v35, $0x6;
	v51 =	vld [tilespmem:s28+$0x0]  }
0x10c: {  	s9 =	sor.u32 s16, s19;
	v37 =	vld [tilespmem:s20+$0x0];
	s20 =	sor.u32 $0x10, s16  }
0x10d: {  	v50 =	vld [tilespmem:s9+$0x9F80];
	v39 =	vadd.f32 v43, v39;
	s26 =	sor.u32 s20, s8;
	v62 =	vmul.f32 v44, v31  }
0x10e: {  	s1 =	sor.u32 s20, s10;
	v61 =	vld [tilespmem:s26+$0x0];
	v48 =	vmul.f32 v58, v13;
	v38 =	vmul.f32 v59, v14  }
0x10f: {  	s3 =	sor.u32 s19, s20;
	v63 =	vld [tilespmem:s1+$0x0];
	v57 =	vadd.f32 v62, v39  }
0x110: {  	s29 =	sor.u32 $0x280, s18;
	v49 =	vld [tilespmem:s3+$0x9F80];
	v40 =	vmul.f32 v60, v15;
	v38 =	vadd.f32 v38, v48  }
0x111: {  	s26 =	sor.u32 s13, s11;
	v62 =	vld [tilespmem:s29+$0x9F80];
	[tilespmem:s0+$0x15F80] =	vst v57;
	s0 =	sor.u32 $0x20, s16  }
0x112: {  	s8 =	sor.u32 s0, s8;
	v38 =	vadd.f32 v40, v38;
	v40 =	vld [tilespmem:s26+$0x0]  }
0x113: {  	s14 =	sor.u32 $0xC000, s19;
	v58 =	vmul.f32 v47, v14;
	s10 =	sor.u32 s0, s10;
	v48 =	vmul.f32 v61, v14;
	v61 =	vld [tilespmem:s8+$0x0]  }
0x114: {  	s21 =	sor.u32 s17, s14;
	v59 =	vmul.f32 v50, v13;
	v43 =	vmul.f32 v63, v15;
	v63 =	vld [tilespmem:s10+$0x0];
	[tilespmem:s5+$0x15F80] =	vst v38  }
0x115: {  	s10 =	sor.u32 s19, s0;
	v60 =	vld [tilespmem:s21+$0x0];
	s21 =	sor.u32 $0xE000, s19  }
0x116: {  	v51 =	vmul.f32 v51, v15;
	v49 =	vmul.f32 v49, v13;
	v39 =	vadd.f32 v58, v59;
	v57 =	vld [tilespmem:s10+$0x9F80];
	s28 =	sor.u32 s17, s21  }
0x117: {  	v52 =	vld [tilespmem:s28+$0x0]  }
0x118: {  	v59 =	vld [tilespmem:s9+$0xA000];
	v48 =	vadd.f32 v48, v49;
	v39 =	vadd.f32 v51, v39  }
0x119: {  	v44 =	vmul.f32 v56, v16;
	v47 =	vmul.f32 v61, v14;
	v61 =	vld [tilespmem:s5+$0xA080]  }
0x11a: {  	s7 =	sor.u32 $0xC300, s24;
	s26 =	sor.u32 s16, s14;
	v58 =	vmul.f32 v62, v28;
	v62 =	vld [tilespmem:s3+$0xA000];
	v43 =	vadd.f32 v43, v48;
	[tilespmem:s9+$0x15F80] =	vst v39;
	v50 =	vmul.f32 v60, v17  }
0x11b: {  	s1 =	sor.u32 s23, s7;
	v39 =	vld [tilespmem:s26+$0x0];
	v60 =	vmul.f32 v57, v13  }
0x11c: {  	v38 =	vld [tilespmem:s1+$0x0];
	s28 =	sor.u32 s20, s14;
	[tilespmem:s3+$0x15F80] =	vst v43;
	v44 =	vadd.f32 v50, v44;
	v56 =	vmul.f32 v52, v18  }
0x11d: {  	v45 =	vmul.f32 v45, v29;
	v51 =	vmul.f32 v63, v15;
	v43 =	vld [tilespmem:s28+$0x0];
	v47 =	vadd.f32 v47, v60  }
0x11e: {  	s8 =	sor.u32 $0xE300, s24;
	s1 =	sor.u32 s16, s21;
	v50 =	vmul.f32 v61, v19;
	v61 =	vld [tilespmem:s10+$0xA000];
	v44 =	vadd.f32 v56, v44  }
0x11f: {  	s23 =	sor.u32 s23, s8;
	v45 =	vadd.f32 v45, v58;
	s28 =	sor.u32 $0xC080, s19;
	v52 =	vld [tilespmem:s1+$0x0];
	v58 =	vadd.f32 v51, v47  }
0x120: {  	v63 =	vmul.f32 v59, v16;
	s26 =	sor.u32 s17, s28;
	v57 =	vmul.f32 v39, v17;
	v39 =	vld [tilespmem:s23+$0x0];
	[tilespmem:s5+$0x16000] =	vst v44  }
0x121: {  	s14 =	sor.u32 s0, s14;
	[tilespmem:s10+$0x15F80] =	vst v58;
	v44 =	vld [tilespmem:s26+$0x0]  }
0x122: {  	v59 =	vadd.f32 v57, v63;
	v63 =	vld [tilespmem:s14+$0x0]  }
0x123: {  	s26 =	sor.u32 $0xE080, s19;
	v51 =	vmul.f32 v61, v16;
	v61 =	vld [tilespmem:s9+$0xA080];
	s14 =	sor.u32 $0x300, s6  }
0x124: {  	v46 =	vmul.f32 v46, v30;
	v60 =	vmul.f32 v52, v18;
	s1 =	sor.u32 s17, s26;
	v55 =	vld [tilespmem:s14+$0x9F80]  }
0x125: {  	s23 =	sor.u32 $0x280, s22;
	v53 =	vld [tilespmem:s1+$0x0]  }
0x126: {  	v45 =	vadd.f32 v46, v45;
	v46 =	vmul.f32 v62, v16;
	s1 =	sor.u32 s20, s21;
	v62 =	vadd.f32 v60, v59;
	v60 =	vld [tilespmem:s23+$0x9F80]  }
0x127: {  	s21 =	sor.u32 s0, s21;
	v54 =	vld [tilespmem:s1+$0x0]  }
0x128: {  	[tilespmem:s29+$0x15F80] =	vst v45;
	s1 =	sor.u32 s2, s12;
	v57 =	vld [tilespmem:s21+$0x0]  }
0x129: {  	v49 =	vld [tilespmem:s1+$0x0];
	v44 =	vmul.f32 v44, v20  }
0x12a: {  	v41 =	vmul.f32 v41, v29;
	s24 =	sor.u32 s16, s28;
	v43 =	vmul.f32 v43, v17;
	[tilespmem:s9+$0x16000] =	vst v62;
	v62 =	vld [tilespmem:s5+$0xA100]  }
0x12b: {  	s1 =	sor.u32 s16, s26;
	v45 =	vld [tilespmem:s24+$0x0];
	v44 =	vadd.f32 v44, v50;
	v56 =	vmul.f32 v53, v21;
	v50 =	vmul.f32 v60, v28  }
0x12c: {  	v42 =	vmul.f32 v42, v30;
	v43 =	vadd.f32 v43, v46;
	v59 =	vld [tilespmem:s1+$0x0];
	v58 =	vmul.f32 v54, v18  }
0x12d: {  	v47 =	vmul.f32 v63, v17;
	v63 =	vld [tilespmem:s3+$0xA080];
	v44 =	vadd.f32 v56, v44;
	v41 =	vadd.f32 v41, v50  }
0x12e: {  	s24 =	sor.u32 $0xC100, s19;
	v53 =	vld [tilespmem:s9+$0xA100];
	v43 =	vadd.f32 v58, v43  }
0x12f: {  	s21 =	sor.u32 s17, s24;
	[tilespmem:s5+$0x16080] =	vst v44;
	v41 =	vadd.f32 v42, v41;
	v42 =	vld [tilespmem:s10+$0xA080]  }
0x130: {  	s1 =	sor.u32 s20, s28;
	v47 =	vadd.f32 v47, v51;
	v46 =	vmul.f32 v57, v18;
	v44 =	vld [tilespmem:s21+$0x0];
	[tilespmem:s3+$0x16000] =	vst v43;
	s21 =	sor.u32 $0xE100, s19  }
0x131: {  	v43 =	vld [tilespmem:s1+$0x0];
	s1 =	sor.u32 s17, s21  }
0x132: {  	s12 =	sor.u32 s4, s12;
	v56 =	vmul.f32 v61, v19;
	v46 =	vadd.f32 v46, v47;
	v45 =	vmul.f32 v45, v20;
	[tilespmem:s23+$0x15F80] =	vst v41;
	v52 =	vld [tilespmem:s1+$0x0]  }
0x133: {  	s1 =	sor.u32 s20, s26;
	v50 =	vld [tilespmem:s12+$0x0]  }
0x134: {  	v57 =	vmul.f32 v59, v21;
	[tilespmem:s10+$0x16000] =	vst v46;
	v58 =	vadd.f32 v45, v56;
	v54 =	vld [tilespmem:s1+$0x0];
	s1 =	sor.u32 s0, s28  }
0x135: {  	s28 =	sor.u32 s0, s26;
	v59 =	vld [tilespmem:s1+$0x0]  }
0x136: {  	v60 =	vmul.f32 v62, v22;
	v41 =	vadd.f32 v57, v58;
	s1 =	sor.u32 s2, s11;
	v62 =	vld [tilespmem:s28+$0x0];
	v44 =	vmul.f32 v44, v23  }
0x137: {  	v61 =	vmul.f32 v63, v19;
	s11 =	sor.u32 s4, s11;
	v51 =	vld [tilespmem:s1+$0x0];
	v43 =	vmul.f32 v43, v20  }
0x138: {  	s23 =	sor.u32 s16, s24;
	[tilespmem:s9+$0x16080] =	vst v41;
	v41 =	vld [tilespmem:s11+$0x0];
	v44 =	vadd.f32 v44, v60;
	v63 =	vmul.f32 v52, v24  }
0x139: {  	p1 =	por !p1, !p1;
	s6 =	simm.s32 $0x1;
	s26 =	sor.u32 s16, s21;
	v56 =	vld [tilespmem:s23+$0x0];
	v43 =	vadd.f32 v43, v61;
	v54 =	vmul.f32 v54, v21  }
0x13a: {  	s6 =	simm.s32 @!p1 $0x0;
	s12 =	sor.u32 $0x300, s18;
	v57 =	vld [tilespmem:s26+$0x0];
	v44 =	vadd.f32 v63, v44  }
0x13b: {  	s6 =	sshll.u32 s6, $0x6;
	s11 =	sor.u32 $0xC180, s19;
	v45 =	vmul.f32 v59, v20;
	v59 =	vld [tilespmem:s12+$0x9F80];
	v43 =	vadd.f32 v54, v43  }
0x13c: {  	s6 =	sadd.s32 $0x200, s6;
	v42 =	vmul.f32 v42, v19;
	s23 =	sor.u32 $0xE180, s19;
	s28 =	sor.u32 s17, s11;
	v63 =	vld [tilespmem:s3+$0xA100];
	[tilespmem:s5+$0x16100] =	vst v44  }
0x13d: {  	s26 =	sor.u32 s17, s23;
	s5 =	sadd.s32 $0x30, s6;
	[tilespmem:s3+$0x16080] =	vst v43;
	v43 =	vld [tilespmem:s28+$0x0]  }
0x13e: {  	v37 =	vmul.f32 v37, v32;
	v58 =	vmul.f32 v62, v21;
	v42 =	vadd.f32 v45, v42;
	v46 =	vld [tilespmem:s26+$0x0];
	s26 =	sor.u32 $0x200, s5  }
0x13f: {  	v60 =	vmul.f32 v53, v22;
	v47 =	vmul.f32 v56, v23;
	v61 =	vld [tilespmem:s26+$0x9F80]  }
0x140: {  	s1 =	sor.u32 s20, s24;
	v62 =	vmul.f32 v55, v33;
	v48 =	vmul.f32 v57, v24;
	v57 =	vld [tilespmem:s10+$0xA100];
	v42 =	vadd.f32 v58, v42  }
0x141: {  	s28 =	sor.u32 s20, s21;
	v47 =	vadd.f32 v47, v60;
	v45 =	vld [tilespmem:s1+$0x0]  }
0x142: {  	v40 =	vmul.f32 v40, v31;
	v49 =	vmul.f32 v49, v32;
	s24 =	sor.u32 s0, s24;
	v37 =	vadd.f32 v37, v62;
	v55 =	vld [tilespmem:s28+$0x0];
	[tilespmem:s10+$0x16080] =	vst v42  }
0x143: {  	s21 =	sor.u32 s0, s21;
	v60 =	vmul.f32 v51, v31;
	v44 =	vmul.f32 v59, v33;
	v47 =	vadd.f32 v48, v47;
	v42 =	vld [tilespmem:s24+$0x0]  }
0x144: {  	v58 =	vld [tilespmem:s21+$0x0];
	s21 =	sor.u32 $0x300, s22;
	v43 =	vmul.f32 v43, v26;
	v53 =	vmul.f32 v61, v25  }
0x145: {  	v37 =	vadd.f32 v40, v37;
	s1 =	sor.u32 s16, s11;
	v59 =	vadd.f32 v49, v44;
	[tilespmem:s9+$0x16100] =	vst v47;
	v44 =	vld [tilespmem:s21+$0x9F80];
	v46 =	vmul.f32 v46, v27  }
0x146: {  	s24 =	sor.u32 $0x200, s6;
	v47 =	vld [tilespmem:s1+$0x0];
	v61 =	vmul.f32 v63, v22;
	v45 =	vmul.f32 v45, v23;
	v43 =	vadd.f32 v43, v53  }
0x147: {  	[tilespmem:s14+$0x15F80] =	vst v37;
	s14 =	sor.u32 s13, s7;
	v62 =	vld [tilespmem:s24+$0x9F80];
	v40 =	vadd.f32 v60, v59;
	v63 =	vmul.f32 v57, v22;
	v54 =	vmul.f32 v55, v24  }
0x148: {  	s28 =	sor.u32 s16, s23;
	v52 =	vld [tilespmem:s14+$0x0];
	v37 =	vadd.f32 v45, v61;
	v42 =	vmul.f32 v42, v23;
	v43 =	vadd.f32 v46, v43  }
0x149: {  	s1 =	sor.u32 s2, s7;
	[tilespmem:s12+$0x15F80] =	vst v40;
	v53 =	vld [tilespmem:s28+$0x0];
	s12 =	sor.u32 $0xC200, s19  }
0x14a: {  	s9 =	sor.u32 $0xE200, s19;
	v55 =	vmul.f32 v58, v24;
	v48 =	vld [tilespmem:s1+$0x0];
	v37 =	vadd.f32 v54, v37;
	v42 =	vadd.f32 v42, v63;
	[tilespmem:s26+$0x15F80] =	vst v43;
	s26 =	sor.u32 s17, s12  }
0x14b: {  	v50 =	vmul.f32 v50, v32;
	s28 =	sor.u32 s17, s9;
	v44 =	vmul.f32 v44, v33;
	v43 =	vld [tilespmem:s26+$0x0]  }
0x14c: {  	s1 =	sor.u32 s20, s11;
	v49 =	vmul.f32 v62, v25;
	v57 =	vmul.f32 v47, v26;
	[tilespmem:s3+$0x16100] =	vst v37;
	v56 =	vld [tilespmem:s28+$0x0];
	v42 =	vadd.f32 v55, v42  }
0x14d: {  	v41 =	vmul.f32 v41, v31;
	v44 =	vadd.f32 v50, v44;
	s26 =	sor.u32 $0x280, s5;
	v60 =	vld [tilespmem:s1+$0x0]  }
0x14e: {  	s11 =	sor.u32 s0, s11;
	v59 =	vadd.f32 v57, v49;
	v40 =	vmul.f32 v53, v27;
	v58 =	vld [tilespmem:s26+$0x9F80];
	[tilespmem:s10+$0x16100] =	vst v42;
	s10 =	sadd.s32 $0x10, s6  }
0x14f: {  	v41 =	vadd.f32 v41, v44;
	s28 =	sor.u32 $0x200, s10;
	v47 =	vld [tilespmem:s11+$0x0]  }
0x150: {  	v40 =	vadd.f32 v40, v59;
	s11 =	sor.u32 s20, s23;
	v61 =	vld [tilespmem:s28+$0x9F80]  }
0x151: {  	s14 =	sor.u32 s0, s23;
	[tilespmem:s21+$0x15F80] =	vst v41;
	v62 =	vld [tilespmem:s11+$0x0]  }
0x152: {  	s7 =	sor.u32 s4, s7;
	[tilespmem:s24+$0x15F80] =	vst v40;
	v40 =	vld [tilespmem:s14+$0x0]  }
0x153: {  	s23 =	sor.u32 s16, s12;
	v46 =	vld [tilespmem:s7+$0x0]  }
0x154: {  	s1 =	sor.u32 s16, s9;
	v51 =	vld [tilespmem:s23+$0x0]  }
0x155: {  	s3 =	sor.u32 $0x280, s6;
	s11 =	sadd.s32 $0x20, s6;
	v43 =	vmul.f32 v43, v29;
	v50 =	vld [tilespmem:s1+$0x0];
	v37 =	vmul.f32 v58, v28  }
0x156: {  	s29 =	sor.u32 $0x200, s11;
	v41 =	vld [tilespmem:s3+$0x9F80]  }
0x157: {  	s14 =	sor.u32 s30, s30;
	s30 =	sor.u32 $0x380, s22;
	v56 =	vmul.f32 v56, v30;
	v63 =	vld [tilespmem:s29+$0x9F80];
	v37 =	vadd.f32 v43, v37  }
0x158: {  	s23 =	sor.u32 $0x380, s15;
	v55 =	vld [tilespmem:s30+$0x9F80]  }
0x159: {  	s14 =	sor.u32 $0x380, s14;
	v45 =	vld [tilespmem:s23+$0x9F80];
	v58 =	vmul.f32 v60, v26;
	v57 =	vmul.f32 v61, v25;
	v37 =	vadd.f32 v56, v37  }
0x15a: {  	s13 =	sor.u32 s13, s8;
	s15 =	sor.u32 $0xC280, s19;
	v44 =	vld [tilespmem:s14+$0x9F80]  }
0x15b: {  	s21 =	sor.u32 s17, s15;
	v61 =	vmul.f32 v47, v26;
	v42 =	vmul.f32 v62, v27;
	v47 =	vld [tilespmem:s13+$0x0];
	[tilespmem:s26+$0x15F80] =	vst v37;
	v37 =	vadd.f32 v58, v57  }
0x15c: {  	s1 =	sor.u32 $0x380, s18;
	v59 =	vmul.f32 v63, v25;
	v60 =	vld [tilespmem:s21+$0x0];
	s21 =	sor.u32 $0xE280, s19  }
0x15d: {  	v40 =	vmul.f32 v40, v27;
	s24 =	sor.u32 s17, s21;
	v37 =	vadd.f32 v42, v37;
	v42 =	vld [tilespmem:s1+$0x9F80]  }
0x15e: {  	v41 =	vmul.f32 v41, v28;
	v51 =	vmul.f32 v51, v29;
	v43 =	vadd.f32 v61, v59;
	v62 =	vld [tilespmem:s24+$0x0];
	s24 =	sor.u32 $0x300, s5  }
0x15f: {  	v36 =	vbroadcast v36, $0x7;
	s13 =	sor.u32 $0x280, s10;
	v56 =	vmul.f32 v50, v30;
	v63 =	vld [tilespmem:s24+$0x9F80];
	[tilespmem:s28+$0x15F80] =	vst v37  }
0x160: {  	s26 =	sor.u32 s20, s12;
	v57 =	vadd.f32 v51, v41;
	v40 =	vadd.f32 v40, v43;
	v37 =	vbroadcast v34, $0x7;
	v43 =	vld [tilespmem:s13+$0x9F80]  }
0x161: {  	v38 =	vmul.f32 v38, v36;
	v34 =	vbroadcast v35, $0x7;
	s28 =	sor.u32 s20, s9;
	v58 =	vld [tilespmem:s26+$0x0]  }
0x162: {  	v48 =	vmul.f32 v48, v36;
	s12 =	sor.u32 s0, s12;
	v35 =	vadd.f32 v56, v57;
	[tilespmem:s29+$0x15F80] =	vst v40;
	v50 =	vld [tilespmem:s28+$0x0];
	v45 =	vmul.f32 v45, v37  }
0x163: {  	s22 =	sor.u32 s31, s25;
	s7 =	sor.u32 $0x280, s11;
	v59 =	vmul.f32 v60, v32;
	v51 =	vld [tilespmem:s12+$0x0];
	v39 =	vmul.f32 v39, v34  }
0x164: {  	s6 =	sor.u32 $0x300, s6;
	s25 =	simm.s32 $0x4;
	s9 =	sor.u32 s0, s9;
	v60 =	vld [tilespmem:s7+$0x9F80];
	v44 =	vmul.f32 v44, v37;
	[tilespmem:s3+$0x15F80] =	vst v35;
	v38 =	vadd.f32 v38, v45;
	v49 =	vmul.f32 v63, v33  }
0x165: {  	s18 =	sor.u32 s2, s8;
	s2 =	sor.u32 s4, s8;
	v61 =	vmul.f32 v62, v31;
	v62 =	vmul.f32 v52, v36;
	v63 =	vld [tilespmem:s9+$0x0];
	[dreg:$0x7] =	wrdreg s25  }
0x166: {  	s4 =	sor.u32 $0xC300, s19;
	v46 =	vmul.f32 v46, v36;
	s8 =	sor.u32 s20, s21;
	s26 =	sor.u32 s16, s15;
	v52 =	vld [tilespmem:s6+$0x9F80];
	v38 =	vadd.f32 v39, v38;
	v49 =	vadd.f32 v59, v49  }
0x167: {  	s5 =	sor.u32 $0x380, s5;
	s28 =	sor.u32 s16, s21;
	s21 =	sor.u32 s0, s21;
	v56 =	vmul.f32 v43, v28;
	v41 =	vmul.f32 v58, v29;
	v57 =	vld [tilespmem:s26+$0x0];
	v44 =	vadd.f32 v62, v44  }
0x168: {  	s29 =	sor.u32 s20, s4;
	s3 =	sor.u32 s20, s15;
	s12 =	sor.u32 s0, s15;
	v58 =	vld [tilespmem:s28+$0x0];
	v50 =	vmul.f32 v50, v30;
	v59 =	vmul.f32 v47, v34;
	v49 =	vadd.f32 v61, v49  }
0x169: {  	s25 =	sor.u32 $0x380, s22;
	s9 =	sor.u32 s16, s4;
	s22 =	sor.u32 $0x380, s10;
	v40 =	vld [tilespmem:s18+$0x0];
	v60 =	vmul.f32 v60, v28;
	v51 =	vmul.f32 v51, v29;
	v61 =	vadd.f32 v41, v56  }
0x16a: {  	v42 =	vmul.f32 v42, v37;
	s26 =	sor.u32 s17, s4;
	s28 =	sor.u32 $0xE300, s19;
	s19 =	smov.u32 s25;
	v62 =	vmul.f32 v55, v37;
	v43 =	vld [tilespmem:s2+$0x0];
	v44 =	vadd.f32 v59, v44;
	[tilespmem:s24+$0x15F80] =	vst v49  }
0x16b: {  	s18 =	sor.u32 s0, s4;
	s4 =	sor.u32 $0x300, s10;
	s17 =	sor.u32 s17, s28;
	[tilespmem:s23+$0x15F80] =	vst v38;
	v47 =	vadd.f32 v51, v60;
	v63 =	vmul.f32 v63, v30;
	v49 =	vadd.f32 v50, v61;
	v39 =	vld [tilespmem:s26+$0x0]  }
0x16c: {  	v35 =	vadd.f32 v48, v42;
	s10 =	sor.u32 $0x300, s11;
	s2 =	simm.s32 $0x80;
	s0 =	sor.u32 s0, s28;
	v38 =	vadd.f32 v46, v62;
	[tilespmem:s14+$0x15F80] =	vst v44;
	v45 =	vmul.f32 v52, v33;
	v41 =	vld [tilespmem:s17+$0x0]  }
0x16d: {  	s14 =	sor.u32 $0x380, s11;
	v46 =	vmul.f32 v57, v32;
	v44 =	vmul.f32 v58, v31;
	s17 =	sor.u32 s16, s28;
	s16 =	sor.u32 s20, s28;
	v42 =	vld [tilespmem:s5+$0x9F80];
	v47 =	vadd.f32 v63, v47;
	[tilespmem:s13+$0x15F80] =	vst v49  }
.LBB2_2:
0x16e: {  	s24 =	sand.u32 $0x40, s2;
	v63 =	vld [tilespmem:s4+$0x9F80];
	s31 =	sadd.s32 $0x200, s31  }
0x16f: {  	v52 =	vld [tilespmem:s3+$0x0];
	v45 =	vadd.f32 v46, v45;
	[tilespmem:s7+$0x15F80] =	vst v47;
	s23 =	sand.u32 $0x1C00, s31;
	s28 =	sor.u32 $0x30, s24  }
0x170: {  	[dreg:$0x1b] =	wrdreg s18;
	s18 =	sadd.s32 $0xBF80, s23;
	s7 =	sor.u32 s23, s28;
	v53 =	vld [tilespmem:s10+$0x9F80]  }
0x171: {  	s20 =	smov.u32 s4;
	s13 =	sadd.s32 $0xDF80, s23;
	v44 =	vadd.f32 v44, v45;
	v48 =	vld [tilespmem:s7+$0x9F80];
	s4 =	sor.u32 s28, s18  }
0x172: {  	[dreg:$0x13] =	wrdreg s10;
	s10 =	sor.u32 s28, s13;
	v54 =	vld [tilespmem:s4+$0x0]  }
0x173: {  	[dreg:$0x12] =	wrdreg s2;
	s2 =	sor.u32 s24, s18;
	v40 =	vmul.f32 v40, v34;
	v58 =	vld [tilespmem:s10+$0x0];
	[tilespmem:s6+$0x15F80] =	vst v44  }
0x174: {  	s3 =	sor.u32 s24, s23;
	v56 =	vld [tilespmem:s2+$0x0]  }
0x175: {  	v55 =	vmul.f32 v43, v34;
	v59 =	vmul.f32 v52, v32;
	v35 =	vadd.f32 v40, v35;
	v52 =	vld [tilespmem:s3+$0x9F80]  }
0x176: {  	[dreg:$0x1d] =	wrdreg s17;
	s25 =	sor.u32 $0x10, s24;
	v39 =	vmul.f32 v39, v36;
	s17 =	sor.u32 s24, s13;
	v42 =	vmul.f32 v42, v37;
	v51 =	vld [tilespmem:s3+$0xA080]  }
0x177: {  	[dreg:$0x11] =	wrdreg s29;
	s29 =	sor.u32 s23, s25;
	v41 =	vmul.f32 v41, v34;
	v40 =	vadd.f32 v55, v38;
	v38 =	vmul.f32 v53, v33;
	v53 =	vld [tilespmem:s17+$0x0];
	[tilespmem:s1+$0x15F80] =	vst v35  }
0x178: {  	[dreg:$0xc] =	wrdreg s16;
	s26 =	sor.u32 $0x20, s24;
	s15 =	sor.u32 s25, s18;
	v39 =	vadd.f32 v39, v42;
	v62 =	vmul.f32 v48, v13;
	v60 =	vld [tilespmem:s29+$0x9F80];
	v42 =	vmul.f32 v54, v14  }
0x179: {  	s16 =	rddreg [dreg:$0x7];
	s11 =	sor.u32 s23, s26;
	[tilespmem:s30+$0x15F80] =	vst v40;
	v61 =	vld [tilespmem:s15+$0x0]  }
0x17a: {  	[dreg:$0x9] =	wrdreg s0;
	s0 =	sor.u32 s26, s18;
	s4 =	sadd.s32 $0x4, s16;
	v39 =	vadd.f32 v41, v39;
	v40 =	vld [tilespmem:s11+$0x9F80];
	v41 =	vmul.f32 v58, v15;
	v42 =	vadd.f32 v42, v62  }
0x17b: {  	v57 =	vmul.f32 v63, v33;
	[dreg:$0x7] =	wrdreg s4;
	p2 =	slt.u32 s4, $0x3C;
	s4 =	sor.u32 s25, s13;
	v63 =	vld [tilespmem:s0+$0x0]  }
0x17c: {  	s13 =	sor.u32 s26, s13;
	v54 =	vld [tilespmem:s4+$0x0];
	v41 =	vadd.f32 v41, v42  }
0x17d: {  	s10 =	sor.u32 $0xC000, s23;
	v55 =	vld [tilespmem:s13+$0x0];
	[tilespmem:s5+$0x15F80] =	vst v39  }
0x17e: {  	s18 =	rddreg [dreg:$0x12];
	s17 =	sor.u32 s28, s10;
	v43 =	vmul.f32 v56, v14;
	v56 =	vld [tilespmem:s7+$0xA000];
	v46 =	vmul.f32 v52, v13;
	[tilespmem:s7+$0x15F80] =	vst v41  }
0x17f: {  	s1 =	sor.u32 s31, s18;
	v35 =	vadd.f32 v59, v57;
	s18 =	sor.u32 $0xE000, s23;
	v47 =	vmul.f32 v60, v13;
	v39 =	vmul.f32 v61, v14;
	v57 =	vld [tilespmem:s17+$0x0]  }
0x180: {  	v49 =	vld [tilespmem:s29+$0xA000];
	s15 =	sor.u32 s28, s18;
	v44 =	vmul.f32 v53, v15;
	v43 =	vadd.f32 v43, v46;
	v40 =	vmul.f32 v40, v13  }
0x181: {  	v45 =	vmul.f32 v63, v14;
	v58 =	vmul.f32 v54, v15;
	v39 =	vadd.f32 v39, v47;
	v59 =	vld [tilespmem:s15+$0x0]  }
0x182: {  	v62 =	vld [tilespmem:s29+$0xA080];
	v43 =	vadd.f32 v44, v43  }
0x183: {  	v42 =	vmul.f32 v55, v15;
	v60 =	vld [tilespmem:s11+$0xA000];
	v40 =	vadd.f32 v45, v40;
	v39 =	vadd.f32 v58, v39  }
0x184: {  	s13 =	sor.u32 s24, s10;
	v61 =	vld [tilespmem:s3+$0xA000];
	v41 =	vmul.f32 v56, v16;
	[tilespmem:s3+$0x15F80] =	vst v43;
	v63 =	vmul.f32 v57, v17  }
0x185: {  	s16 =	sor.u32 s25, s10;
	s1 =	sor.u32 $0x380, s1;
	v40 =	vadd.f32 v42, v40;
	v53 =	vld [tilespmem:s13+$0x0];
	[tilespmem:s29+$0x15F80] =	vst v39  }
0x186: {  	[dreg:$0xd] =	wrdreg s1;
	s1 =	smov.u32 s22;
	s22 =	sor.u32 s24, s18;
	v55 =	vmul.f32 v59, v18;
	v56 =	vld [tilespmem:s16+$0x0];
	v54 =	vadd.f32 v63, v41  }
0x187: {  	s0 =	sor.u32 s26, s10;
	[tilespmem:s11+$0x15F80] =	vst v40;
	v59 =	vld [tilespmem:s22+$0x0]  }
0x188: {  	v58 =	vld [tilespmem:s0+$0x0];
	v39 =	vadd.f32 v55, v54  }
0x189: {  	s4 =	sor.u32 s25, s18;
	v57 =	vmul.f32 v60, v16;
	s16 =	sor.u32 $0xC080, s23;
	v60 =	vld [tilespmem:s7+$0xA080]  }
0x18a: {  	v44 =	vmul.f32 v61, v16;
	v50 =	vld [tilespmem:s4+$0x0];
	s17 =	sor.u32 s28, s16;
	v61 =	vmul.f32 v53, v17;
	[tilespmem:s7+$0x16000] =	vst v39  }
0x18b: {  	s10 =	sor.u32 s26, s18;
	s18 =	sor.u32 $0xE080, s23;
	v45 =	vmul.f32 v62, v19;
	v62 =	vld [tilespmem:s17+$0x0]  }
0x18c: {  	v52 =	vld [tilespmem:s11+$0xA080];
	s4 =	sor.u32 s28, s18;
	v44 =	vadd.f32 v61, v44;
	v41 =	vmul.f32 v59, v18  }
0x18d: {  	v46 =	vmul.f32 v58, v17;
	v63 =	vld [tilespmem:s4+$0x0]  }
0x18e: {  	v43 =	vmul.f32 v49, v16;
	v42 =	vmul.f32 v56, v17;
	v56 =	vld [tilespmem:s10+$0x0];
	v41 =	vadd.f32 v41, v44  }
0x18f: {  	v59 =	vmul.f32 v50, v18;
	v40 =	vadd.f32 v46, v57;
	v57 =	vld [tilespmem:s29+$0xA100]  }
0x190: {  	s22 =	sor.u32 s24, s18;
	v39 =	vmul.f32 v60, v19;
	v60 =	vld [tilespmem:s11+$0xA100];
	v42 =	vadd.f32 v42, v43;
	[tilespmem:s3+$0x16000] =	vst v41;
	v58 =	vmul.f32 v62, v20  }
0x191: {  	s6 =	sor.u32 s24, s16;
	v54 =	vld [tilespmem:s22+$0x0]  }
0x192: {  	v42 =	vadd.f32 v59, v42;
	v61 =	vmul.f32 v63, v21;
	v62 =	vld [tilespmem:s6+$0x0];
	v39 =	vadd.f32 v58, v39  }
0x193: {  	s5 =	smov.u32 s14;
	v43 =	vmul.f32 v56, v18;
	v56 =	vld [tilespmem:s12+$0x0]  }
0x194: {  	[dreg:$0x15] =	wrdreg s5;
	s5 =	sor.u32 s25, s16;
	[tilespmem:s29+$0x16000] =	vst v42;
	v41 =	vmul.f32 v57, v22;
	v57 =	vld [tilespmem:s7+$0xA100];
	v39 =	vadd.f32 v61, v39  }
0x195: {  	s15 =	sor.u32 $0xC100, s23;
	v59 =	vld [tilespmem:s5+$0x0]  }
0x196: {  	s17 =	sor.u32 s28, s15;
	v53 =	vld [tilespmem:s8+$0x0];
	[tilespmem:s7+$0x16080] =	vst v39  }
0x197: {  	s14 =	sor.u32 s26, s18;
	s13 =	sor.u32 s25, s18;
	s18 =	sor.u32 $0xE100, s23;
	v63 =	vmul.f32 v51, v19;
	v55 =	vadd.f32 v43, v40;
	v46 =	vmul.f32 v62, v20;
	v58 =	vld [tilespmem:s17+$0x0]  }
0x198: {  	s4 =	sor.u32 s28, s18;
	v62 =	vld [tilespmem:s13+$0x0]  }
0x199: {  	s2 =	sor.u32 s26, s16;
	v40 =	vmul.f32 v60, v22;
	[tilespmem:s11+$0x16000] =	vst v55;
	v49 =	vmul.f32 v54, v21;
	v60 =	vld [tilespmem:s4+$0x0];
	v46 =	vadd.f32 v46, v63  }
0x19a: {  	v61 =	vld [tilespmem:s2+$0x0]  }
0x19b: {  	v47 =	vmul.f32 v52, v19;
	v50 =	vmul.f32 v59, v20;
	v63 =	vld [tilespmem:s14+$0x0];
	v46 =	vadd.f32 v49, v46  }
0x19c: {  	v52 =	vld [tilespmem:s3+$0xA100];
	v39 =	vmul.f32 v57, v22;
	v42 =	vmul.f32 v58, v23  }
0x19d: {  	p1 =	por !p1, !p1;
	s16 =	sor.u32 s24, s15;
	v43 =	vmul.f32 v56, v32;
	v56 =	vld [tilespmem:s21+$0x0];
	s2 =	simm.s32 $0x1;
	v45 =	vadd.f32 v50, v45;
	[tilespmem:s3+$0x16080] =	vst v46;
	v58 =	vmul.f32 v62, v21  }
0x19e: {  	s22 =	sor.u32 s24, s18;
	s2 =	simm.s32 @!p1 $0x0;
	v55 =	vmul.f32 v60, v24;
	v46 =	vld [tilespmem:s16+$0x0];
	v39 =	vadd.f32 v42, v39  }
0x19f: {  	s2 =	sshll.u32 s2, $0x6;
	v48 =	vmul.f32 v61, v20;
	v57 =	vld [tilespmem:s22+$0x0];
	v45 =	vadd.f32 v58, v45  }
0x1a0: {  	s14 =	sadd.s32 s2, s31;
	v60 =	vmul.f32 v63, v21;
	v61 =	vld [tilespmem:s19+$0x9F80];
	v63 =	vmul.f32 v53, v31;
	v39 =	vadd.f32 v55, v39  }
0x1a1: {  	s0 =	sor.u32 s25, s15;
	v38 =	vadd.f32 v43, v38;
	s5 =	sadd.s32 $0x30, s14;
	v62 =	vld [tilespmem:s9+$0x0];
	[tilespmem:s29+$0x16080] =	vst v45  }
0x1a2: {  	v43 =	vmul.f32 v56, v31;
	s2 =	sor.u32 $0x200, s5;
	v59 =	vadd.f32 v48, v47;
	s16 =	sor.u32 $0xC180, s23;
	v35 =	vadd.f32 v63, v35;
	v55 =	vld [tilespmem:s0+$0x0];
	[tilespmem:s7+$0x16100] =	vst v39  }
0x1a3: {  	[dreg:$0x1a] =	wrdreg s19;
	v44 =	vmul.f32 v52, v22;
	s19 =	sor.u32 s28, s16;
	v46 =	vmul.f32 v46, v23;
	v52 =	vld [tilespmem:s2+$0x9F80]  }
0x1a4: {  	s10 =	sor.u32 s25, s18;
	s6 =	sor.u32 s26, s15;
	s15 =	sor.u32 $0xE180, s23;
	v38 =	vadd.f32 v43, v38;
	v42 =	vadd.f32 v60, v59;
	[tilespmem:s20+$0x15F80] =	vst v35;
	v53 =	vld [tilespmem:s19+$0x0]  }
0x1a5: {  	s22 =	sor.u32 s28, s15;
	v54 =	vmul.f32 v57, v24;
	v58 =	vmul.f32 v61, v37;
	v61 =	vld [tilespmem:s10+$0x0];
	v56 =	vadd.f32 v46, v44  }
0x1a6: {  	[tilespmem:s11+$0x16080] =	vst v42;
	v57 =	vld [tilespmem:s22+$0x0];
	s22 =	rddreg [dreg:$0x13]  }
0x1a7: {  	s12 =	sor.u32 s26, s18;
	v59 =	vld [tilespmem:s6+$0x0];
	[tilespmem:s22+$0x15F80] =	vst v38;
	v60 =	vadd.f32 v54, v56  }
0x1a8: {  	[dreg:$0x8] =	wrdreg s31;
	v39 =	vmul.f32 v62, v36;
	v62 =	vld [tilespmem:s12+$0x0];
	v63 =	vmul.f32 v55, v23  }
0x1a9: {  	s30 =	sadd.s32 $0x10, s14;
	s8 =	sor.u32 $0x200, s14;
	s31 =	sor.u32 s24, s16;
	[tilespmem:s3+$0x16100] =	vst v60;
	v47 =	vmul.f32 v52, v25;
	v45 =	vmul.f32 v53, v26;
	v52 =	vld [tilespmem:s1+$0x9F80]  }
0x1aa: {  	s17 =	sor.u32 s25, s16;
	s0 =	sor.u32 s26, s16;
	s16 =	sor.u32 $0x280, s30;
	v42 =	vmul.f32 v61, v24;
	v53 =	vld [tilespmem:s8+$0x9F80];
	v38 =	vadd.f32 v63, v41  }
0x1ab: {  	s18 =	sadd.s32 $0x20, s14;
	[dreg:$0x1e] =	wrdreg s16;
	s19 =	sor.u32 s24, s15;
	v43 =	vmul.f32 v57, v27;
	v54 =	vld [tilespmem:s31+$0x0];
	v45 =	vadd.f32 v45, v47  }
0x1ac: {  	s6 =	sor.u32 $0x300, s14;
	s16 =	sor.u32 $0x280, s14;
	s14 =	rddreg [dreg:$0x11];
	v55 =	vld [tilespmem:s19+$0x0];
	v38 =	vadd.f32 v42, v38  }
0x1ad: {  	v57 =	vld [tilespmem:s14+$0x0];
	s14 =	rddreg [dreg:$0x15];
	v43 =	vadd.f32 v43, v45  }
0x1ae: {  	s21 =	sor.u32 $0x200, s30;
	v35 =	vmul.f32 v59, v23;
	v59 =	vld [tilespmem:s14+$0x9F80];
	[tilespmem:s29+$0x16100] =	vst v38  }
0x1af: {  	v39 =	vadd.f32 v39, v58;
	s12 =	sor.u32 $0x280, s5;
	s3 =	sor.u32 $0xC200, s23;
	v58 =	vmul.f32 v52, v37;
	v52 =	vld [tilespmem:s21+$0x9F80];
	[tilespmem:s2+$0x15F80] =	vst v43  }
0x1b0: {  	v35 =	vadd.f32 v35, v40;
	v56 =	vmul.f32 v62, v24;
	s2 =	sor.u32 s28, s3;
	v61 =	vld [tilespmem:s12+$0x9F80]  }
0x1b1: {  	s19 =	sor.u32 $0xE200, s23;
	v60 =	vmul.f32 v53, v25;
	v62 =	vmul.f32 v54, v26;
	v63 =	vld [tilespmem:s2+$0x0]  }
0x1b2: {  	s4 =	sor.u32 $0x300, s30;
	s22 =	sor.u32 $0x380, s30;
	s30 =	sor.u32 s28, s19;
	v35 =	vadd.f32 v56, v35;
	v41 =	vmul.f32 v55, v27;
	v55 =	vld [tilespmem:s17+$0x0]  }
0x1b3: {  	s13 =	sor.u32 s25, s15;
	v53 =	vadd.f32 v62, v60;
	v54 =	vld [tilespmem:s30+$0x0]  }
0x1b4: {  	s9 =	sor.u32 $0x200, s18;
	[tilespmem:s11+$0x16100] =	vst v35;
	v43 =	vmul.f32 v59, v37;
	v59 =	vld [tilespmem:s13+$0x0]  }
0x1b5: {  	v45 =	vmul.f32 v57, v36;
	v56 =	vld [tilespmem:s9+$0x9F80];
	v41 =	vadd.f32 v41, v53  }
0x1b6: {  	s15 =	sor.u32 s26, s15;
	v57 =	vld [tilespmem:s0+$0x0];
	v40 =	vmul.f32 v61, v28;
	v38 =	vmul.f32 v63, v29  }
0x1b7: {  	s20 =	sor.u32 $0x380, s18;
	v35 =	vadd.f32 v45, v58;
	v60 =	vld [tilespmem:s15+$0x0];
	v58 =	vmul.f32 v52, v25;
	[tilespmem:s8+$0x15F80] =	vst v41  }
0x1b8: {  	s7 =	sor.u32 $0x280, s18;
	s10 =	sor.u32 $0x300, s18;
	s18 =	sor.u32 s24, s3;
	v46 =	vmul.f32 v55, v26;
	v61 =	vmul.f32 v54, v30;
	v62 =	vld [tilespmem:s16+$0x9F80];
	v38 =	vadd.f32 v38, v40  }
0x1b9: {  	s31 =	sor.u32 s25, s3;
	s29 =	sor.u32 s26, s3;
	s3 =	sor.u32 s24, s19;
	v63 =	vld [tilespmem:s18+$0x0]  }
0x1ba: {  	s30 =	smov.u32 s14;
	s14 =	smov.u32 s20;
	s20 =	rddreg [dreg:$0x1d];
	v45 =	vmul.f32 v59, v27;
	v52 =	vld [tilespmem:s3+$0x0];
	v41 =	vadd.f32 v46, v58;
	v38 =	vadd.f32 v61, v38  }
0x1bb: {  	s18 =	rddreg [dreg:$0x1b];
	v58 =	vld [tilespmem:s20+$0x0]  }
0x1bc: {  	s17 =	sor.u32 $0xC280, s23;
	s13 =	sor.u32 $0x300, s5;
	v48 =	vmul.f32 v56, v25;
	v42 =	vmul.f32 v57, v26;
	v53 =	vld [tilespmem:s18+$0x0];
	v41 =	vadd.f32 v45, v41;
	[tilespmem:s12+$0x15F80] =	vst v38  }
0x1bd: {  	s11 =	sor.u32 s26, s19;
	s2 =	sor.u32 s25, s19;
	s19 =	sor.u32 s28, s17;
	v55 =	vld [tilespmem:s13+$0x9F80]  }
0x1be: {  	s0 =	rddreg [dreg:$0x1e];
	v54 =	vmul.f32 v60, v27;
	s18 =	sor.u32 $0xE280, s23;
	v42 =	vadd.f32 v42, v48;
	[tilespmem:s21+$0x15F80] =	vst v41;
	v56 =	vld [tilespmem:s19+$0x0]  }
0x1bf: {  	v44 =	vmul.f32 v62, v28;
	v57 =	vmul.f32 v63, v29;
	v60 =	vld [tilespmem:s0+$0x9F80];
	s19 =	sor.u32 s28, s18  }
0x1c0: {  	v42 =	vadd.f32 v54, v42;
	v59 =	vld [tilespmem:s19+$0x0]  }
0x1c1: {  	v40 =	vmul.f32 v52, v30;
	v61 =	vld [tilespmem:s31+$0x0];
	v44 =	vadd.f32 v57, v44  }
0x1c2: {  	v46 =	vmul.f32 v58, v34;
	v52 =	vld [tilespmem:s2+$0x0];
	[tilespmem:s9+$0x15F80] =	vst v42  }
0x1c3: {  	v62 =	vld [tilespmem:s7+$0x9F80];
	v40 =	vadd.f32 v40, v44;
	v47 =	vmul.f32 v55, v33;
	v45 =	vmul.f32 v56, v32  }
0x1c4: {  	s5 =	sor.u32 $0x380, s5;
	v38 =	vmul.f32 v53, v36;
	v63 =	vld [tilespmem:s29+$0x0]  }
0x1c5: {  	s15 =	sor.u32 s24, s17;
	s3 =	sor.u32 s25, s17;
	s31 =	rddreg [dreg:$0x8];
	v39 =	vadd.f32 v46, v39;
	[tilespmem:s16+$0x15F80] =	vst v40;
	v55 =	vld [tilespmem:s11+$0x0];
	v41 =	vmul.f32 v59, v31;
	v53 =	vadd.f32 v45, v47  }
0x1c6: {  	s20 =	sor.u32 $0xE300, s23;
	s8 =	sor.u32 s25, s18;
	v56 =	vld [tilespmem:s6+$0x9F80];
	s11 =	rddreg [dreg:$0x1a]  }
0x1c7: {  	s12 =	sor.u32 s26, s17;
	s17 =	sor.u32 s24, s18;
	v54 =	vmul.f32 v60, v28;
	v42 =	vmul.f32 v61, v29;
	s16 =	sor.u32 $0xC300, s23;
	v57 =	vld [tilespmem:s15+$0x0];
	[tilespmem:s11+$0x15F80] =	vst v39;
	v41 =	vadd.f32 v41, v53  }
0x1c8: {  	v38 =	vadd.f32 v38, v43;
	v40 =	vmul.f32 v52, v30;
	s23 =	sor.u32 s28, s20;
	v58 =	vld [tilespmem:s17+$0x0];
	s17 =	sor.u32 s28, s16;
	s28 =	rddreg [dreg:$0x9]  }
.Ltmp2:
0x1c9: {  	s21 =	sor.u32 s26, s18;
	v44 =	vmul.f32 v62, v28;
	s15 =	rddreg [dreg:$0xd];
	v60 =	vmul.f32 v63, v29;
	v59 =	vadd.f32 v42, v54;
	v43 =	vld [tilespmem:s28+$0x0];
	[tilespmem:s13+$0x15F80] =	vst v41;
	(pc) =	sbr.rel @p2 .LBB2_2-.Ltmp2, $4  }
0x1ca: {  	s9 =	sor.u32 s24, s16;
	s29 =	sor.u32 s25, s16;
	s18 =	sor.u32 s26, s16;
	v42 =	vld [tilespmem:s5+$0x9F80]  }
0x1cb: {  	v61 =	vadd.f32 v60, v44;
	s16 =	sor.u32 s25, s20;
	s25 =	sor.u32 s26, s20;
	s26 =	rddreg [dreg:$0x12];
	v63 =	vadd.f32 v40, v59;
	v62 =	vmul.f32 v55, v30;
	v39 =	vld [tilespmem:s17+$0x0]  }
0x1cc: {  	v45 =	vmul.f32 v56, v33;
	s17 =	sor.u32 s24, s20;
	s24 =	rddreg [dreg:$0xc];
	v41 =	vld [tilespmem:s23+$0x0]  }
0x1cd: {  	s19 =	smov.u32 s15;
	s2 =	sadd.s32 $0x40, s26;
	v46 =	vmul.f32 v57, v32;
	v47 =	vadd.f32 v62, v61;
	v44 =	vmul.f32 v58, v31;
	v40 =	vld [tilespmem:s24+$0x0];
	[tilespmem:s0+$0x15F80] =	vst v63;
	s0 =	smov.u32 s25  }
0x1ce: {  	v13 =	vld [tilespmem:s4+$0x9F80]  }
0x1cf: {  	v14 =	vld [tilespmem:s3+$0x0]  }
0x1d0: {  	v17 =	vld [tilespmem:s8+$0x0];
	[tilespmem:s7+$0x15F80] =	vst v47  }
0x1d1: {  	v15 =	vld [tilespmem:s10+$0x9F80]  }
0x1d2: {  	v16 =	vld [tilespmem:s12+$0x0];
	_ =	sdelay $0x1  }
0x1d3: {  	v18 =	vadd.f32 v46, v45;
	v19 =	vld [tilespmem:s21+$0x0]  }
0x1d4: {  	v13 =	vmul.f32 v13, v33;
	v14 =	vmul.f32 v14, v32  }
0x1d5: {  	v18 =	vadd.f32 v44, v18;
	v55 =	vmul.f32 v17, v31  }
0x1d6: {  	v15 =	vmul.f32 v15, v33;
	v13 =	vadd.f32 v14, v13;
	v14 =	vmul.f32 v16, v32  }
0x1d7: {  	[tilespmem:s6+$0x15F80] =	vst v18  }
0x1d8: {  	v56 =	vld [tilespmem:s19+$0x9F80];
	v14 =	vadd.f32 v14, v15;
	v15 =	vmul.f32 v19, v31;
	v13 =	vadd.f32 v55, v13  }
0x1d9: {  	v57 =	vld [tilespmem:s9+$0x0]  }
0x1da: {  	v21 =	vld [tilespmem:s17+$0x0];
	v14 =	vadd.f32 v15, v14;
	[tilespmem:s4+$0x15F80] =	vst v13  }
0x1db: {  	v13 =	vld [tilespmem:s22+$0x9F80]  }
0x1dc: {  	[tilespmem:s10+$0x15F80] =	vst v14;
	v14 =	vld [tilespmem:s29+$0x0]  }
0x1dd: {  	v15 =	vld [tilespmem:s14+$0x9F80]  }
0x1de: {  	v60 =	vmul.f32 v43, v34;
	v22 =	vmul.f32 v40, v34;
	v58 =	vld [tilespmem:s18+$0x0]  }
0x1df: {  	v59 =	vmul.f32 v42, v37;
	v20 =	vmul.f32 v39, v36;
	v24 =	vld [tilespmem:s16+$0x0]  }
0x1e0: {  	v23 =	vmul.f32 v41, v34;
	v22 =	vadd.f32 v22, v35;
	v16 =	vmul.f32 v56, v37;
	v25 =	vld [tilespmem:s0+$0x0]  }
0x1e1: {  	v19 =	vadd.f32 v20, v59;
	v17 =	vmul.f32 v57, v36;
	v62 =	vmul.f32 v21, v34  }
0x1e2: {  	v20 =	vadd.f32 v60, v38;
	v13 =	vmul.f32 v13, v37;
	v14 =	vmul.f32 v14, v36  }
0x1e3: {  	v16 =	vadd.f32 v17, v16;
	v15 =	vmul.f32 v15, v37;
	v61 =	vmul.f32 v58, v36  }
0x1e4: {  	[tilespmem:s1+$0x15F80] =	vst v22;
	v19 =	vadd.f32 v23, v19;
	v13 =	vadd.f32 v14, v13;
	v14 =	vmul.f32 v24, v34  }
0x1e5: {  	[tilespmem:s30+$0x15F80] =	vst v20;
	v16 =	vadd.f32 v62, v16;
	v63 =	vmul.f32 v25, v34;
	v15 =	vadd.f32 v61, v15  }
0x1e6: {  	[tilespmem:s5+$0x15F80] =	vst v19;
	v13 =	vadd.f32 v14, v13  }
0x1e7: {  	[tilespmem:s19+$0x15F80] =	vst v16;
	v14 =	vadd.f32 v63, v15  }
0x1e8: {  	[tilespmem:s22+$0x15F80] =	vst v13  }
0x1e9: {  	[tilespmem:s14+$0x15F80] =	vst v14  }
.Ltmp3:
0x1ea: {  	s1 =	sld [smem:$0x7FC];
	(pc) =	sbr.rel @p0 .LBB2_7-.Ltmp3, $4  }
0x1eb: {  	_ = 	snop  }
0x1ec: {  	s31 =	simm.s32 $0x0;
	s2 =	simm.s32 $0x15F80  }
0x1ed: {  	[hbm4b:s1+s31] =	stream.linear.scatter [tilespmem:s2], [sflag:$0x4], $0x2000, $0x38;
	[tilespmem:$0x19F80] =	vst v63  }
0x1ee: {  	s0 =	simm.s32 $0x4;
	s2 =	sld [smem:$0x7F7]  }
0x1ef: {  	s0 =	simm.s32 $0x3  }
0x1f0: {  	_ =	swait.ge [sflag:s0], $0x6000  }
0x1f1: {  	[sflag:s0] =	ssyncset.done $0x0  }
0x1f2: {  	s15 =	simm.s32 $0x0;
	s11 =	simm.s32 $0x9C80;
	[sflag:s0] =	ssyncadd.s32 $0xFFFFA000  }
0x1f3: {  	s13 =	sand.u32 $0x40, s15;
	v34 =	vld.idx.msk [tilespmem:v6+s11+$0x0], $0xffff  }
0x1f4: {  	s25 =	sand.u32 $0x1C00, s15;
	s24 =	sor.u32 $0x30, s13;
	v36 =	vld.idx.msk [tilespmem:v7+s11+$0x0], $0xffff  }
0x1f5: {  	s12 =	sadd.s32 $0x11F80, s25;
	s6 =	sor.u32 s25, s24;
	v35 =	vld.idx.msk [tilespmem:v8+s11+$0x0], $0xffff  }
0x1f6: {  	s1 =	sor.u32 s24, s12;
	v16 =	vld [tilespmem:s6+$0xFF80]  }
0x1f7: {  	s9 =	sadd.s32 $0x13F80, s25;
	v17 =	vld [tilespmem:s1+$0x0]  }
0x1f8: {  	s14 =	sor.u32 s24, s9  }
0x1f9: {  	v18 =	vld [tilespmem:s14+$0x0]  }
0x1fa: {  	v13 =	vbroadcast v34, $0x0;
	v14 =	vbroadcast v36, $0x0  }
0x1fb: {  	v15 =	vbroadcast v35, $0x0  }
0x1fc: {  	v16 =	vmul.f32 v16, v13;
	v17 =	vmul.f32 v17, v14  }
0x1fd: {  	s3 =	sor.u32 s13, s12  }
0x1fe: {  	s16 =	sor.u32 s13, s9;
	v19 =	vld [tilespmem:s3+$0x0];
	v16 =	vadd.f32 v17, v16;
	v17 =	vmul.f32 v18, v15  }
0x1ff: {  	s5 =	sor.u32 s13, s25;
	v21 =	vld [tilespmem:s16+$0x0]  }
0x200: {  	s2 =	sor.u32 $0x10, s13;
	v18 =	vld [tilespmem:s5+$0xFF80];
	v16 =	vadd.f32 v17, v16  }
0x201: {  	s7 =	sor.u32 $0x12000, s25;
	s4 =	sor.u32 s2, s12;
	v22 =	vld [tilespmem:s6+$0x10000]  }
0x202: {  	s17 =	sor.u32 s24, s7;
	v24 =	vld [tilespmem:s4+$0x0];
	[tilespmem:s6+$0x17F80] =	vst v16  }
0x203: {  	s8 =	sor.u32 $0x14000, s25;
	s1 =	sor.u32 s25, s2;
	v23 =	vld [tilespmem:s17+$0x0]  }
0x204: {  	s18 =	sor.u32 s24, s8;
	v20 =	vld [tilespmem:s1+$0xFF80]  }
0x205: {  	s10 =	sor.u32 s2, s9;
	v19 =	vmul.f32 v19, v14;
	v25 =	vmul.f32 v18, v13;
	v26 =	vld [tilespmem:s18+$0x0]  }
0x206: {  	s4 =	sor.u32 $0x20, s13;
	v27 =	vld [tilespmem:s10+$0x0];
	v17 =	vbroadcast v36, $0x1;
	v16 =	vbroadcast v34, $0x1  }
0x207: {  	s3 =	sor.u32 s25, s4;
	v30 =	vld [tilespmem:s1+$0x10000];
	v21 =	vmul.f32 v21, v15;
	v18 =	vbroadcast v35, $0x1;
	v19 =	vadd.f32 v19, v25  }
0x208: {  	s0 =	sor.u32 s4, s12;
	v28 =	vld [tilespmem:s3+$0xFF80];
	v22 =	vmul.f32 v22, v16;
	v23 =	vmul.f32 v23, v17  }
0x209: {  	s9 =	sor.u32 s4, s9;
	v20 =	vmul.f32 v20, v13;
	v24 =	vmul.f32 v24, v14;
	v25 =	vld [tilespmem:s0+$0x0];
	v19 =	vadd.f32 v21, v19  }
0x20a: {  	v29 =	vld [tilespmem:s9+$0x0];
	v21 =	vadd.f32 v23, v22;
	v22 =	vmul.f32 v26, v18  }
0x20b: {  	s19 =	sor.u32 s13, s7;
	v20 =	vadd.f32 v24, v20;
	v24 =	vld [tilespmem:s5+$0x10000];
	[tilespmem:s5+$0x17F80] =	vst v19;
	v23 =	vmul.f32 v27, v15  }
0x20c: {  	v19 =	vld [tilespmem:s19+$0x0];
	v21 =	vadd.f32 v22, v21  }
0x20d: {  	s21 =	sor.u32 $0x12080, s25;
	s20 =	sor.u32 s13, s8;
	v26 =	vld [tilespmem:s6+$0x10080];
	v20 =	vadd.f32 v23, v20  }
0x20e: {  	s23 =	sor.u32 s24, s21;
	v25 =	vmul.f32 v25, v14;
	v22 =	vld [tilespmem:s20+$0x0];
	v23 =	vmul.f32 v28, v13;
	[tilespmem:s6+$0x18000] =	vst v21  }
0x20f: {  	s26 =	sor.u32 $0x14080, s25;
	s11 =	sor.u32 s2, s7;
	[tilespmem:s1+$0x17F80] =	vst v20;
	v27 =	vld [tilespmem:s23+$0x0]  }
0x210: {  	s28 =	sor.u32 s24, s26;
	v21 =	vadd.f32 v25, v23;
	v23 =	vmul.f32 v29, v15;
	v25 =	vld [tilespmem:s11+$0x0]  }
0x211: {  	s29 =	sor.u32 s2, s8;
	v24 =	vmul.f32 v24, v16;
	v28 =	vmul.f32 v19, v17;
	v29 =	vld [tilespmem:s28+$0x0]  }
0x212: {  	v20 =	vbroadcast v36, $0x2;
	v19 =	vbroadcast v34, $0x2;
	v31 =	vld [tilespmem:s29+$0x0];
	v23 =	vadd.f32 v23, v21  }
0x213: {  	v21 =	vbroadcast v35, $0x2;
	v24 =	vadd.f32 v28, v24;
	v22 =	vmul.f32 v22, v18  }
0x214: {  	s7 =	sor.u32 s4, s7;
	v32 =	vld [tilespmem:s3+$0x10000];
	[tilespmem:s3+$0x17F80] =	vst v23;
	v23 =	vmul.f32 v26, v19;
	v26 =	vmul.f32 v27, v20  }
0x215: {  	s8 =	sor.u32 s4, s8;
	v22 =	vadd.f32 v22, v24;
	v27 =	vmul.f32 v30, v16;
	v30 =	vld [tilespmem:s7+$0x0];
	v25 =	vmul.f32 v25, v17  }
0x216: {  	v24 =	vld [tilespmem:s8+$0x0];
	v23 =	vadd.f32 v26, v23;
	v26 =	vmul.f32 v29, v21  }
0x217: {  	s11 =	sor.u32 s13, s21;
	[tilespmem:s5+$0x18000] =	vst v22;
	v25 =	vadd.f32 v25, v27;
	v27 =	vld [tilespmem:s5+$0x10080];
	v29 =	vmul.f32 v31, v18  }
0x218: {  	v22 =	vld [tilespmem:s11+$0x0];
	v23 =	vadd.f32 v26, v23  }
0x219: {  	s14 =	sor.u32 $0x12100, s25;
	s12 =	sor.u32 s13, s26;
	v31 =	vld [tilespmem:s6+$0x10100];
	v25 =	vadd.f32 v29, v25  }
0x21a: {  	s17 =	sor.u32 s24, s14;
	v26 =	vld [tilespmem:s12+$0x0];
	v29 =	vmul.f32 v32, v16;
	v30 =	vmul.f32 v30, v17;
	[tilespmem:s6+$0x18080] =	vst v23  }
0x21b: {  	s19 =	sor.u32 $0x14100, s25;
	[tilespmem:s1+$0x18000] =	vst v25;
	v25 =	vld [tilespmem:s17+$0x0]  }
0x21c: {  	s22 =	sor.u32 s24, s19;
	v28 =	vld [tilespmem:s1+$0x10080];
	v24 =	vmul.f32 v24, v18;
	v29 =	vadd.f32 v30, v29  }
0x21d: {  	s18 =	sor.u32 s2, s21;
	v23 =	vbroadcast v36, $0x3;
	v27 =	vmul.f32 v27, v19;
	v33 =	vld [tilespmem:s22+$0x0]  }
0x21e: {  	v30 =	vld [tilespmem:s18+$0x0];
	v58 =	vmul.f32 v22, v20;
	v22 =	vbroadcast v34, $0x3;
	v29 =	vadd.f32 v24, v29  }
0x21f: {  	v37 =	vld [tilespmem:s3+$0x10080];
	s23 =	sor.u32 s2, s26;
	v24 =	vbroadcast v35, $0x3;
	v26 =	vmul.f32 v26, v21  }
0x220: {  	s9 =	sor.u32 s4, s21;
	v59 =	vld [tilespmem:s23+$0x0];
	v27 =	vadd.f32 v58, v27;
	[tilespmem:s3+$0x18000] =	vst v29;
	v29 =	vmul.f32 v31, v22;
	v25 =	vmul.f32 v25, v23  }
0x221: {  	p1 =	por $0x0, $0x0;
	v31 =	vld [tilespmem:s9+$0x0];
	s9 =	simm.s32 $0x1  }
0x222: {  	v26 =	vadd.f32 v26, v27;
	s9 =	simm.s32 @!p1 $0x0;
	v25 =	vadd.f32 v25, v29;
	v29 =	vmul.f32 v33, v24  }
0x223: {  	v60 =	vld [tilespmem:s5+$0x10100];
	s0 =	sor.u32 s4, s26;
	v28 =	vmul.f32 v28, v19;
	v27 =	vmul.f32 v30, v20;
	s26 =	sshll.u32 s9, $0x6  }
0x224: {  	s28 =	sor.u32 s13, s14;
	v30 =	vld [tilespmem:s0+$0x0];
	[tilespmem:s5+$0x18080] =	vst v26;
	s0 =	sadd.s32 $0x0, s26;
	v25 =	vadd.f32 v29, v25  }
0x225: {  	s29 =	sor.u32 s13, s19;
	v26 =	vadd.f32 v27, v28;
	v27 =	vmul.f32 v59, v21;
	v28 =	vld [tilespmem:s28+$0x0];
	s16 =	sadd.s32 $0x30, s0  }
0x226: {  	s10 =	sor.u32 $0x12180, s25;
	v61 =	vld [tilespmem:s29+$0x0];
	v29 =	vmul.f32 v37, v19;
	v31 =	vmul.f32 v31, v20;
	s20 =	sor.u32 $0x200, s16;
	[tilespmem:s6+$0x18100] =	vst v25  }
0x227: {  	s21 =	sor.u32 s24, s10;
	v62 =	vld [tilespmem:s20+$0xFF80]  }
0x228: {  	s22 =	sor.u32 $0x14180, s25;
	v26 =	vadd.f32 v27, v26;
	v25 =	vadd.f32 v31, v29;
	v29 =	vld [tilespmem:s21+$0x0]  }
0x229: {  	v38 =	vld [tilespmem:s1+$0x10100];
	s26 =	sor.u32 s24, s22;
	v27 =	vmul.f32 v30, v21  }
0x22a: {  	s12 =	sor.u32 s2, s14;
	[tilespmem:s1+$0x18080] =	vst v26;
	v31 =	vmul.f32 v60, v22;
	v28 =	vmul.f32 v28, v23;
	v39 =	vld [tilespmem:s26+$0x0]  }
0x22b: {  	v26 =	vbroadcast v36, $0x4;
	v30 =	vld [tilespmem:s12+$0x0];
	v63 =	vadd.f32 v27, v25;
	v25 =	vbroadcast v34, $0x4  }
0x22c: {  	v40 =	vld [tilespmem:s3+$0x10100];
	s28 =	sor.u32 s2, s19;
	v32 =	vmul.f32 v61, v24;
	v27 =	vbroadcast v35, $0x4;
	v28 =	vadd.f32 v28, v31  }
0x22d: {  	s8 =	sor.u32 s4, s14;
	v31 =	vld [tilespmem:s28+$0x0];
	[tilespmem:s3+$0x18080] =	vst v63;
	v37 =	vmul.f32 v62, v25;
	v29 =	vmul.f32 v29, v26  }
0x22e: {  	v28 =	vadd.f32 v32, v28;
	v33 =	vld [tilespmem:s8+$0x0]  }
0x22f: {  	s7 =	sor.u32 s4, s19;
	v43 =	vmul.f32 v39, v27;
	v29 =	vadd.f32 v29, v37  }
0x230: {  	v38 =	vmul.f32 v38, v22;
	s29 =	sor.u32 $0x200, s0;
	v42 =	vld [tilespmem:s7+$0x0];
	v30 =	vmul.f32 v30, v23;
	[tilespmem:s5+$0x18100] =	vst v28  }
0x231: {  	s7 =	sor.u32 s13, s10;
	v28 =	vld [tilespmem:s29+$0xFF80];
	v29 =	vadd.f32 v43, v29  }
0x232: {  	s11 =	sor.u32 s13, s22;
	v30 =	vadd.f32 v30, v38;
	v31 =	vmul.f32 v31, v24;
	v45 =	vld [tilespmem:s7+$0x0]  }
0x233: {  	v44 =	vmul.f32 v40, v22;
	s12 =	sor.u32 $0x280, s16;
	v46 =	vld [tilespmem:s11+$0x0];
	s7 =	sor.u32 $0x12200, s25;
	v33 =	vmul.f32 v33, v23;
	[tilespmem:s20+$0x17F80] =	vst v29  }
0x234: {  	s6 =	sor.u32 $0x14200, s25;
	s14 =	sor.u32 s24, s7;
	v30 =	vadd.f32 v31, v30;
	v47 =	vld [tilespmem:s12+$0xFF80]  }
0x235: {  	s18 =	sor.u32 s24, s6;
	v31 =	vmul.f32 v42, v24;
	v29 =	vadd.f32 v33, v44;
	v48 =	vld [tilespmem:s14+$0x0]  }
0x236: {  	s19 =	sor.u32 s2, s10;
	s23 =	sadd.s32 $0x10, s0;
	[tilespmem:s1+$0x18100] =	vst v30;
	v49 =	vld [tilespmem:s18+$0x0]  }
0x237: {  	s17 =	sor.u32 $0x200, s23;
	v50 =	vld [tilespmem:s19+$0x0];
	v29 =	vadd.f32 v31, v29  }
0x238: {  	s26 =	sadd.s32 $0x20, s0;
	s21 =	sor.u32 s2, s22;
	v31 =	vld [tilespmem:s17+$0xFF80]  }
0x239: {  	s14 =	sor.u32 $0x200, s26;
	v41 =	vmul.f32 v28, v25;
	v38 =	vmul.f32 v45, v26;
	v51 =	vld [tilespmem:s21+$0x0];
	[tilespmem:s3+$0x18100] =	vst v29  }
0x23a: {  	s20 =	sor.u32 s4, s10;
	v28 =	vbroadcast v34, $0x5;
	v29 =	vbroadcast v36, $0x5;
	v42 =	vld [tilespmem:s14+$0xFF80]  }
0x23b: {  	v30 =	vbroadcast v35, $0x5;
	v39 =	vmul.f32 v46, v27;
	v38 =	vadd.f32 v38, v41;
	v43 =	vld [tilespmem:s20+$0x0]  }
0x23c: {  	s22 =	sor.u32 s4, s22;
	v32 =	vmul.f32 v47, v28;
	v33 =	vmul.f32 v48, v29  }
0x23d: {  	v38 =	vadd.f32 v39, v38;
	v44 =	vld [tilespmem:s22+$0x0];
	v53 =	vmul.f32 v50, v26;
	v31 =	vmul.f32 v31, v25  }
0x23e: {  	v52 =	vmul.f32 v49, v30;
	v32 =	vadd.f32 v33, v32  }
0x23f: {  	s9 =	sor.u32 $0x280, s0;
	v57 =	vmul.f32 v51, v27;
	[tilespmem:s29+$0x17F80] =	vst v38;
	v31 =	vadd.f32 v53, v31  }
0x240: {  	s28 =	sor.u32 s13, s7;
	v56 =	vld [tilespmem:s9+$0xFF80];
	v54 =	vmul.f32 v42, v25;
	v55 =	vmul.f32 v43, v26;
	v32 =	vadd.f32 v52, v32  }
0x241: {  	s5 =	sor.u32 $0x12280, s25;
	s29 =	sor.u32 s13, s6;
	v58 =	vld [tilespmem:s28+$0x0]  }
0x242: {  	s11 =	sor.u32 $0x14280, s25;
	s3 =	sor.u32 s24, s5;
	v60 =	vld [tilespmem:s29+$0x0];
	v59 =	vmul.f32 v44, v27;
	v31 =	vadd.f32 v57, v31;
	v38 =	vadd.f32 v55, v54;
	[tilespmem:s12+$0x17F80] =	vst v32  }
0x243: {  	s8 =	sor.u32 s24, s11;
	s1 =	simm.s32 $0x200;
	v43 =	vld [tilespmem:s3+$0x0]  }
0x244: {  	s10 =	sor.u32 s2, s7;
	s22 =	simm.s32 $0x40;
	s28 =	sand.u32 $0x1C00, s1;
	[tilespmem:s17+$0x17F80] =	vst v31;
	v61 =	vadd.f32 v59, v38;
	v38 =	vld [tilespmem:s8+$0x0]  }
0x245: {  	s19 =	sor.u32 s2, s6;
	s17 =	sand.u32 $0x40, s22;
	s3 =	sadd.s32 $0x11F80, s28;
	v39 =	vld [tilespmem:s10+$0x0]  }
0x246: {  	v44 =	vld [tilespmem:s19+$0x0];
	s21 =	sor.u32 s17, s3  }
0x247: {  	s18 =	sor.u32 $0x30, s17;
	s8 =	sor.u32 s17, s28;
	v45 =	vld [tilespmem:s21+$0x0]  }
0x248: {  	s12 =	sadd.s32 $0x13F80, s28;
	s10 =	sor.u32 s28, s18;
	v48 =	vld [tilespmem:s8+$0xFF80]  }
0x249: {  	s20 =	sor.u32 s18, s12;
	v31 =	vld [tilespmem:s10+$0xFF80]  }
0x24a: {  	s19 =	sor.u32 $0x10, s17;
	[tilespmem:s14+$0x17F80] =	vst v61;
	s14 =	sor.u32 s18, s3;
	v63 =	vld [tilespmem:s20+$0x0]  }
0x24b: {  	s29 =	sor.u32 s19, s3;
	v62 =	vld [tilespmem:s14+$0x0]  }
0x24c: {  	s21 =	sor.u32 s19, s12;
	v46 =	vld [tilespmem:s29+$0x0]  }
0x24d: {  	s20 =	sor.u32 $0x20, s17;
	v55 =	vld [tilespmem:s21+$0x0]  }
0x24e: {  	v53 =	vmul.f32 v56, v28;
	v37 =	vmul.f32 v58, v29;
	v59 =	vld [tilespmem:s10+$0x10000];
	s3 =	sor.u32 s20, s3  }
0x24f: {  	v42 =	vmul.f32 v60, v30;
	v47 =	vld [tilespmem:s3+$0x0];
	s3 =	sor.u32 s28, s19  }
0x250: {  	s7 =	sor.u32 s4, s7;
	v33 =	vadd.f32 v37, v53;
	v49 =	vld [tilespmem:s3+$0xFF80];
	v31 =	vmul.f32 v31, v13;
	v32 =	vmul.f32 v62, v14  }
0x251: {  	v41 =	vld [tilespmem:s7+$0x0];
	s14 =	sor.u32 s17, s12  }
0x252: {  	v33 =	vadd.f32 v42, v33;
	s7 =	sor.u32 s28, s20;
	v54 =	vld [tilespmem:s14+$0x0];
	v52 =	vmul.f32 v63, v15;
	v31 =	vadd.f32 v32, v31  }
0x253: {  	s12 =	sor.u32 s20, s12;
	v50 =	vld [tilespmem:s7+$0xFF80]  }
0x254: {  	v56 =	vld [tilespmem:s12+$0x0];
	[tilespmem:s9+$0x17F80] =	vst v33;
	s9 =	sor.u32 s13, s11;
	v31 =	vadd.f32 v52, v31  }
0x255: {  	s14 =	sor.u32 $0x12000, s28;
	v37 =	vld [tilespmem:s9+$0x0];
	v46 =	vmul.f32 v46, v14;
	v58 =	vmul.f32 v49, v13  }
0x256: {  	s12 =	sor.u32 $0x14000, s28;
	s29 =	sor.u32 s18, s14;
	v53 =	vld [tilespmem:s3+$0x10000];
	v45 =	vmul.f32 v45, v14;
	[tilespmem:s10+$0x17F80] =	vst v31;
	v31 =	vmul.f32 v48, v13  }
0x257: {  	s21 =	sor.u32 s18, s12;
	v40 =	vmul.f32 v54, v15;
	v32 =	vmul.f32 v55, v15;
	v42 =	vadd.f32 v46, v58;
	v57 =	vld [tilespmem:s29+$0x0]  }
0x258: {  	s6 =	sor.u32 s4, s6;
	v50 =	vmul.f32 v50, v13;
	v47 =	vmul.f32 v47, v14;
	v60 =	vld [tilespmem:s21+$0x0];
	v31 =	vadd.f32 v45, v31  }
0x259: {  	v32 =	vadd.f32 v32, v42;
	v45 =	vld [tilespmem:s6+$0x0];
	s6 =	sor.u32 $0x300, s16  }
0x25a: {  	v62 =	vmul.f32 v56, v15;
	v61 =	vadd.f32 v47, v50;
	s29 =	sor.u32 s13, s5;
	v58 =	vld [tilespmem:s6+$0xFF80];
	v31 =	vadd.f32 v40, v31  }
0x25b: {  	[tilespmem:s3+$0x17F80] =	vst v32;
	v40 =	vld [tilespmem:s29+$0x0];
	s29 =	sor.u32 s19, s14  }
0x25c: {  	v56 =	vmul.f32 v59, v16;
	v49 =	vld [tilespmem:s29+$0x0];
	[tilespmem:s8+$0x17F80] =	vst v31;
	v31 =	vadd.f32 v62, v61;
	v57 =	vmul.f32 v57, v17  }
0x25d: {  	s21 =	sor.u32 s17, s14;
	v59 =	vmul.f32 v60, v18;
	v60 =	vld [tilespmem:s8+$0x10000]  }
0x25e: {  	v32 =	vbroadcast v36, $0x6;
	v63 =	vld [tilespmem:s21+$0x0];
	s21 =	sor.u32 s20, s14;
	v46 =	vadd.f32 v57, v56;
	[tilespmem:s7+$0x17F80] =	vst v31  }
0x25f: {  	v33 =	vbroadcast v34, $0x6;
	v50 =	vld [tilespmem:s21+$0x0];
	s21 =	sor.u32 $0x280, s23  }
0x260: {  	v43 =	vmul.f32 v43, v32;
	s29 =	sor.u32 s17, s12;
	v51 =	vld [tilespmem:s21+$0xFF80];
	v46 =	vadd.f32 v59, v46  }
0x261: {  	s14 =	sor.u32 $0x12080, s28;
	v52 =	vld [tilespmem:s29+$0x0];
	v31 =	vbroadcast v35, $0x6;
	v48 =	vmul.f32 v58, v33  }
0x262: {  	v61 =	vld [tilespmem:s10+$0x10080];
	s29 =	sor.u32 s18, s14;
	[tilespmem:s10+$0x18000] =	vst v46  }
0x263: {  	v43 =	vadd.f32 v43, v48;
	v38 =	vmul.f32 v38, v31;
	v46 =	vld [tilespmem:s29+$0x0];
	s29 =	sor.u32 $0x14080, s28  }
0x264: {  	v56 =	vld [tilespmem:s7+$0x10000];
	v62 =	vmul.f32 v60, v16;
	v42 =	vmul.f32 v63, v17;
	s9 =	sor.u32 s18, s29  }
0x265: {  	v39 =	vmul.f32 v39, v29;
	v38 =	vadd.f32 v38, v43;
	v51 =	vmul.f32 v51, v28;
	v54 =	vld [tilespmem:s9+$0x0];
	s9 =	sor.u32 s19, s12  }
0x266: {  	v57 =	vmul.f32 v52, v18;
	v42 =	vadd.f32 v42, v62;
	s12 =	sor.u32 s20, s12;
	v63 =	vld [tilespmem:s9+$0x0];
	s9 =	sor.u32 $0x12300, s25  }
0x267: {  	v44 =	vmul.f32 v44, v30;
	[tilespmem:s6+$0x17F80] =	vst v38;
	v58 =	vld [tilespmem:s12+$0x0];
	v39 =	vadd.f32 v39, v51;
	s6 =	sor.u32 s24, s9  }
0x268: {  	v42 =	vadd.f32 v57, v42;
	v38 =	vld [tilespmem:s6+$0x0];
	s6 =	sor.u32 $0x14300, s25  }
0x269: {  	v44 =	vadd.f32 v44, v39;
	s24 =	sor.u32 s24, s6  }
0x26a: {  	v53 =	vmul.f32 v53, v16;
	v49 =	vmul.f32 v49, v17;
	[tilespmem:s8+$0x18000] =	vst v42;
	v39 =	vld [tilespmem:s24+$0x0];
	s24 =	sor.u32 s17, s29  }
0x26b: {  	v48 =	vmul.f32 v61, v19;
	v46 =	vmul.f32 v46, v20;
	[tilespmem:s21+$0x17F80] =	vst v44;
	v44 =	vld [tilespmem:s24+$0x0]  }
0x26c: {  	v62 =	vmul.f32 v56, v16;
	s25 =	sor.u32 s2, s5;
	v57 =	vmul.f32 v58, v18;
	v58 =	vld [tilespmem:s8+$0x10080]  }
0x26d: {  	v50 =	vmul.f32 v50, v17;
	v59 =	vadd.f32 v46, v48;
	v60 =	vmul.f32 v54, v21;
	s21 =	sor.u32 s17, s14;
	v46 =	vld [tilespmem:s25+$0x0]  }
0x26e: {  	v61 =	vadd.f32 v49, v53;
	v47 =	vmul.f32 v63, v18;
	s24 =	sor.u32 $0x280, s26;
	v63 =	vld [tilespmem:s21+$0x0]  }
0x26f: {  	v42 =	vadd.f32 v50, v62;
	v43 =	vadd.f32 v60, v59;
	v56 =	vld [tilespmem:s24+$0xFF80]  }
0x270: {  	s21 =	sor.u32 $0x12100, s28;
	v59 =	vld [tilespmem:s10+$0x10100];
	v47 =	vadd.f32 v47, v61  }
0x271: {  	v60 =	vld [tilespmem:s3+$0x10080];
	s25 =	sor.u32 s18, s21;
	v42 =	vadd.f32 v57, v42;
	[tilespmem:s10+$0x18080] =	vst v43  }
0x272: {  	v43 =	vld [tilespmem:s25+$0x0];
	[tilespmem:s3+$0x18000] =	vst v47;
	s25 =	sor.u32 s19, s14  }
0x273: {  	s12 =	sor.u32 $0x14100, s28;
	s14 =	sor.u32 s20, s14;
	[tilespmem:s7+$0x18000] =	vst v42;
	v47 =	vld [tilespmem:s25+$0x0]  }
0x274: {  	s25 =	sor.u32 s18, s12;
	v42 =	vld [tilespmem:s14+$0x0]  }
0x275: {  	v41 =	vmul.f32 v41, v29;
	s14 =	sor.u32 $0x300, s0;
	v50 =	vld [tilespmem:s25+$0x0];
	v48 =	vmul.f32 v56, v28  }
0x276: {  	v45 =	vmul.f32 v45, v30;
	s25 =	sor.u32 s19, s29;
	v54 =	vld [tilespmem:s14+$0xFF80]  }
0x277: {  	v62 =	vmul.f32 v58, v19;
	v49 =	vmul.f32 v63, v20;
	v61 =	vld [tilespmem:s25+$0x0];
	v41 =	vadd.f32 v41, v48  }
0x278: {  	v44 =	vmul.f32 v44, v21;
	v63 =	vld [tilespmem:s7+$0x10080];
	v57 =	vmul.f32 v59, v22  }
0x279: {  	v56 =	vld [tilespmem:s8+$0x10100];
	s25 =	sor.u32 s20, s29;
	v43 =	vmul.f32 v43, v23;
	v41 =	vadd.f32 v45, v41;
	v45 =	vadd.f32 v49, v62  }
0x27a: {  	s29 =	sor.u32 s2, s11;
	v48 =	vmul.f32 v60, v19;
	v58 =	vld [tilespmem:s25+$0x0];
	v47 =	vmul.f32 v47, v20  }
0x27b: {  	v43 =	vadd.f32 v43, v57;
	v59 =	vmul.f32 v50, v24;
	v50 =	vld [tilespmem:s29+$0x0];
	[tilespmem:s24+$0x17F80] =	vst v41;
	s24 =	sor.u32 s4, s5;
	v44 =	vadd.f32 v44, v45  }
0x27c: {  	s11 =	sor.u32 s4, s11;
	v47 =	vadd.f32 v47, v48;
	v60 =	vmul.f32 v61, v21;
	v52 =	vld [tilespmem:s24+$0x0]  }
0x27d: {  	p1 =	por !p1, !p1;
	s25 =	sor.u32 s17, s21;
	v43 =	vadd.f32 v59, v43;
	[tilespmem:s8+$0x18080] =	vst v44;
	v44 =	vld [tilespmem:s11+$0x0]  }
0x27e: {  	v42 =	vmul.f32 v42, v20;
	s29 =	sor.u32 s17, s12;
	v61 =	vmul.f32 v63, v19;
	s24 =	simm.s32 $0x1;
	s11 =	sor.u32 $0x12180, s28;
	v47 =	vadd.f32 v60, v47;
	v62 =	vld [tilespmem:s25+$0x0]  }
0x27f: {  	s24 =	simm.s32 @!p1 $0x0;
	v63 =	vld [tilespmem:s29+$0x0];
	[tilespmem:s10+$0x18100] =	vst v43;
	s25 =	sor.u32 s18, s11  }
0x280: {  	v57 =	vmul.f32 v58, v21;
	v42 =	vadd.f32 v42, v61;
	s24 =	sshll.u32 s24, $0x6;
	s29 =	sor.u32 s19, s21;
	[tilespmem:s3+$0x18080] =	vst v47;
	v58 =	vld [tilespmem:s25+$0x0]  }
0x281: {  	s10 =	sor.u32 $0x14180, s28;
	s5 =	sadd.s32 $0x200, s24;
	s25 =	sor.u32 $0x300, s23;
	v47 =	vld [tilespmem:s29+$0x0]  }
0x282: {  	v40 =	vmul.f32 v40, v32;
	v54 =	vmul.f32 v54, v33;
	v42 =	vadd.f32 v57, v42;
	s0 =	sadd.s32 $0x30, s5;
	v59 =	vld [tilespmem:s25+$0xFF80];
	s29 =	sor.u32 s18, s10  }
0x283: {  	v37 =	vmul.f32 v37, v31;
	s24 =	sor.u32 $0x200, s0;
	v61 =	vld [tilespmem:s29+$0x0]  }
0x284: {  	v41 =	vmul.f32 v56, v22;
	v40 =	vadd.f32 v40, v54;
	s21 =	sor.u32 s20, s21;
	[tilespmem:s7+$0x18080] =	vst v42;
	v60 =	vld [tilespmem:s24+$0xFF80];
	v51 =	vmul.f32 v62, v23  }
0x285: {  	s29 =	sor.u32 s19, s12;
	s12 =	sor.u32 s20, s12;
	v42 =	vld [tilespmem:s21+$0x0]  }
0x286: {  	v37 =	vadd.f32 v37, v40;
	v55 =	vld [tilespmem:s12+$0x0];
	v48 =	vmul.f32 v63, v24;
	v41 =	vadd.f32 v51, v41  }
0x287: {  	v62 =	vld [tilespmem:s3+$0x10100]  }
0x288: {  	v46 =	vmul.f32 v46, v32;
	[tilespmem:s14+$0x17F80] =	vst v37;
	s12 =	sor.u32 s13, s9;
	v63 =	vld [tilespmem:s7+$0x10100];
	v49 =	vmul.f32 v59, v33;
	v41 =	vadd.f32 v48, v41  }
0x289: {  	v40 =	vld [tilespmem:s12+$0x0];
	v45 =	vmul.f32 v58, v26;
	v43 =	vmul.f32 v60, v25  }
0x28a: {  	v58 =	vmul.f32 v50, v31;
	v51 =	vld [tilespmem:s29+$0x0];
	s29 =	sor.u32 s17, s11;
	v57 =	vadd.f32 v46, v49;
	[tilespmem:s8+$0x18100] =	vst v41  }
0x28b: {  	s21 =	sor.u32 $0x200, s5;
	v59 =	vmul.f32 v61, v27;
	v43 =	vadd.f32 v45, v43;
	v41 =	vld [tilespmem:s29+$0x0]  }
0x28c: {  	s16 =	sor.u32 $0x380, s16;
	v60 =	vadd.f32 v58, v57;
	v61 =	vld [tilespmem:s21+$0xFF80]  }
0x28d: {  	s14 =	sor.u32 s17, s10;
	v50 =	vld [tilespmem:s16+$0xFF80];
	v47 =	vmul.f32 v47, v23;
	v62 =	vmul.f32 v62, v22;
	v43 =	vadd.f32 v59, v43  }
0x28e: {  	s12 =	sor.u32 $0x12200, s28;
	v42 =	vmul.f32 v42, v23;
	v63 =	vmul.f32 v63, v22;
	s29 =	sor.u32 s2, s9;
	v53 =	vld [tilespmem:s14+$0x0];
	[tilespmem:s25+$0x17F80] =	vst v60  }
0x28f: {  	s8 =	sor.u32 $0x14200, s28;
	v47 =	vadd.f32 v47, v62;
	v54 =	vmul.f32 v51, v24;
	v49 =	vld [tilespmem:s29+$0x0];
	[tilespmem:s24+$0x17F80] =	vst v43;
	s24 =	sor.u32 s18, s12  }
0x290: {  	v55 =	vmul.f32 v55, v24;
	v37 =	vadd.f32 v42, v63;
	s25 =	sor.u32 s18, s8;
	v43 =	vld [tilespmem:s24+$0x0]  }
0x291: {  	v47 =	vadd.f32 v54, v47;
	v56 =	vld [tilespmem:s25+$0x0];
	s24 =	sor.u32 $0x300, s26;
	v46 =	vmul.f32 v61, v25;
	v41 =	vmul.f32 v41, v26  }
0x292: {  	s25 =	sor.u32 $0x280, s0;
	v57 =	vld [tilespmem:s24+$0xFF80]  }
0x293: {  	v37 =	vadd.f32 v55, v37;
	s29 =	sor.u32 s19, s11;
	[tilespmem:s3+$0x18100] =	vst v47;
	v58 =	vld [tilespmem:s25+$0xFF80];
	v45 =	vmul.f32 v53, v27;
	v41 =	vadd.f32 v41, v46  }
0x294: {  	v59 =	vld [tilespmem:s29+$0x0];
	s29 =	sor.u32 s19, s10  }
0x295: {  	s14 =	sor.u32 s20, s11;
	[tilespmem:s7+$0x18100] =	vst v37;
	v46 =	vld [tilespmem:s29+$0x0];
	v41 =	vadd.f32 v45, v41  }
0x296: {  	s10 =	sor.u32 s20, s10;
	v45 =	vld [tilespmem:s14+$0x0]  }
0x297: {  	s11 =	sor.u32 s17, s12;
	[tilespmem:s21+$0x17F80] =	vst v41;
	v41 =	vld [tilespmem:s10+$0x0];
	s10 =	sadd.s32 $0x10, s5  }
0x298: {  	v51 =	vld [tilespmem:s11+$0x0];
	s29 =	sor.u32 $0x200, s10  }
0x299: {  	v61 =	vmul.f32 v52, v32;
	s14 =	sor.u32 s17, s8;
	v60 =	vmul.f32 v57, v33;
	v62 =	vld [tilespmem:s29+$0xFF80]  }
0x29a: {  	s3 =	sor.u32 $0x280, s5;
	v43 =	vmul.f32 v43, v29;
	v42 =	vmul.f32 v58, v28;
	s11 =	sadd.s32 $0x20, s5;
	v52 =	vld [tilespmem:s14+$0x0]  }
0x29b: {  	v44 =	vmul.f32 v44, v31;
	v47 =	vadd.f32 v61, v60;
	v57 =	vld [tilespmem:s3+$0xFF80];
	s7 =	sor.u32 $0x200, s11  }
0x29c: {  	s15 =	sor.u32 s15, s15;
	s13 =	sor.u32 s13, s6;
	v56 =	vmul.f32 v56, v30;
	v42 =	vadd.f32 v43, v42;
	v63 =	vld [tilespmem:s7+$0xFF80]  }
0x29d: {  	s14 =	sor.u32 $0x380, s15;
	v61 =	vmul.f32 v46, v27;
	v46 =	vld [tilespmem:s13+$0x0];
	v44 =	vadd.f32 v44, v47  }
0x29e: {  	s31 =	sor.u32 $0x380, s23;
	v37 =	vmul.f32 v59, v26;
	v47 =	vld [tilespmem:s14+$0xFF80];
	v42 =	vadd.f32 v56, v42;
	v58 =	vmul.f32 v62, v25  }
0x29f: {  	s21 =	sor.u32 s4, s9;
	s9 =	sor.u32 $0x12280, s28;
	v60 =	vmul.f32 v45, v26;
	v45 =	vld [tilespmem:s31+$0xFF80];
	[tilespmem:s24+$0x17F80] =	vst v44  }
0x2a0: {  	[tilespmem:s25+$0x17F80] =	vst v42;
	s24 =	sor.u32 s18, s9;
	v44 =	vld [tilespmem:s21+$0x0];
	v37 =	vadd.f32 v37, v58  }
0x2a1: {  	v53 =	vld [tilespmem:s24+$0x0];
	s21 =	sor.u32 $0x300, s0;
	v59 =	vmul.f32 v63, v25  }
0x2a2: {  	s30 =	sor.u32 $0x380, s26;
	s15 =	sor.u32 $0x14280, s28;
	v63 =	vld [tilespmem:s21+$0xFF80];
	v37 =	vadd.f32 v61, v37  }
0x2a3: {  	v36 =	vbroadcast v36, $0x7;
	s25 =	sor.u32 s18, s15;
	v41 =	vmul.f32 v41, v27;
	v55 =	vld [tilespmem:s30+$0xFF80];
	v42 =	vadd.f32 v60, v59  }
0x2a4: {  	s13 =	sor.u32 $0x280, s10;
	v43 =	vmul.f32 v57, v28;
	v51 =	vmul.f32 v51, v29;
	v62 =	vld [tilespmem:s25+$0x0];
	[tilespmem:s29+$0x17F80] =	vst v37  }
0x2a5: {  	v38 =	vmul.f32 v38, v36;
	v41 =	vadd.f32 v41, v42;
	s29 =	sor.u32 s19, s12;
	v56 =	vld [tilespmem:s13+$0xFF80]  }
0x2a6: {  	v57 =	vmul.f32 v52, v30;
	s24 =	sor.u32 s19, s8;
	v58 =	vadd.f32 v51, v43;
	v60 =	vmul.f32 v53, v32;
	v59 =	vld [tilespmem:s29+$0x0]  }
0x2a7: {  	v37 =	vbroadcast v34, $0x7;
	s12 =	sor.u32 s20, s12;
	v48 =	vmul.f32 v63, v33;
	[tilespmem:s7+$0x17F80] =	vst v41;
	v51 =	vld [tilespmem:s24+$0x0]  }
0x2a8: {  	v40 =	vmul.f32 v40, v36;
	v34 =	vbroadcast v35, $0x7;
	v35 =	vadd.f32 v57, v58;
	s7 =	sor.u32 $0x280, s11;
	v52 =	vld [tilespmem:s12+$0x0]  }
0x2a9: {  	s8 =	sor.u32 s20, s8;
	v62 =	vmul.f32 v62, v31;
	v50 =	vmul.f32 v50, v37;
	v61 =	vld [tilespmem:s7+$0xFF80];
	v48 =	vadd.f32 v60, v48  }
0x2aa: {  	s26 =	sor.u32 s17, s9;
	v39 =	vmul.f32 v39, v34;
	v47 =	vmul.f32 v47, v37;
	[tilespmem:s3+$0x17F80] =	vst v35;
	v63 =	vld [tilespmem:s8+$0x0]  }
0x2ab: {  	s23 =	sor.u32 s2, s6;
	s2 =	sor.u32 s4, s6;
	s6 =	sor.u32 $0x300, s5;
	v46 =	vmul.f32 v46, v34;
	v58 =	vld [tilespmem:s26+$0x0];
	v38 =	vadd.f32 v38, v50;
	v48 =	vadd.f32 v62, v48  }
0x2ac: {  	s4 =	simm.s32 $0x4;
	s5 =	sor.u32 $0x380, s0;
	s29 =	sor.u32 s17, s15;
	v50 =	vld [tilespmem:s6+$0xFF80];
	v40 =	vadd.f32 v40, v47;
	v56 =	vmul.f32 v56, v28;
	v57 =	vmul.f32 v59, v29  }
0x2ad: {  	s25 =	sor.u32 s1, s22;
	s22 =	sor.u32 s19, s15;
	s24 =	sor.u32 $0x12300, s28;
	v38 =	vadd.f32 v39, v38;
	v59 =	vld [tilespmem:s29+$0x0]  }
0x2ae: {  	s8 =	sor.u32 s18, s24;
	s26 =	sor.u32 $0x14300, s28;
	s28 =	sor.u32 s19, s24;
	[tilespmem:s21+$0x17F80] =	vst v48;
	v51 =	vmul.f32 v51, v30;
	v46 =	vadd.f32 v46, v40;
	v40 =	vld [tilespmem:s23+$0x0];
	v42 =	vadd.f32 v57, v56  }
0x2af: {  	v49 =	vmul.f32 v49, v36;
	s25 =	sor.u32 $0x380, s25;
	v44 =	vmul.f32 v44, v36;
	s3 =	sor.u32 s19, s9;
	v39 =	vld [tilespmem:s8+$0x0];
	[dreg:$0x18] =	wrdreg s28  }
0x2b0: {  	s12 =	sor.u32 s20, s9;
	s9 =	sor.u32 s17, s24;
	s21 =	sor.u32 s20, s15;
	v60 =	vmul.f32 v61, v28;
	v61 =	vmul.f32 v52, v29;
	[tilespmem:s16+$0x17F80] =	vst v38;
	v51 =	vadd.f32 v51, v42  }
0x2b1: {  	v45 =	vmul.f32 v45, v37;
	v62 =	vmul.f32 v55, v37;
	s29 =	sor.u32 s18, s26;
	s15 =	sor.u32 s19, s26;
	s19 =	sor.u32 $0x300, s10;
	[tilespmem:s14+$0x17F80] =	vst v46  }
0x2b2: {  	v63 =	vmul.f32 v63, v30;
	v41 =	vld [tilespmem:s29+$0x0];
	s14 =	sor.u32 $0x380, s10;
	s10 =	sor.u32 $0x300, s11;
	s11 =	sor.u32 $0x380, s11;
	v47 =	vadd.f32 v61, v60;
	[tilespmem:s13+$0x17F80] =	vst v51  }
0x2b3: {  	s0 =	sor.u32 s20, s26;
	v35 =	vadd.f32 v49, v45;
	s18 =	sor.u32 s20, s24;
	v38 =	vadd.f32 v44, v62;
	v46 =	vmul.f32 v58, v32;
	v42 =	vld [tilespmem:s5+$0xFF80];
	[dreg:$0x10] =	wrdreg s11  }
0x2b4: {  	s20 =	simm.s32 $0x80;
	s16 =	sor.u32 s17, s26;
	s17 =	smov.u32 s25;
	v45 =	vmul.f32 v50, v33;
	v47 =	vadd.f32 v63, v47;
	v44 =	vmul.f32 v59, v31;
	v43 =	vld [tilespmem:s2+$0x0]  }
.LBB2_5:
0x2b5: {  	s24 =	sand.u32 $0x40, s20;
	v63 =	vld [tilespmem:s19+$0xFF80];
	s1 =	sadd.s32 $0x200, s1  }
0x2b6: {  	v45 =	vadd.f32 v46, v45;
	[tilespmem:s7+$0x17F80] =	vst v47;
	v52 =	vld [tilespmem:s3+$0x0];
	s23 =	sand.u32 $0x1C00, s1;
	s28 =	sor.u32 $0x30, s24  }
0x2b7: {  	[dreg:$0xf] =	wrdreg s16;
	v40 =	vmul.f32 v40, v34;
	v53 =	vld [tilespmem:s10+$0xFF80];
	s16 =	sadd.s32 $0x11F80, s23;
	s7 =	sor.u32 s23, s28  }
0x2b8: {  	[dreg:$0x1c] =	wrdreg s18;
	v44 =	vadd.f32 v44, v45;
	s13 =	sadd.s32 $0x13F80, s23;
	v48 =	vld [tilespmem:s7+$0xFF80];
	s18 =	sor.u32 s28, s16  }
0x2b9: {  	[dreg:$0x14] =	wrdreg s10;
	v55 =	vmul.f32 v43, v34;
	v35 =	vadd.f32 v40, v35;
	s10 =	sor.u32 s28, s13;
	v54 =	vld [tilespmem:s18+$0x0]  }
0x2ba: {  	s25 =	sor.u32 $0x10, s24;
	s2 =	sor.u32 s24, s16;
	[tilespmem:s6+$0x17F80] =	vst v44;
	v58 =	vld [tilespmem:s10+$0x0]  }
0x2bb: {  	s11 =	sor.u32 s23, s25;
	v40 =	vadd.f32 v55, v38;
	[tilespmem:s31+$0x17F80] =	vst v35;
	v56 =	vld [tilespmem:s2+$0x0]  }
0x2bc: {  	s26 =	sor.u32 $0x20, s24;
	s8 =	sor.u32 s25, s16;
	v60 =	vld [tilespmem:s11+$0xFF80]  }
0x2bd: {  	v42 =	vmul.f32 v42, v37;
	s29 =	sor.u32 s23, s26;
	[tilespmem:s30+$0x17F80] =	vst v40;
	v61 =	vld [tilespmem:s8+$0x0]  }
0x2be: {  	v39 =	vmul.f32 v39, v36;
	v41 =	vmul.f32 v41, v34;
	s3 =	sor.u32 s24, s23;
	v40 =	vld [tilespmem:s29+$0xFF80]  }
0x2bf: {  	[dreg:$0xa] =	wrdreg s0;
	s0 =	sor.u32 s26, s16;
	v57 =	vmul.f32 v63, v33;
	v59 =	vmul.f32 v52, v32;
	v52 =	vld [tilespmem:s3+$0xFF80]  }
0x2c0: {  	v39 =	vadd.f32 v39, v42;
	s6 =	sor.u32 s24, s13;
	v63 =	vld [tilespmem:s0+$0x0];
	v62 =	vmul.f32 v48, v13;
	v42 =	vmul.f32 v54, v14  }
0x2c1: {  	s18 =	sor.u32 s25, s13;
	s13 =	sor.u32 s26, s13;
	v38 =	vmul.f32 v53, v33;
	v53 =	vld [tilespmem:s6+$0x0]  }
0x2c2: {  	v39 =	vadd.f32 v41, v39;
	v55 =	vld [tilespmem:s13+$0x0];
	v41 =	vmul.f32 v58, v15;
	v42 =	vadd.f32 v42, v62  }
0x2c3: {  	v54 =	vld [tilespmem:s18+$0x0];
	v43 =	vmul.f32 v56, v14  }
0x2c4: {  	v49 =	vld [tilespmem:s11+$0x10000];
	v47 =	vmul.f32 v60, v13;
	v46 =	vmul.f32 v52, v13;
	v41 =	vadd.f32 v41, v42  }
0x2c5: {  	v51 =	vld [tilespmem:s3+$0x10080];
	[tilespmem:s5+$0x17F80] =	vst v39;
	s5 =	smov.u32 s14;
	s14 =	sor.u32 $0x12000, s23;
	v40 =	vmul.f32 v40, v13;
	v45 =	vmul.f32 v63, v14  }
0x2c6: {  	[dreg:$0xb] =	wrdreg s15;
	s16 =	sor.u32 s1, s20;
	s15 =	sor.u32 s28, s14;
	v39 =	vmul.f32 v61, v14;
	v56 =	vld [tilespmem:s7+$0x10000];
	v44 =	vmul.f32 v53, v15;
	v43 =	vadd.f32 v43, v46;
	[tilespmem:s7+$0x17F80] =	vst v41  }
0x2c7: {  	s2 =	sor.u32 $0x380, s16;
	s8 =	rddreg [dreg:$0x10];
	s16 =	sor.u32 $0x14000, s23;
	v35 =	vadd.f32 v59, v57;
	v40 =	vadd.f32 v45, v40;
	v42 =	vmul.f32 v55, v15;
	v57 =	vld [tilespmem:s15+$0x0]  }
0x2c8: {  	s10 =	smov.u32 s8;
	s8 =	sor.u32 s28, s16;
	v60 =	vld [tilespmem:s29+$0x10000];
	v39 =	vadd.f32 v39, v47;
	v58 =	vmul.f32 v54, v15;
	v43 =	vadd.f32 v44, v43  }
0x2c9: {  	v40 =	vadd.f32 v42, v40;
	v59 =	vld [tilespmem:s8+$0x0]  }
0x2ca: {  	[dreg:$0xe] =	wrdreg s2;
	s2 =	sor.u32 s24, s14;
	v61 =	vld [tilespmem:s3+$0x10000];
	v39 =	vadd.f32 v58, v39;
	[tilespmem:s3+$0x17F80] =	vst v43  }
0x2cb: {  	s0 =	sor.u32 s26, s14;
	v53 =	vld [tilespmem:s2+$0x0];
	[tilespmem:s29+$0x17F80] =	vst v40  }
0x2cc: {  	[dreg:$0x17] =	wrdreg s5;
	s5 =	sor.u32 s25, s14;
	v41 =	vmul.f32 v56, v16;
	[tilespmem:s11+$0x17F80] =	vst v39;
	v58 =	vld [tilespmem:s0+$0x0];
	v63 =	vmul.f32 v57, v17  }
0x2cd: {  	v56 =	vld [tilespmem:s5+$0x0]  }
0x2ce: {  	s18 =	sor.u32 s24, s16;
	v62 =	vld [tilespmem:s11+$0x10080];
	v55 =	vmul.f32 v59, v18;
	v54 =	vadd.f32 v63, v41  }
0x2cf: {  	s13 =	sor.u32 s25, s16;
	v59 =	vld [tilespmem:s18+$0x0]  }
0x2d0: {  	v44 =	vmul.f32 v61, v16;
	v50 =	vld [tilespmem:s13+$0x0];
	v39 =	vadd.f32 v55, v54  }
0x2d1: {  	[dreg:$0x16] =	wrdreg s10;
	s10 =	sor.u32 s26, s16;
	s14 =	sor.u32 $0x12080, s23;
	v57 =	vmul.f32 v60, v16;
	v60 =	vld [tilespmem:s7+$0x10080];
	v61 =	vmul.f32 v53, v17  }
0x2d2: {  	s15 =	sor.u32 s28, s14;
	v46 =	vmul.f32 v58, v17;
	v42 =	vmul.f32 v56, v17;
	v56 =	vld [tilespmem:s10+$0x0];
	[tilespmem:s7+$0x18000] =	vst v39  }
0x2d3: {  	s16 =	sor.u32 $0x14080, s23;
	v45 =	vmul.f32 v62, v19;
	v62 =	vld [tilespmem:s15+$0x0]  }
0x2d4: {  	s8 =	sor.u32 s28, s16;
	v44 =	vadd.f32 v61, v44;
	v40 =	vadd.f32 v46, v57;
	v57 =	vld [tilespmem:s11+$0x10100];
	v41 =	vmul.f32 v59, v18  }
0x2d5: {  	v43 =	vmul.f32 v49, v16;
	v63 =	vld [tilespmem:s8+$0x0]  }
0x2d6: {  	v52 =	vld [tilespmem:s29+$0x10080];
	v41 =	vadd.f32 v41, v44  }
0x2d7: {  	v42 =	vadd.f32 v42, v43;
	v59 =	vmul.f32 v50, v18;
	v39 =	vmul.f32 v60, v19;
	v60 =	vld [tilespmem:s29+$0x10100]  }
0x2d8: {  	s6 =	sor.u32 s24, s14;
	v43 =	vmul.f32 v56, v18;
	v56 =	vld [tilespmem:s12+$0x0];
	[tilespmem:s3+$0x18000] =	vst v41;
	v58 =	vmul.f32 v62, v20  }
0x2d9: {  	v42 =	vadd.f32 v59, v42;
	v41 =	vmul.f32 v57, v22;
	v62 =	vld [tilespmem:s6+$0x0]  }
0x2da: {  	s18 =	sor.u32 s24, s16;
	v57 =	vld [tilespmem:s7+$0x10100];
	v55 =	vadd.f32 v43, v40;
	v61 =	vmul.f32 v63, v21;
	v39 =	vadd.f32 v58, v39  }
0x2db: {  	s5 =	sor.u32 s25, s14;
	[tilespmem:s11+$0x18000] =	vst v42;
	v54 =	vld [tilespmem:s18+$0x0]  }
0x2dc: {  	s2 =	sor.u32 s26, s14;
	v59 =	vld [tilespmem:s5+$0x0];
	[tilespmem:s29+$0x18000] =	vst v55;
	v39 =	vadd.f32 v61, v39  }
0x2dd: {  	s13 =	sor.u32 s25, s16;
	s10 =	sor.u32 $0x12100, s23;
	v61 =	vld [tilespmem:s2+$0x0]  }
0x2de: {  	s14 =	sor.u32 s26, s16;
	s16 =	sor.u32 $0x14100, s23;
	s12 =	sor.u32 s28, s10;
	v46 =	vmul.f32 v62, v20;
	v62 =	vld [tilespmem:s13+$0x0];
	[tilespmem:s7+$0x18080] =	vst v39  }
0x2df: {  	s18 =	sor.u32 s28, s16;
	v63 =	vmul.f32 v51, v19;
	v58 =	vld [tilespmem:s12+$0x0]  }
0x2e0: {  	v40 =	vmul.f32 v60, v22;
	v60 =	vld [tilespmem:s18+$0x0]  }
0x2e1: {  	v49 =	vmul.f32 v54, v21;
	v46 =	vadd.f32 v46, v63;
	v63 =	vld [tilespmem:s14+$0x0]  }
0x2e2: {  	v47 =	vmul.f32 v52, v19  }
0x2e3: {  	v52 =	vld [tilespmem:s3+$0x10100];
	v43 =	vmul.f32 v56, v32;
	v50 =	vmul.f32 v59, v20;
	v46 =	vadd.f32 v49, v46  }
0x2e4: {  	[dreg:$0x19] =	wrdreg s17;
	v53 =	vld [tilespmem:s22+$0x0];
	v39 =	vmul.f32 v57, v22;
	v48 =	vmul.f32 v61, v20  }
0x2e5: {  	p1 =	por !p1, !p1;
	[dreg:$0x6] =	wrdreg s1;
	s15 =	sor.u32 s24, s10;
	v56 =	vld [tilespmem:s21+$0x0];
	v45 =	vadd.f32 v50, v45;
	[tilespmem:s3+$0x18080] =	vst v46;
	v42 =	vmul.f32 v58, v23;
	v58 =	vmul.f32 v62, v21  }
0x2e6: {  	s0 =	sor.u32 s25, s10;
	s8 =	sor.u32 s24, s16;
	s2 =	simm.s32 $0x1;
	v59 =	vadd.f32 v48, v47;
	v55 =	vmul.f32 v60, v24;
	v46 =	vld [tilespmem:s15+$0x0];
	v60 =	vmul.f32 v63, v21  }
0x2e7: {  	s22 =	sor.u32 $0x12180, s23;
	s6 =	sor.u32 s26, s10;
	s2 =	simm.s32 @!p1 $0x0;
	v57 =	vld [tilespmem:s8+$0x0];
	v39 =	vadd.f32 v42, v39;
	v45 =	vadd.f32 v58, v45  }
0x2e8: {  	s10 =	sor.u32 s25, s16;
	s2 =	sshll.u32 s2, $0x6;
	s12 =	sor.u32 s26, s16;
	v61 =	vld [tilespmem:s17+$0xFF80];
	v42 =	vadd.f32 v60, v59  }
0x2e9: {  	s14 =	sadd.s32 s2, s1;
	s16 =	sor.u32 s28, s22;
	s1 =	sor.u32 s24, s22;
	v62 =	vld [tilespmem:s9+$0x0];
	v63 =	vmul.f32 v53, v31;
	v39 =	vadd.f32 v55, v39;
	[tilespmem:s11+$0x18080] =	vst v45  }
0x2ea: {  	s30 =	sadd.s32 $0x10, s14;
	s18 =	sadd.s32 $0x20, s14;
	s5 =	sadd.s32 $0x30, s14;
	[tilespmem:s29+$0x18080] =	vst v42;
	v55 =	vld [tilespmem:s0+$0x0]  }
0x2eb: {  	v38 =	vadd.f32 v43, v38;
	v43 =	vmul.f32 v56, v31;
	s2 =	sor.u32 $0x200, s5;
	s8 =	sor.u32 $0x200, s14;
	s15 =	sor.u32 $0x14180, s23;
	v35 =	vadd.f32 v63, v35;
	v59 =	vld [tilespmem:s6+$0x0];
	[tilespmem:s7+$0x18100] =	vst v39  }
0x2ec: {  	v44 =	vmul.f32 v52, v22;
	s17 =	sor.u32 s25, s22;
	s0 =	sor.u32 s26, s22;
	s22 =	sor.u32 $0x280, s30;
	v52 =	vld [tilespmem:s2+$0xFF80]  }
0x2ed: {  	v38 =	vadd.f32 v43, v38;
	v46 =	vmul.f32 v46, v23;
	[tilespmem:s19+$0x17F80] =	vst v35;
	s6 =	sor.u32 $0x300, s14;
	s7 =	sor.u32 s28, s15;
	[dreg:$0x1f] =	wrdreg s22;
	v53 =	vld [tilespmem:s16+$0x0]  }
0x2ee: {  	v58 =	vmul.f32 v61, v37;
	s22 =	rddreg [dreg:$0x14];
	v61 =	vld [tilespmem:s10+$0x0];
	s16 =	sor.u32 $0x280, s14;
	s14 =	sor.u32 $0x380, s30  }
0x2ef: {  	v54 =	vmul.f32 v57, v24;
	v56 =	vadd.f32 v46, v44;
	v57 =	vld [tilespmem:s7+$0x0];
	[tilespmem:s22+$0x17F80] =	vst v38;
	s22 =	sor.u32 $0x380, s18;
	[smem:$0x7F6] =	sst s14  }
0x2f0: {  	v39 =	vmul.f32 v62, v36;
	[dreg:$0x10] =	wrdreg s22  }
0x2f1: {  	v62 =	vld [tilespmem:s12+$0x0];
	s22 =	rddreg [dreg:$0x16];
	v60 =	vadd.f32 v54, v56;
	v63 =	vmul.f32 v55, v23;
	v35 =	vmul.f32 v59, v23  }
0x2f2: {  	s14 =	rddreg [dreg:$0x17];
	v59 =	vld [tilespmem:s22+$0xFF80];
	v47 =	vmul.f32 v52, v25;
	v45 =	vmul.f32 v53, v26  }
0x2f3: {  	[tilespmem:s3+$0x18100] =	vst v60;
	v42 =	vmul.f32 v61, v24;
	v52 =	vld [tilespmem:s14+$0xFF80];
	v38 =	vadd.f32 v63, v41  }
0x2f4: {  	v53 =	vld [tilespmem:s8+$0xFF80];
	v43 =	vmul.f32 v57, v27;
	v45 =	vadd.f32 v45, v47  }
0x2f5: {  	s31 =	sor.u32 s24, s15;
	v54 =	vld [tilespmem:s1+$0x0];
	v38 =	vadd.f32 v42, v38  }
0x2f6: {  	s12 =	rddreg [dreg:$0x18];
	v55 =	vld [tilespmem:s31+$0x0];
	v43 =	vadd.f32 v43, v45  }
0x2f7: {  	s21 =	sor.u32 $0x200, s30;
	v39 =	vadd.f32 v39, v58;
	v57 =	vld [tilespmem:s12+$0x0];
	[tilespmem:s11+$0x18100] =	vst v38  }
0x2f8: {  	s3 =	sor.u32 $0x280, s5;
	v35 =	vadd.f32 v35, v40;
	s1 =	sor.u32 $0x12200, s23;
	v56 =	vmul.f32 v62, v24;
	v58 =	vmul.f32 v52, v37;
	v52 =	vld [tilespmem:s21+$0xFF80];
	[tilespmem:s2+$0x17F80] =	vst v43  }
0x2f9: {  	s9 =	sor.u32 $0x200, s18;
	s2 =	sor.u32 s28, s1;
	v61 =	vld [tilespmem:s3+$0xFF80]  }
0x2fa: {  	s10 =	sor.u32 $0x300, s18;
	s7 =	sor.u32 $0x280, s18;
	s18 =	sor.u32 $0x14200, s23;
	v35 =	vadd.f32 v56, v35;
	v60 =	vmul.f32 v53, v25;
	v63 =	vld [tilespmem:s2+$0x0]  }
0x2fb: {  	s19 =	sor.u32 $0x300, s30;
	s30 =	sor.u32 s28, s18;
	v62 =	vmul.f32 v54, v26;
	v41 =	vmul.f32 v55, v27;
	v55 =	vld [tilespmem:s17+$0x0]  }
0x2fc: {  	[tilespmem:s29+$0x18100] =	vst v35;
	v54 =	vld [tilespmem:s30+$0x0]  }
0x2fd: {  	s13 =	sor.u32 s25, s15;
	v56 =	vld [tilespmem:s9+$0xFF80];
	v53 =	vadd.f32 v62, v60  }
0x2fe: {  	v45 =	vmul.f32 v57, v36;
	v43 =	vmul.f32 v59, v37;
	v59 =	vld [tilespmem:s13+$0x0]  }
0x2ff: {  	s15 =	sor.u32 s26, s15;
	v57 =	vld [tilespmem:s0+$0x0];
	v41 =	vadd.f32 v41, v53;
	v40 =	vmul.f32 v61, v28;
	v38 =	vmul.f32 v63, v29  }
0x300: {  	s30 =	smov.u32 s22;
	v35 =	vadd.f32 v45, v58;
	v60 =	vld [tilespmem:s15+$0x0];
	s22 =	rddreg [dreg:$0x1c];
	v58 =	vmul.f32 v52, v25  }
0x301: {  	v53 =	vld [tilespmem:s22+$0x0];
	v46 =	vmul.f32 v55, v26;
	[tilespmem:s8+$0x17F80] =	vst v41;
	v61 =	vmul.f32 v54, v30;
	v38 =	vadd.f32 v38, v40  }
0x302: {  	s12 =	sor.u32 s24, s1;
	v62 =	vld [tilespmem:s16+$0xFF80]  }
0x303: {  	s31 =	sor.u32 s25, s1;
	s11 =	sor.u32 s26, s1;
	s1 =	sor.u32 s24, s18;
	v45 =	vmul.f32 v59, v27;
	v63 =	vld [tilespmem:s12+$0x0];
	v41 =	vadd.f32 v46, v58;
	v38 =	vadd.f32 v61, v38  }
0x304: {  	s29 =	sor.u32 s26, s18;
	s8 =	rddreg [dreg:$0xf];
	v52 =	vld [tilespmem:s1+$0x0]  }
0x305: {  	s13 =	sor.u32 $0x300, s5;
	s2 =	sor.u32 s25, s18;
	s18 =	sor.u32 $0x12280, s23;
	v48 =	vmul.f32 v56, v25;
	v42 =	vmul.f32 v57, v26;
	v58 =	vld [tilespmem:s8+$0x0];
	v41 =	vadd.f32 v45, v41;
	[tilespmem:s3+$0x17F80] =	vst v38  }
0x306: {  	s0 =	sor.u32 s28, s18;
	v55 =	vld [tilespmem:s13+$0xFF80]  }
0x307: {  	s17 =	sor.u32 $0x14280, s23;
	s15 =	sor.u32 s24, s18;
	v54 =	vmul.f32 v60, v27;
	s8 =	rddreg [dreg:$0x1f];
	v42 =	vadd.f32 v42, v48;
	[tilespmem:s21+$0x17F80] =	vst v41;
	v56 =	vld [tilespmem:s0+$0x0]  }
0x308: {  	s12 =	sor.u32 s26, s18;
	v44 =	vmul.f32 v62, v28;
	v57 =	vmul.f32 v63, v29;
	v60 =	vld [tilespmem:s8+$0xFF80];
	s3 =	sor.u32 s25, s18;
	s18 =	sor.u32 s28, s17  }
0x309: {  	v42 =	vadd.f32 v54, v42;
	v59 =	vld [tilespmem:s18+$0x0]  }
0x30a: {  	v40 =	vmul.f32 v52, v30;
	v61 =	vld [tilespmem:s31+$0x0];
	v44 =	vadd.f32 v57, v44  }
0x30b: {  	[tilespmem:s9+$0x17F80] =	vst v42;
	v46 =	vmul.f32 v58, v34;
	v52 =	vld [tilespmem:s2+$0x0]  }
0x30c: {  	v62 =	vld [tilespmem:s7+$0xFF80];
	v40 =	vadd.f32 v40, v44;
	v47 =	vmul.f32 v55, v33;
	v45 =	vmul.f32 v56, v32  }
0x30d: {  	s4 =	sadd.s32 $0x4, s4;
	s22 =	sor.u32 s25, s17;
	v38 =	vmul.f32 v53, v36;
	v63 =	vld [tilespmem:s11+$0x0]  }
0x30e: {  	s1 =	sor.u32 s24, s17;
	s21 =	sor.u32 s26, s17;
	s17 =	rddreg [dreg:$0x19];
	v39 =	vadd.f32 v46, v39;
	[tilespmem:s16+$0x17F80] =	vst v40;
	v41 =	vmul.f32 v59, v31;
	v55 =	vld [tilespmem:s29+$0x0];
	v53 =	vadd.f32 v45, v47  }
0x30f: {  	p2 =	slt.u32 s4, $0x3C;
	s18 =	rddreg [dreg:$0xe];
	v56 =	vld [tilespmem:s6+$0xFF80];
	s29 =	sor.u32 $0x12300, s23  }
0x310: {  	v54 =	vmul.f32 v60, v28;
	v42 =	vmul.f32 v61, v29;
	v57 =	vld [tilespmem:s15+$0x0];
	[tilespmem:s17+$0x17F80] =	vst v39;
	s17 =	smov.u32 s18;
	s9 =	sor.u32 s24, s29;
	s2 =	sor.u32 s25, s29;
	v41 =	vadd.f32 v41, v53  }
0x311: {  	v38 =	vadd.f32 v38, v43;
	v44 =	vmul.f32 v62, v28;
	v58 =	vld [tilespmem:s1+$0x0];
	s11 =	sor.u32 s28, s29;
	s18 =	sor.u32 s26, s29;
	s29 =	rddreg [dreg:$0xa]  }
.Ltmp4:
0x312: {  	s5 =	sor.u32 $0x380, s5;
	v60 =	vmul.f32 v63, v29;
	v40 =	vmul.f32 v52, v30;
	v59 =	vadd.f32 v42, v54;
	v43 =	vld [tilespmem:s29+$0x0];
	[tilespmem:s13+$0x17F80] =	vst v41;
	(pc) =	sbr.rel @p2 .LBB2_5-.Ltmp4, $4  }
0x313: {  	s31 =	smov.u32 s14;
	s14 =	sld [smem:$0x7F6];
	s13 =	sor.u32 $0x14300, s23;
	v42 =	vld [tilespmem:s5+$0xFF80]  }
0x314: {  	s20 =	sadd.s32 $0x40, s20;
	v61 =	vadd.f32 v60, v44;
	v63 =	vadd.f32 v40, v59;
	v62 =	vmul.f32 v55, v30;
	v39 =	vld [tilespmem:s11+$0x0];
	s16 =	sor.u32 s24, s13;
	s24 =	rddreg [dreg:$0xb]  }
0x315: {  	s1 =	rddreg [dreg:$0x6];
	v45 =	vmul.f32 v56, v33;
	s23 =	sor.u32 s28, s13;
	s28 =	sor.u32 s26, s13;
	v40 =	vld [tilespmem:s24+$0x0]  }
0x316: {  	[dreg:$0x18] =	wrdreg s2;
	v46 =	vmul.f32 v57, v32;
	v44 =	vmul.f32 v58, v31;
	s15 =	sor.u32 s25, s13;
	v47 =	vadd.f32 v62, v61;
	v41 =	vld [tilespmem:s23+$0x0];
	[tilespmem:s8+$0x17F80] =	vst v63;
	s0 =	smov.u32 s28  }
.Ltmp5:
0x317: {  	_ = 	snop;
	(pc) =	sbr.rel .LBB2_6-.Ltmp5, $1  }
0x318: {  	_ =	sdelay $0x3  }
.LBB2_8:
0x319: {  	_ =	sfence.sel $0x180000  }
0x31a: {  	[bflag:$0x0] =	sbarrier.arrive $0xFFFF  }
0x31b: {  	_ =	strace $0x90000047  }
0x31c: {  	s0 =	stileid.u32;
	[bflag:$0x2] =	sbarrier.arrive $0xFFFF  }
0x31d: {  	p0 =	sne.s32 s0, $0x0;
	s0 =	rddreg [dreg:$0x5]  }
0x31e: {  	s0 =	sadd.s32 @!p0 $0x100000, s0  }
0x31f: {  	[sflag:s0] =	ssyncadd.tile.s32 @!p0 $0x1;
	_ =	shalt  }
.Lfunc_end2:
_tile_overlayer_lowered:
.L_overlay_start_2:
0x320: {  	(tag) =	ssettag $0x2  }
0x321: {  	s0 =	rddreg [dreg:$0x0];
	s2 =	stileid.u32  }
0x322: {  	s1 =	rddreg [dreg:$0x1];
	p0 =	sne.s32 s2, $0x0  }
0x323: {  	s3 =	rddreg [dreg:$0x2];
	[bflag:$0x3] =	sbarrier.arrive $0xFFFF;
	s2 =	simm.s32 @!p0 $0x1C06  }
0x324: {  	[timem:s3], [sflag:s2] =	dma.local @!p0 [hbm:s0], s1  }
0x325: {  	s0 =	simm.s32 @!p0 $0x6  }
0x326: {  	_ =	swait.ge @!p0 [sflag:s0], s1  }
0x327: {  	s1 =	ssub.s32 @!p0 $0x0, s1;
	[sflag:s0] =	ssyncset.done @!p0 $0x0  }
0x328: {  	[sflag:s0] =	ssyncadd.s32 @!p0 s1  }
0x329: {  	[bflag:$0x3] =	sbarrier.arrive $0xFFFF  }
0x32a: {  	_ =	shalt  }

</sc_bundles>
